<compile_context>
chip_gen: v7x
topology: tpu7x:2x2x1
jax: 0.10.2.dev20260603
libtpu: 0.0.44.dev20260713+nightly
codegen_flags: <defaults>
</compile_context>

<pallas_src>
import functools

import jax
import jax.numpy as jnp
from jax import lax
from jax.experimental import pallas as pl
from jax.experimental.pallas import tpu as pltpu
from jax.experimental.pallas import tpu_sc as plsc

B = 16
S = 768
H = 768
MAX_SEG = 256
OUT_ROWS_PER_B = MAX_SEG + S
NC, NS = 2, 16
BPC = B // NC
TPT = S // 2
WCH = 64
NWC = TPT // WCH
SCH = 128
NSC = TPT // SCH

_mesh = plsc.VectorSubcoreMesh(core_axis_name="c", subcore_axis_name="s")


@functools.partial(
    pl.kernel,
    mesh=_mesh,
    out_type=jax.ShapeDtypeStruct((B * S, H), jnp.float32),
    scratch_types=[
        pltpu.VMEM((WCH, H), jnp.float32),
        pltpu.VMEM((WCH, H), jnp.float32),
        pltpu.VMEM((TPT,), jnp.int32),
        pltpu.SemaphoreType.DMA,
        pltpu.SemaphoreType.DMA,
        pltpu.SemaphoreType.DMA,
        pltpu.SemaphoreType.DMA,
    ],
)
def _sc_words(ids_f, word_table, wemb, wrows0, wrows1, wid_idx,
              gsem0, gsem1, wsem0, wsem1):
  cid = lax.axis_index("c")
  sid = lax.axis_index("s")
  b = cid * BPC + sid // 2
  half = sid % 2
  tok0 = b * S + half * TPT
  pltpu.sync_copy(ids_f.at[pl.ds(tok0, TPT)], wid_idx)

  wbufs = (wrows0, wrows1)
  gsems = (gsem0, gsem1)
  wsems = (wsem0, wsem1)
  gh = [None] * NWC
  wh = [None] * NWC
  gh[0] = pltpu.async_copy(
      word_table.at[wid_idx.at[pl.ds(0, WCH)]], wbufs[0], gsems[0])
  for c in range(NWC):
    gh[c].wait()
    wh[c] = pltpu.async_copy(
        wbufs[c % 2], wemb.at[pl.ds(tok0 + c * WCH, WCH)], wsems[c % 2])
    if c + 1 < NWC:
      if c >= 1:
        wh[c - 1].wait()
      gh[c + 1] = pltpu.async_copy(
          word_table.at[wid_idx.at[pl.ds((c + 1) * WCH, WCH)]],
          wbufs[(c + 1) % 2], gsems[(c + 1) % 2])
  wh[NWC - 2].wait()
  wh[NWC - 1].wait()



@functools.partial(
    pl.kernel,
    mesh=_mesh,
    out_type=jax.ShapeDtypeStruct((B * OUT_ROWS_PER_B, H), jnp.float32),
    scratch_types=[
        pltpu.VMEM_SHARED((4096, 128), jnp.float32),
        pltpu.VMEM((SCH, 128), jnp.float32),
        pltpu.VMEM((SCH, 128), jnp.float32),
        pltpu.VMEM((6 * TPT,), jnp.int32),
        pltpu.VMEM((TPT,), jnp.int32),
        pltpu.VMEM((TPT,), jnp.int32),
        pltpu.VMEM((TPT,), jnp.int32),
        pltpu.VMEM((TPT,), jnp.int32),
        pltpu.SemaphoreType.DMA,
        pltpu.SemaphoreType.DMA,
        pltpu.SemaphoreType.DMA,
        pltpu.SemaphoreType.DMA,
    ],
)
def _sc_spatial(x0f, y0f, wf, hf, tables, out, tab_sh, srows0,
                srows1, sp_idx, x0b, y0b, wb, hb, gsem0, gsem1, wsem0, wsem1):
  cid = lax.axis_index("c")
  sid = lax.axis_index("s")
  b = cid * BPC + sid // 2
  half = sid % 2
  tok0 = b * S + half * TPT

  pltpu.sync_copy(tables.at[pl.ds(sid * 256, 256)],
                  tab_sh.at[pl.ds(sid * 256, 256)])

  l0 = pltpu.async_copy(x0f.at[pl.ds(tok0, TPT)], x0b, gsem0)
  l1 = pltpu.async_copy(y0f.at[pl.ds(tok0, TPT)], y0b, gsem1)
  l2 = pltpu.async_copy(wf.at[pl.ds(tok0, TPT)], wb, wsem0)
  l3 = pltpu.async_copy(hf.at[pl.ds(tok0, TPT)], hb, wsem1)
  l0.wait()
  l1.wait()
  l2.wait()
  l3.wait()
  for j in range(TPT // 16):
    sl = pl.ds(j * 16, 16)
    x0v = x0b[sl]
    y0v = y0b[sl]
    wv = wb[sl]
    hv = hb[sl]
    o = j * 16
    sp_idx[pl.ds(0 * TPT + o, 16)] = x0v
    sp_idx[pl.ds(1 * TPT + o, 16)] = y0v + 1024
    sp_idx[pl.ds(2 * TPT + o, 16)] = x0v + wv
    sp_idx[pl.ds(3 * TPT + o, 16)] = y0v + hv + 1024
    sp_idx[pl.ds(4 * TPT + o, 16)] = hv + 2048
    sp_idx[pl.ds(5 * TPT + o, 16)] = wv + 3072


  sp_out0 = b * OUT_ROWS_PER_B + MAX_SEG + half * TPT
  sbufs = (srows0, srows1)
  gsems = (gsem0, gsem1)
  wsems = (wsem0, wsem1)
  NSP = 6 * NSC
  sgh = [None] * NSP
  swh = [None] * NSP
  def sp_src(i):
    f, c = i // NSC, i % NSC
    return tab_sh.at[sp_idx.at[pl.ds(f * TPT + c * SCH, SCH)]]
  def sp_dst(i):
    f, c = i // NSC, i % NSC
    return out.at[pl.ds(sp_out0 + c * SCH, SCH), pl.ds(f * 128, 128)]
  plsc.subcore_barrier()
  sgh[0] = pltpu.async_copy(sp_src(0), sbufs[0], gsems[0])
  for i in range(NSP):
    sgh[i].wait()
    swh[i] = pltpu.async_copy(sbufs[i % 2], sp_dst(i), wsems[i % 2])
    if i + 1 < NSP:
      if i >= 1:
        swh[i - 1].wait()
      sgh[i + 1] = pltpu.async_copy(sp_src(i + 1), sbufs[(i + 1) % 2],
                                    gsems[(i + 1) % 2])
  swh[NSP - 2].wait()
  swh[NSP - 1].wait()


def _tc_seg_body(seg_ref, wemb_ref, out_ref):
  seg = seg_ref[0, 0, :]
  iota_m = lax.broadcasted_iota(jnp.int32, (MAX_SEG, S), 0)
  mask = (iota_m == seg[None, :]).astype(jnp.float32)
  counts = jnp.sum(mask, axis=1, keepdims=True)
  mask = mask / jnp.maximum(counts, 1.0)
  out_ref[0] = jnp.dot(mask, wemb_ref[0],
                       preferred_element_type=jnp.float32)


_tc_seg = pl.pallas_call(
    _tc_seg_body,
    grid=(B,),
    in_specs=[
        pl.BlockSpec((1, 1, S), lambda b: (b, 0, 0)),
        pl.BlockSpec((1, S, H), lambda b: (b, 0, 0)),
    ],
    out_specs=pl.BlockSpec((1, MAX_SEG, H), lambda b: (b, 0, 0)),
    out_shape=jax.ShapeDtypeStruct((B, MAX_SEG, H), jnp.float32),
)


def kernel(input_ids, segment_ids, bbox_xy, bbox_wh,
           word_table, x_table, y_table, h_table, w_table):
  ids_f = input_ids.astype(jnp.int32).reshape(-1)
  x0f = bbox_xy[:, :, 0].astype(jnp.int32).reshape(-1)
  y0f = bbox_xy[:, :, 1].astype(jnp.int32).reshape(-1)
  wf = bbox_wh[:, :, 0].astype(jnp.int32).reshape(-1)
  hf = bbox_wh[:, :, 1].astype(jnp.int32).reshape(-1)
  tables = jnp.concatenate([x_table, y_table, h_table, w_table], axis=0)
  out = _sc_spatial(x0f, y0f, wf, hf, tables)
  wemb = _sc_words(ids_f, word_table)
  seg3d = segment_ids.astype(jnp.int32).reshape(B, 1, S)
  seg_out = _tc_seg(seg3d, wemb.reshape(B, S, H))
  out = out.reshape(B, OUT_ROWS_PER_B, H)
  return lax.dynamic_update_slice(out, seg_out, (0, 0, 0))

# --- scband reference (transcript-rebuilt; emitter-appended) ---
"""Pipeline reference for scband-seg-layout-lmembedding-57114475102305 (READ-ONLY COPY).

The authoritative reference and input builder live on the scoring server;
editing this copy changes nothing except your own understanding.
"""

import jax, jax.numpy as jnp
import numpy as np

VOCAB = 30522
HIDDEN = 768
MAX_SEG = 256
MAX_2D = 1024
COORD = 128
SHAPE_SZ = 128
B = 16
S = 768  # must equal HIDDEN due to mask construction in the original module


def setup_inputs(seed: int = 0) -> dict:
    key = jax.random.key(seed)
    ks = jax.random.split(key, 9)
    input_ids = jax.random.randint(ks[0], (B, S), 0, VOCAB)
    segment_ids = jnp.sort(jax.random.randint(ks[1], (B, S), 0, MAX_SEG), axis=-1)
    bbox_xy = jax.random.randint(ks[2], (B, S, 2), 0, 500)
    bbox_wh = jax.random.randint(ks[3], (B, S, 2), 0, 500)
    word_table = jax.random.normal(ks[4], (VOCAB, HIDDEN), dtype=jnp.float32) * 0.02
    word_table = word_table.at[0].set(0.0)  # padding_idx = 0
    x_table = jax.random.normal(ks[5], (MAX_2D, COORD), dtype=jnp.float32) * 0.02
    y_table = jax.random.normal(ks[6], (MAX_2D, COORD), dtype=jnp.float32) * 0.02
    h_table = jax.random.normal(ks[7], (MAX_2D, SHAPE_SZ), dtype=jnp.float32) * 0.02
    w_table = jax.random.normal(ks[8], (MAX_2D, SHAPE_SZ), dtype=jnp.float32) * 0.02
    return {
        'input_ids': input_ids,
        'segment_ids': segment_ids,
        'bbox_xy': bbox_xy,
        'bbox_wh': bbox_wh,
        'word_table': word_table,
        'x_table': x_table,
        'y_table': y_table,
        'h_table': h_table,
        'w_table': w_table,
    }


def _seg_text_embeddings(word_table, input_ids, segment_ids):
    # mul_matrix[segment_ids[i, k], k] = 1 for each k; then L1-normalize rows (F.normalize p=1, dim=1)
    b_idx = jnp.arange(B)[:, None] * jnp.ones((1, S), dtype=jnp.int32)
    col_idx = jnp.arange(S)[None, :] * jnp.ones((B, 1), dtype=jnp.int32)
    masks = jnp.zeros((B, MAX_SEG, S), dtype=jnp.float32).at[b_idx, segment_ids, col_idx].set(1.0)
    norms = jnp.sum(jnp.abs(masks), axis=2, keepdims=True)
    masks = masks / jnp.maximum(norms, 1e-12)
    word_embeds = jnp.take(word_table, input_ids, axis=0)  # (B, S, H)
    return jnp.einsum('bms,bsh->bmh', masks, word_embeds)  # (B, MAX_SEG, H)


def _spatial_embeddings(x_table, y_table, h_table, w_table, bbox):
    left = jnp.take(x_table, bbox[:, :, 0], axis=0)
    upper = jnp.take(y_table, bbox[:, :, 1], axis=0)
    right = jnp.take(x_table, bbox[:, :, 2], axis=0)
    lower = jnp.take(y_table, bbox[:, :, 3], axis=0)
    h_emb = jnp.take(h_table, bbox[:, :, 3] - bbox[:, :, 1], axis=0)
    w_emb = jnp.take(w_table, bbox[:, :, 2] - bbox[:, :, 0], axis=0)
    return jnp.concatenate([left, upper, right, lower, h_emb, w_emb], axis=-1)  # (B, S, H)


def reference(input_ids, segment_ids, bbox_xy, bbox_wh, word_table, x_table, y_table, h_table, w_table):
    bbox = jnp.concatenate([bbox_xy, bbox_xy + bbox_wh], axis=-1)  # valid boxes, coords in [0, 1000)
    seg_text = _seg_text_embeddings(word_table, input_ids, segment_ids)       # (B, MAX_SEG, H)
    spatial = _spatial_embeddings(x_table, y_table, h_table, w_table, bbox)   # (B, S, H)
    return jnp.concatenate([seg_text, spatial], axis=1)  # (B, MAX_SEG + S, H)

if __name__ == "__main__":
    import jax
    _d = setup_inputs()
    print(jax.jit(kernel)(*tuple(_d.values())))

</pallas_src>

<mosaic_0001>
#map = affine_map<(d0, d1) -> (0)>
#map1 = affine_map<(d0, d1) -> (0, 0)>
module attributes {stable_mosaic.version = 14 : i64} {
  func.func @_sc_words(%arg0: i32, %arg1: i32, %arg2: memref<12288xi32, #tpu.memory_space<hbm>>, %arg3: memref<30522x768xf32, #tpu.memory_space<hbm>>, %arg4: memref<12288x768xf32, #tpu.memory_space<hbm>>, %arg5: memref<64x768xf32, #tpu.memory_space<vmem>>, %arg6: memref<64x768xf32, #tpu.memory_space<vmem>>, %arg7: memref<384xi32, #tpu.memory_space<vmem>>, %arg8: memref<!tpu.dma_semaphore, #tpu.memory_space<semaphore_mem>>, %arg9: memref<!tpu.dma_semaphore, #tpu.memory_space<semaphore_mem>>, %arg10: memref<!tpu.dma_semaphore, #tpu.memory_space<semaphore_mem>>, %arg11: memref<!tpu.dma_semaphore, #tpu.memory_space<semaphore_mem>>) attributes {dimension_semantics = [#tpu.dimension_semantics<core_parallel>, #tpu.dimension_semantics<subcore_parallel>], iteration_bounds = array<i64: 2, 16>, scalar_prefetch = 0 : i64, scratch_operands = 7 : i64, tpu.core_type = #tpu.core_type<sc_vector_subcore>, window_params = [{transform_indices = #map}, {transform_indices = #map1}, {transform_indices = #map1}]} {
    %mul3A = arith.constant 8 : i32
    %mul3A_0 = arith.muli %arg0, %mul3A : i32
    %jit3A = arith.constant 2 : i32
    %div3A = arith.divsi %arg1, %jit3A : i32
    %sign3A = arith.constant 0 : i32
    %sign3A_1 = arith.cmpi sgt, %arg1, %sign3A : i32
    %sign3A_2 = arith.extui %sign3A_1 : i1 to i32
    %sign3A_3 = arith.constant 0 : i32
    %sign3A_4 = arith.cmpi slt, %arg1, %sign3A_3 : i32
    %sign3A_5 = arith.extui %sign3A_4 : i1 to i32
    %sign3A_6 = arith.subi %sign3A_2, %sign3A_5 : i32
    %sign3A_7 = arith.constant 0 : i32
    %sign3A_8 = arith.cmpi sgt, %jit3A, %sign3A_7 : i32
    %sign3A_9 = arith.extui %sign3A_8 : i1 to i32
    %sign3A_10 = arith.constant 0 : i32
    %sign3A_11 = arith.cmpi slt, %jit3A, %sign3A_10 : i32
    %sign3A_12 = arith.extui %sign3A_11 : i1 to i32
    %sign3A_13 = arith.subi %sign3A_9, %sign3A_12 : i32
    %ne3A = arith.cmpi ne, %sign3A_6, %sign3A_13 : i32
    %rem3A = arith.remsi %arg1, %jit3A : i32
    %ne3A_14 = arith.constant 0 : i32
    %ne3A_15 = arith.cmpi ne, %rem3A, %ne3A_14 : i32
    %and3A = arith.andi %ne3A, %ne3A_15 : i1
    %sub3A = arith.constant 1 : i32
    %sub3A_16 = arith.subi %div3A, %sub3A : i32
    %select_n3A = arith.select %and3A, %sub3A_16, %div3A : i32
    %add3A = arith.addi %mul3A_0, %select_n3A : i32
    %jit3A_17 = arith.constant 2 : i32
    %eq3A = arith.constant 0 : i32
    %eq3A_18 = arith.cmpi eq, %jit3A_17, %eq3A : i32
    %jit3A_19 = arith.constant 1 : i32
    %select_n3A_20 = arith.select %eq3A_18, %jit3A_19, %jit3A_17 : i32
    %rem3A_21 = arith.remsi %arg1, %select_n3A_20 : i32
    %ne3A_22 = arith.constant 0 : i32
    %ne3A_23 = arith.cmpi ne, %rem3A_21, %ne3A_22 : i32
    %lt3A = arith.constant 0 : i32
    %lt3A_24 = arith.cmpi slt, %rem3A_21, %lt3A : i32
    %lt3A_25 = arith.constant 0 : i32
    %lt3A_26 = arith.cmpi slt, %select_n3A_20, %lt3A_25 : i32
    %ne3A_27 = arith.xori %lt3A_24, %lt3A_26 : i1
    %and3A_28 = arith.andi %ne3A_27, %ne3A_23 : i1
    %add3A_29 = arith.addi %rem3A_21, %select_n3A_20 : i32
    %select_n3A_30 = arith.select %and3A_28, %add3A_29, %rem3A_21 : i32
    %mul3A_31 = arith.constant 768 : i32
    %mul3A_32 = arith.muli %add3A, %mul3A_31 : i32
    %mul3A_33 = arith.constant 384 : i32
    %mul3A_34 = arith.muli %select_n3A_30, %mul3A_33 : i32
    %add3A_35 = arith.addi %mul3A_32, %mul3A_34 : i32
    "tpu.region"() ({
      %run_scoped3A = tpu.sem_alloc : memref<!tpu.dma_semaphore, #tpu.memory_space<semaphore_mem>>
      %dma_start3A_154 = tpu.memref_slice %arg2[%add3A_35] : memref<12288xi32, #tpu.memory_space<hbm>> -> memref<384xi32, #tpu.memory_space<hbm>>
      %dma_start3A_155 = tpu.memref_slice %arg2[%add3A_35] : memref<12288xi32, #tpu.memory_space<hbm>> -> memref<384xi32, #tpu.memory_space<hbm>>
      tpu.enqueue_dma source(%dma_start3A_155 : memref<384xi32, #tpu.memory_space<hbm>>) target(%arg7 : memref<384xi32, #tpu.memory_space<vmem>>) target_semaphore(%run_scoped3A : memref<!tpu.dma_semaphore, #tpu.memory_space<semaphore_mem>>)
      %dma_wait3A_156 = tpu.memref_slice %arg2[%add3A_35] : memref<12288xi32, #tpu.memory_space<hbm>> -> memref<384xi32, #tpu.memory_space<hbm>>
      %dma_wait3A_157 = tpu.memref_slice %arg2[%add3A_35] : memref<12288xi32, #tpu.memory_space<hbm>> -> memref<384xi32, #tpu.memory_space<hbm>>
      tpu.wait_dma2 semaphore(%run_scoped3A : memref<!tpu.dma_semaphore, #tpu.memory_space<semaphore_mem>>) src(%dma_wait3A_157 : memref<384xi32, #tpu.memory_space<hbm>>) dst(%arg7 : memref<384xi32, #tpu.memory_space<vmem>>)
      tpu.yield
    }) : () -> ()
    %dma_start3A = arith.constant 0 : i32
    %dma_start3A_36 = tpu.memref_slice %arg7[%dma_start3A] : memref<384xi32, #tpu.memory_space<vmem>> -> memref<64xi32, #tpu.memory_space<vmem>>
    %dma_start3A_37 = arith.constant 0 : i32
    %dma_start3A_38 = arith.constant 0 : i32
    %dma_start3A_39 = tpu.memref_slice %arg3[%dma_start3A_37, %dma_start3A_38] : memref<30522x768xf32, #tpu.memory_space<hbm>> -> memref<30522x768xf32, #tpu.memory_space<hbm>>
    tpu.enqueue_indirect_dma source(%dma_start3A_39 : memref<30522x768xf32, #tpu.memory_space<hbm>>) target(%arg5 : memref<64x768xf32, #tpu.memory_space<vmem>>) offsets(%dma_start3A_36 : memref<64xi32, #tpu.memory_space<vmem>>) semaphore(%arg8 : memref<!tpu.dma_semaphore, #tpu.memory_space<semaphore_mem>>)
    %dma_wait3A = arith.constant 0 : i32
    %dma_wait3A_40 = tpu.memref_slice %arg7[%dma_wait3A] : memref<384xi32, #tpu.memory_space<vmem>> -> memref<64xi32, #tpu.memory_space<vmem>>
    %dma_wait3A_41 = arith.constant 0 : i32
    %dma_wait3A_42 = arith.constant 0 : i32
    %dma_wait3A_43 = tpu.memref_slice %arg3[%dma_wait3A_41, %dma_wait3A_42] : memref<30522x768xf32, #tpu.memory_space<hbm>> -> memref<30522x768xf32, #tpu.memory_space<hbm>>
    tpu.wait_indirect_dma semaphore(%arg8 : memref<!tpu.dma_semaphore, #tpu.memory_space<semaphore_mem>>) src(%dma_wait3A_43 : memref<30522x768xf32, #tpu.memory_space<hbm>>) dst(%arg5 : memref<64x768xf32, #tpu.memory_space<vmem>>)
    %add3A_44 = arith.constant 0 : i32
    %add3A_45 = arith.addi %add3A_35, %add3A_44 : i32
    %dma_start3A_46 = arith.constant 0 : i32
    %dma_start3A_47 = tpu.memref_slice %arg4[%add3A_45, %dma_start3A_46] : memref<12288x768xf32, #tpu.memory_space<hbm>> -> memref<64x768xf32, #tpu.memory_space<hbm>>
    %dma_start3A_48 = arith.constant 0 : i32
    %dma_start3A_49 = tpu.memref_slice %arg4[%add3A_45, %dma_start3A_48] : memref<12288x768xf32, #tpu.memory_space<hbm>> -> memref<64x768xf32, #tpu.memory_space<hbm>>
    tpu.enqueue_dma source(%arg5 : memref<64x768xf32, #tpu.memory_space<vmem>>) target(%dma_start3A_49 : memref<64x768xf32, #tpu.memory_space<hbm>>) target_semaphore(%arg10 : memref<!tpu.dma_semaphore, #tpu.memory_space<semaphore_mem>>)
    %dma_start3A_50 = arith.constant 64 : i32
    %dma_start3A_51 = tpu.memref_slice %arg7[%dma_start3A_50] : memref<384xi32, #tpu.memory_space<vmem>> -> memref<64xi32, #tpu.memory_space<vmem>>
    %dma_start3A_52 = arith.constant 0 : i32
    %dma_start3A_53 = arith.constant 0 : i32
    %dma_start3A_54 = tpu.memref_slice %arg3[%dma_start3A_52, %dma_start3A_53] : memref<30522x768xf32, #tpu.memory_space<hbm>> -> memref<30522x768xf32, #tpu.memory_space<hbm>>
    tpu.enqueue_indirect_dma source(%dma_start3A_54 : memref<30522x768xf32, #tpu.memory_space<hbm>>) target(%arg6 : memref<64x768xf32, #tpu.memory_space<vmem>>) offsets(%dma_start3A_51 : memref<64xi32, #tpu.memory_space<vmem>>) semaphore(%arg9 : memref<!tpu.dma_semaphore, #tpu.memory_space<semaphore_mem>>)
    %dma_wait3A_55 = arith.constant 64 : i32
    %dma_wait3A_56 = tpu.memref_slice %arg7[%dma_wait3A_55] : memref<384xi32, #tpu.memory_space<vmem>> -> memref<64xi32, #tpu.memory_space<vmem>>
    %dma_wait3A_57 = arith.constant 0 : i32
    %dma_wait3A_58 = arith.constant 0 : i32
    %dma_wait3A_59 = tpu.memref_slice %arg3[%dma_wait3A_57, %dma_wait3A_58] : memref<30522x768xf32, #tpu.memory_space<hbm>> -> memref<30522x768xf32, #tpu.memory_space<hbm>>
    tpu.wait_indirect_dma semaphore(%arg9 : memref<!tpu.dma_semaphore, #tpu.memory_space<semaphore_mem>>) src(%dma_wait3A_59 : memref<30522x768xf32, #tpu.memory_space<hbm>>) dst(%arg6 : memref<64x768xf32, #tpu.memory_space<vmem>>)
    %add3A_60 = arith.constant 64 : i32
    %add3A_61 = arith.addi %add3A_35, %add3A_60 : i32
    %dma_start3A_62 = arith.constant 0 : i32
    %dma_start3A_63 = tpu.memref_slice %arg4[%add3A_61, %dma_start3A_62] : memref<12288x768xf32, #tpu.memory_space<hbm>> -> memref<64x768xf32, #tpu.memory_space<hbm>>
    %dma_start3A_64 = arith.constant 0 : i32
    %dma_start3A_65 = tpu.memref_slice %arg4[%add3A_61, %dma_start3A_64] : memref<12288x768xf32, #tpu.memory_space<hbm>> -> memref<64x768xf32, #tpu.memory_space<hbm>>
    tpu.enqueue_dma source(%arg6 : memref<64x768xf32, #tpu.memory_space<vmem>>) target(%dma_start3A_65 : memref<64x768xf32, #tpu.memory_space<hbm>>) target_semaphore(%arg11 : memref<!tpu.dma_semaphore, #tpu.memory_space<semaphore_mem>>)
    %dma_wait3A_66 = arith.constant 0 : i32
    %dma_wait3A_67 = tpu.memref_slice %arg4[%add3A_45, %dma_wait3A_66] : memref<12288x768xf32, #tpu.memory_space<hbm>> -> memref<64x768xf32, #tpu.memory_space<hbm>>
    %dma_wait3A_68 = arith.constant 0 : i32
    %dma_wait3A_69 = tpu.memref_slice %arg4[%add3A_45, %dma_wait3A_68] : memref<12288x768xf32, #tpu.memory_space<hbm>> -> memref<64x768xf32, #tpu.memory_space<hbm>>
    tpu.wait_dma2 semaphore(%arg10 : memref<!tpu.dma_semaphore, #tpu.memory_space<semaphore_mem>>) src(%arg5 : memref<64x768xf32, #tpu.memory_space<vmem>>) dst(%dma_wait3A_69 : memref<64x768xf32, #tpu.memory_space<hbm>>)
    %dma_start3A_70 = arith.constant 128 : i32
    %dma_start3A_71 = tpu.memref_slice %arg7[%dma_start3A_70] : memref<384xi32, #tpu.memory_space<vmem>> -> memref<64xi32, #tpu.memory_space<vmem>>
    %dma_start3A_72 = arith.constant 0 : i32
    %dma_start3A_73 = arith.constant 0 : i32
    %dma_start3A_74 = tpu.memref_slice %arg3[%dma_start3A_72, %dma_start3A_73] : memref<30522x768xf32, #tpu.memory_space<hbm>> -> memref<30522x768xf32, #tpu.memory_space<hbm>>
    tpu.enqueue_indirect_dma source(%dma_start3A_74 : memref<30522x768xf32, #tpu.memory_space<hbm>>) target(%arg5 : memref<64x768xf32, #tpu.memory_space<vmem>>) offsets(%dma_start3A_71 : memref<64xi32, #tpu.memory_space<vmem>>) semaphore(%arg8 : memref<!tpu.dma_semaphore, #tpu.memory_space<semaphore_mem>>)
    %dma_wait3A_75 = arith.constant 128 : i32
    %dma_wait3A_76 = tpu.memref_slice %arg7[%dma_wait3A_75] : memref<384xi32, #tpu.memory_space<vmem>> -> memref<64xi32, #tpu.memory_space<vmem>>
    %dma_wait3A_77 = arith.constant 0 : i32
    %dma_wait3A_78 = arith.constant 0 : i32
    %dma_wait3A_79 = tpu.memref_slice %arg3[%dma_wait3A_77, %dma_wait3A_78] : memref<30522x768xf32, #tpu.memory_space<hbm>> -> memref<30522x768xf32, #tpu.memory_space<hbm>>
    tpu.wait_indirect_dma semaphore(%arg8 : memref<!tpu.dma_semaphore, #tpu.memory_space<semaphore_mem>>) src(%dma_wait3A_79 : memref<30522x768xf32, #tpu.memory_space<hbm>>) dst(%arg5 : memref<64x768xf32, #tpu.memory_space<vmem>>)
    %add3A_80 = arith.constant 128 : i32
    %add3A_81 = arith.addi %add3A_35, %add3A_80 : i32
    %dma_start3A_82 = arith.constant 0 : i32
    %dma_start3A_83 = tpu.memref_slice %arg4[%add3A_81, %dma_start3A_82] : memref<12288x768xf32, #tpu.memory_space<hbm>> -> memref<64x768xf32, #tpu.memory_space<hbm>>
    %dma_start3A_84 = arith.constant 0 : i32
    %dma_start3A_85 = tpu.memref_slice %arg4[%add3A_81, %dma_start3A_84] : memref<12288x768xf32, #tpu.memory_space<hbm>> -> memref<64x768xf32, #tpu.memory_space<hbm>>
    tpu.enqueue_dma source(%arg5 : memref<64x768xf32, #tpu.memory_space<vmem>>) target(%dma_start3A_85 : memref<64x768xf32, #tpu.memory_space<hbm>>) target_semaphore(%arg10 : memref<!tpu.dma_semaphore, #tpu.memory_space<semaphore_mem>>)
    %dma_wait3A_86 = arith.constant 0 : i32
    %dma_wait3A_87 = tpu.memref_slice %arg4[%add3A_61, %dma_wait3A_86] : memref<12288x768xf32, #tpu.memory_space<hbm>> -> memref<64x768xf32, #tpu.memory_space<hbm>>
    %dma_wait3A_88 = arith.constant 0 : i32
    %dma_wait3A_89 = tpu.memref_slice %arg4[%add3A_61, %dma_wait3A_88] : memref<12288x768xf32, #tpu.memory_space<hbm>> -> memref<64x768xf32, #tpu.memory_space<hbm>>
    tpu.wait_dma2 semaphore(%arg11 : memref<!tpu.dma_semaphore, #tpu.memory_space<semaphore_mem>>) src(%arg6 : memref<64x768xf32, #tpu.memory_space<vmem>>) dst(%dma_wait3A_89 : memref<64x768xf32, #tpu.memory_space<hbm>>)
    %dma_start3A_90 = arith.constant 192 : i32
    %dma_start3A_91 = tpu.memref_slice %arg7[%dma_start3A_90] : memref<384xi32, #tpu.memory_space<vmem>> -> memref<64xi32, #tpu.memory_space<vmem>>
    %dma_start3A_92 = arith.constant 0 : i32
    %dma_start3A_93 = arith.constant 0 : i32
    %dma_start3A_94 = tpu.memref_slice %arg3[%dma_start3A_92, %dma_start3A_93] : memref<30522x768xf32, #tpu.memory_space<hbm>> -> memref<30522x768xf32, #tpu.memory_space<hbm>>
    tpu.enqueue_indirect_dma source(%dma_start3A_94 : memref<30522x768xf32, #tpu.memory_space<hbm>>) target(%arg6 : memref<64x768xf32, #tpu.memory_space<vmem>>) offsets(%dma_start3A_91 : memref<64xi32, #tpu.memory_space<vmem>>) semaphore(%arg9 : memref<!tpu.dma_semaphore, #tpu.memory_space<semaphore_mem>>)
    %dma_wait3A_95 = arith.constant 192 : i32
    %dma_wait3A_96 = tpu.memref_slice %arg7[%dma_wait3A_95] : memref<384xi32, #tpu.memory_space<vmem>> -> memref<64xi32, #tpu.memory_space<vmem>>
    %dma_wait3A_97 = arith.constant 0 : i32
    %dma_wait3A_98 = arith.constant 0 : i32
    %dma_wait3A_99 = tpu.memref_slice %arg3[%dma_wait3A_97, %dma_wait3A_98] : memref<30522x768xf32, #tpu.memory_space<hbm>> -> memref<30522x768xf32, #tpu.memory_space<hbm>>
    tpu.wait_indirect_dma semaphore(%arg9 : memref<!tpu.dma_semaphore, #tpu.memory_space<semaphore_mem>>) src(%dma_wait3A_99 : memref<30522x768xf32, #tpu.memory_space<hbm>>) dst(%arg6 : memref<64x768xf32, #tpu.memory_space<vmem>>)
    %add3A_100 = arith.constant 192 : i32
    %add3A_101 = arith.addi %add3A_35, %add3A_100 : i32
    %dma_start3A_102 = arith.constant 0 : i32
    %dma_start3A_103 = tpu.memref_slice %arg4[%add3A_101, %dma_start3A_102] : memref<12288x768xf32, #tpu.memory_space<hbm>> -> memref<64x768xf32, #tpu.memory_space<hbm>>
    %dma_start3A_104 = arith.constant 0 : i32
    %dma_start3A_105 = tpu.memref_slice %arg4[%add3A_101, %dma_start3A_104] : memref<12288x768xf32, #tpu.memory_space<hbm>> -> memref<64x768xf32, #tpu.memory_space<hbm>>
    tpu.enqueue_dma source(%arg6 : memref<64x768xf32, #tpu.memory_space<vmem>>) target(%dma_start3A_105 : memref<64x768xf32, #tpu.memory_space<hbm>>) target_semaphore(%arg11 : memref<!tpu.dma_semaphore, #tpu.memory_space<semaphore_mem>>)
    %dma_wait3A_106 = arith.constant 0 : i32
    %dma_wait3A_107 = tpu.memref_slice %arg4[%add3A_81, %dma_wait3A_106] : memref<12288x768xf32, #tpu.memory_space<hbm>> -> memref<64x768xf32, #tpu.memory_space<hbm>>
    %dma_wait3A_108 = arith.constant 0 : i32
    %dma_wait3A_109 = tpu.memref_slice %arg4[%add3A_81, %dma_wait3A_108] : memref<12288x768xf32, #tpu.memory_space<hbm>> -> memref<64x768xf32, #tpu.memory_space<hbm>>
    tpu.wait_dma2 semaphore(%arg10 : memref<!tpu.dma_semaphore, #tpu.memory_space<semaphore_mem>>) src(%arg5 : memref<64x768xf32, #tpu.memory_space<vmem>>) dst(%dma_wait3A_109 : memref<64x768xf32, #tpu.memory_space<hbm>>)
    %dma_start3A_110 = arith.constant 256 : i32
    %dma_start3A_111 = tpu.memref_slice %arg7[%dma_start3A_110] : memref<384xi32, #tpu.memory_space<vmem>> -> memref<64xi32, #tpu.memory_space<vmem>>
    %dma_start3A_112 = arith.constant 0 : i32
    %dma_start3A_113 = arith.constant 0 : i32
    %dma_start3A_114 = tpu.memref_slice %arg3[%dma_start3A_112, %dma_start3A_113] : memref<30522x768xf32, #tpu.memory_space<hbm>> -> memref<30522x768xf32, #tpu.memory_space<hbm>>
    tpu.enqueue_indirect_dma source(%dma_start3A_114 : memref<30522x768xf32, #tpu.memory_space<hbm>>) target(%arg5 : memref<64x768xf32, #tpu.memory_space<vmem>>) offsets(%dma_start3A_111 : memref<64xi32, #tpu.memory_space<vmem>>) semaphore(%arg8 : memref<!tpu.dma_semaphore, #tpu.memory_space<semaphore_mem>>)
    %dma_wait3A_115 = arith.constant 256 : i32
    %dma_wait3A_116 = tpu.memref_slice %arg7[%dma_wait3A_115] : memref<384xi32, #tpu.memory_space<vmem>> -> memref<64xi32, #tpu.memory_space<vmem>>
    %dma_wait3A_117 = arith.constant 0 : i32
    %dma_wait3A_118 = arith.constant 0 : i32
    %dma_wait3A_119 = tpu.memref_slice %arg3[%dma_wait3A_117, %dma_wait3A_118] : memref<30522x768xf32, #tpu.memory_space<hbm>> -> memref<30522x768xf32, #tpu.memory_space<hbm>>
    tpu.wait_indirect_dma semaphore(%arg8 : memref<!tpu.dma_semaphore, #tpu.memory_space<semaphore_mem>>) src(%dma_wait3A_119 : memref<30522x768xf32, #tpu.memory_space<hbm>>) dst(%arg5 : memref<64x768xf32, #tpu.memory_space<vmem>>)
    %add3A_120 = arith.constant 256 : i32
    %add3A_121 = arith.addi %add3A_35, %add3A_120 : i32
    %dma_start3A_122 = arith.constant 0 : i32
    %dma_start3A_123 = tpu.memref_slice %arg4[%add3A_121, %dma_start3A_122] : memref<12288x768xf32, #tpu.memory_space<hbm>> -> memref<64x768xf32, #tpu.memory_space<hbm>>
    %dma_start3A_124 = arith.constant 0 : i32
    %dma_start3A_125 = tpu.memref_slice %arg4[%add3A_121, %dma_start3A_124] : memref<12288x768xf32, #tpu.memory_space<hbm>> -> memref<64x768xf32, #tpu.memory_space<hbm>>
    tpu.enqueue_dma source(%arg5 : memref<64x768xf32, #tpu.memory_space<vmem>>) target(%dma_start3A_125 : memref<64x768xf32, #tpu.memory_space<hbm>>) target_semaphore(%arg10 : memref<!tpu.dma_semaphore, #tpu.memory_space<semaphore_mem>>)
    %dma_wait3A_126 = arith.constant 0 : i32
    %dma_wait3A_127 = tpu.memref_slice %arg4[%add3A_101, %dma_wait3A_126] : memref<12288x768xf32, #tpu.memory_space<hbm>> -> memref<64x768xf32, #tpu.memory_space<hbm>>
    %dma_wait3A_128 = arith.constant 0 : i32
    %dma_wait3A_129 = tpu.memref_slice %arg4[%add3A_101, %dma_wait3A_128] : memref<12288x768xf32, #tpu.memory_space<hbm>> -> memref<64x768xf32, #tpu.memory_space<hbm>>
    tpu.wait_dma2 semaphore(%arg11 : memref<!tpu.dma_semaphore, #tpu.memory_space<semaphore_mem>>) src(%arg6 : memref<64x768xf32, #tpu.memory_space<vmem>>) dst(%dma_wait3A_129 : memref<64x768xf32, #tpu.memory_space<hbm>>)
    %dma_start3A_130 = arith.constant 320 : i32
    %dma_start3A_131 = tpu.memref_slice %arg7[%dma_start3A_130] : memref<384xi32, #tpu.memory_space<vmem>> -> memref<64xi32, #tpu.memory_space<vmem>>
    %dma_start3A_132 = arith.constant 0 : i32
    %dma_start3A_133 = arith.constant 0 : i32
    %dma_start3A_134 = tpu.memref_slice %arg3[%dma_start3A_132, %dma_start3A_133] : memref<30522x768xf32, #tpu.memory_space<hbm>> -> memref<30522x768xf32, #tpu.memory_space<hbm>>
    tpu.enqueue_indirect_dma source(%dma_start3A_134 : memref<30522x768xf32, #tpu.memory_space<hbm>>) target(%arg6 : memref<64x768xf32, #tpu.memory_space<vmem>>) offsets(%dma_start3A_131 : memref<64xi32, #tpu.memory_space<vmem>>) semaphore(%arg9 : memref<!tpu.dma_semaphore, #tpu.memory_space<semaphore_mem>>)
    %dma_wait3A_135 = arith.constant 320 : i32
    %dma_wait3A_136 = tpu.memref_slice %arg7[%dma_wait3A_135] : memref<384xi32, #tpu.memory_space<vmem>> -> memref<64xi32, #tpu.memory_space<vmem>>
    %dma_wait3A_137 = arith.constant 0 : i32
    %dma_wait3A_138 = arith.constant 0 : i32
    %dma_wait3A_139 = tpu.memref_slice %arg3[%dma_wait3A_137, %dma_wait3A_138] : memref<30522x768xf32, #tpu.memory_space<hbm>> -> memref<30522x768xf32, #tpu.memory_space<hbm>>
    tpu.wait_indirect_dma semaphore(%arg9 : memref<!tpu.dma_semaphore, #tpu.memory_space<semaphore_mem>>) src(%dma_wait3A_139 : memref<30522x768xf32, #tpu.memory_space<hbm>>) dst(%arg6 : memref<64x768xf32, #tpu.memory_space<vmem>>)
    %add3A_140 = arith.constant 320 : i32
    %add3A_141 = arith.addi %add3A_35, %add3A_140 : i32
    %dma_start3A_142 = arith.constant 0 : i32
    %dma_start3A_143 = tpu.memref_slice %arg4[%add3A_141, %dma_start3A_142] : memref<12288x768xf32, #tpu.memory_space<hbm>> -> memref<64x768xf32, #tpu.memory_space<hbm>>
    %dma_start3A_144 = arith.constant 0 : i32
    %dma_start3A_145 = tpu.memref_slice %arg4[%add3A_141, %dma_start3A_144] : memref<12288x768xf32, #tpu.memory_space<hbm>> -> memref<64x768xf32, #tpu.memory_space<hbm>>
    tpu.enqueue_dma source(%arg6 : memref<64x768xf32, #tpu.memory_space<vmem>>) target(%dma_start3A_145 : memref<64x768xf32, #tpu.memory_space<hbm>>) target_semaphore(%arg11 : memref<!tpu.dma_semaphore, #tpu.memory_space<semaphore_mem>>)
    %dma_wait3A_146 = arith.constant 0 : i32
    %dma_wait3A_147 = tpu.memref_slice %arg4[%add3A_121, %dma_wait3A_146] : memref<12288x768xf32, #tpu.memory_space<hbm>> -> memref<64x768xf32, #tpu.memory_space<hbm>>
    %dma_wait3A_148 = arith.constant 0 : i32
    %dma_wait3A_149 = tpu.memref_slice %arg4[%add3A_121, %dma_wait3A_148] : memref<12288x768xf32, #tpu.memory_space<hbm>> -> memref<64x768xf32, #tpu.memory_space<hbm>>
    tpu.wait_dma2 semaphore(%arg10 : memref<!tpu.dma_semaphore, #tpu.memory_space<semaphore_mem>>) src(%arg5 : memref<64x768xf32, #tpu.memory_space<vmem>>) dst(%dma_wait3A_149 : memref<64x768xf32, #tpu.memory_space<hbm>>)
    %dma_wait3A_150 = arith.constant 0 : i32
    %dma_wait3A_151 = tpu.memref_slice %arg4[%add3A_141, %dma_wait3A_150] : memref<12288x768xf32, #tpu.memory_space<hbm>> -> memref<64x768xf32, #tpu.memory_space<hbm>>
    %dma_wait3A_152 = arith.constant 0 : i32
    %dma_wait3A_153 = tpu.memref_slice %arg4[%add3A_141, %dma_wait3A_152] : memref<12288x768xf32, #tpu.memory_space<hbm>> -> memref<64x768xf32, #tpu.memory_space<hbm>>
    tpu.wait_dma2 semaphore(%arg11 : memref<!tpu.dma_semaphore, #tpu.memory_space<semaphore_mem>>) src(%arg6 : memref<64x768xf32, #tpu.memory_space<vmem>>) dst(%dma_wait3A_153 : memref<64x768xf32, #tpu.memory_space<hbm>>)
    return
  }
}

#map = affine_map<(d0, d1) -> (0)>
#map1 = affine_map<(d0, d1) -> (0, 0)>
module attributes {stable_mosaic.version = 14 : i64} {
  func.func @_sc_spatial(%arg0: i32, %arg1: i32, %arg2: memref<12288xi32, #tpu.memory_space<hbm>>, %arg3: memref<12288xi32, #tpu.memory_space<hbm>>, %arg4: memref<12288xi32, #tpu.memory_space<hbm>>, %arg5: memref<12288xi32, #tpu.memory_space<hbm>>, %arg6: memref<4096x128xf32, #tpu.memory_space<hbm>>, %arg7: memref<16384x768xf32, #tpu.memory_space<hbm>>, %arg8: memref<4096x128xf32, #tpu.memory_space<vmem_shared>>, %arg9: memref<128x128xf32, #tpu.memory_space<vmem>>, %arg10: memref<128x128xf32, #tpu.memory_space<vmem>>, %arg11: memref<2304xi32, #tpu.memory_space<vmem>>, %arg12: memref<384xi32, #tpu.memory_space<vmem>>, %arg13: memref<384xi32, #tpu.memory_space<vmem>>, %arg14: memref<384xi32, #tpu.memory_space<vmem>>, %arg15: memref<384xi32, #tpu.memory_space<vmem>>, %arg16: memref<!tpu.dma_semaphore, #tpu.memory_space<semaphore_mem>>, %arg17: memref<!tpu.dma_semaphore, #tpu.memory_space<semaphore_mem>>, %arg18: memref<!tpu.dma_semaphore, #tpu.memory_space<semaphore_mem>>, %arg19: memref<!tpu.dma_semaphore, #tpu.memory_space<semaphore_mem>>) attributes {dimension_semantics = [#tpu.dimension_semantics<core_parallel>, #tpu.dimension_semantics<subcore_parallel>], iteration_bounds = array<i64: 2, 16>, scalar_prefetch = 0 : i64, scratch_operands = 12 : i64, tpu.core_type = #tpu.core_type<sc_vector_subcore>, window_params = [{transform_indices = #map}, {transform_indices = #map}, {transform_indices = #map}, {transform_indices = #map}, {transform_indices = #map1}, {transform_indices = #map1}]} {
    %mul3A = arith.constant 8 : i32
    %mul3A_0 = arith.muli %arg0, %mul3A : i32
    %jit3A = arith.constant 2 : i32
    %div3A = arith.divsi %arg1, %jit3A : i32
    %sign3A = arith.constant 0 : i32
    %sign3A_1 = arith.cmpi sgt, %arg1, %sign3A : i32
    %sign3A_2 = arith.extui %sign3A_1 : i1 to i32
    %sign3A_3 = arith.constant 0 : i32
    %sign3A_4 = arith.cmpi slt, %arg1, %sign3A_3 : i32
    %sign3A_5 = arith.extui %sign3A_4 : i1 to i32
    %sign3A_6 = arith.subi %sign3A_2, %sign3A_5 : i32
    %sign3A_7 = arith.constant 0 : i32
    %sign3A_8 = arith.cmpi sgt, %jit3A, %sign3A_7 : i32
    %sign3A_9 = arith.extui %sign3A_8 : i1 to i32
    %sign3A_10 = arith.constant 0 : i32
    %sign3A_11 = arith.cmpi slt, %jit3A, %sign3A_10 : i32
    %sign3A_12 = arith.extui %sign3A_11 : i1 to i32
    %sign3A_13 = arith.subi %sign3A_9, %sign3A_12 : i32
    %ne3A = arith.cmpi ne, %sign3A_6, %sign3A_13 : i32
    %rem3A = arith.remsi %arg1, %jit3A : i32
    %ne3A_14 = arith.constant 0 : i32
    %ne3A_15 = arith.cmpi ne, %rem3A, %ne3A_14 : i32
    %and3A = arith.andi %ne3A, %ne3A_15 : i1
    %sub3A = arith.constant 1 : i32
    %sub3A_16 = arith.subi %div3A, %sub3A : i32
    %select_n3A = arith.select %and3A, %sub3A_16, %div3A : i32
    %add3A = arith.addi %mul3A_0, %select_n3A : i32
    %jit3A_17 = arith.constant 2 : i32
    %eq3A = arith.constant 0 : i32
    %eq3A_18 = arith.cmpi eq, %jit3A_17, %eq3A : i32
    %jit3A_19 = arith.constant 1 : i32
    %select_n3A_20 = arith.select %eq3A_18, %jit3A_19, %jit3A_17 : i32
    %rem3A_21 = arith.remsi %arg1, %select_n3A_20 : i32
    %ne3A_22 = arith.constant 0 : i32
    %ne3A_23 = arith.cmpi ne, %rem3A_21, %ne3A_22 : i32
    %lt3A = arith.constant 0 : i32
    %lt3A_24 = arith.cmpi slt, %rem3A_21, %lt3A : i32
    %lt3A_25 = arith.constant 0 : i32
    %lt3A_26 = arith.cmpi slt, %select_n3A_20, %lt3A_25 : i32
    %ne3A_27 = arith.xori %lt3A_24, %lt3A_26 : i1
    %and3A_28 = arith.andi %ne3A_27, %ne3A_23 : i1
    %add3A_29 = arith.addi %rem3A_21, %select_n3A_20 : i32
    %select_n3A_30 = arith.select %and3A_28, %add3A_29, %rem3A_21 : i32
    %mul3A_31 = arith.constant 768 : i32
    %mul3A_32 = arith.muli %add3A, %mul3A_31 : i32
    %mul3A_33 = arith.constant 384 : i32
    %mul3A_34 = arith.muli %select_n3A_30, %mul3A_33 : i32
    %add3A_35 = arith.addi %mul3A_32, %mul3A_34 : i32
    %mul3A_36 = arith.constant 256 : i32
    %mul3A_37 = arith.muli %arg1, %mul3A_36 : i32
    %mul3A_38 = arith.constant 256 : i32
    %mul3A_39 = arith.muli %arg1, %mul3A_38 : i32
    "tpu.region"() ({
      %run_scoped3A = tpu.sem_alloc : memref<!tpu.dma_semaphore, #tpu.memory_space<semaphore_mem>>
      %dma_start3A_1619 = arith.constant 0 : i32
      %dma_start3A_1620 = tpu.memref_slice %arg8[%mul3A_39, %dma_start3A_1619] : memref<4096x128xf32, #tpu.memory_space<vmem_shared>> -> memref<256x128xf32, #tpu.memory_space<vmem_shared>>
      %dma_start3A_1621 = arith.constant 0 : i32
      %dma_start3A_1622 = tpu.memref_slice %arg6[%mul3A_37, %dma_start3A_1621] : memref<4096x128xf32, #tpu.memory_space<hbm>> -> memref<256x128xf32, #tpu.memory_space<hbm>>
      tpu.enqueue_dma source(%dma_start3A_1622 : memref<256x128xf32, #tpu.memory_space<hbm>>) target(%dma_start3A_1620 : memref<256x128xf32, #tpu.memory_space<vmem_shared>>) target_semaphore(%run_scoped3A : memref<!tpu.dma_semaphore, #tpu.memory_space<semaphore_mem>>)
      %dma_wait3A_1623 = arith.constant 0 : i32
      %dma_wait3A_1624 = tpu.memref_slice %arg8[%mul3A_39, %dma_wait3A_1623] : memref<4096x128xf32, #tpu.memory_space<vmem_shared>> -> memref<256x128xf32, #tpu.memory_space<vmem_shared>>
      %dma_wait3A_1625 = arith.constant 0 : i32
      %dma_wait3A_1626 = tpu.memref_slice %arg6[%mul3A_37, %dma_wait3A_1625] : memref<4096x128xf32, #tpu.memory_space<hbm>> -> memref<256x128xf32, #tpu.memory_space<hbm>>
      tpu.wait_dma2 semaphore(%run_scoped3A : memref<!tpu.dma_semaphore, #tpu.memory_space<semaphore_mem>>) src(%dma_wait3A_1626 : memref<256x128xf32, #tpu.memory_space<hbm>>) dst(%dma_wait3A_1624 : memref<256x128xf32, #tpu.memory_space<vmem_shared>>)
      tpu.yield
    }) : () -> ()
    %dma_start3A = tpu.memref_slice %arg2[%add3A_35] : memref<12288xi32, #tpu.memory_space<hbm>> -> memref<384xi32, #tpu.memory_space<hbm>>
    %dma_start3A_40 = tpu.memref_slice %arg2[%add3A_35] : memref<12288xi32, #tpu.memory_space<hbm>> -> memref<384xi32, #tpu.memory_space<hbm>>
    tpu.enqueue_dma source(%dma_start3A_40 : memref<384xi32, #tpu.memory_space<hbm>>) target(%arg12 : memref<384xi32, #tpu.memory_space<vmem>>) target_semaphore(%arg16 : memref<!tpu.dma_semaphore, #tpu.memory_space<semaphore_mem>>)
    %dma_start3A_41 = tpu.memref_slice %arg3[%add3A_35] : memref<12288xi32, #tpu.memory_space<hbm>> -> memref<384xi32, #tpu.memory_space<hbm>>
    %dma_start3A_42 = tpu.memref_slice %arg3[%add3A_35] : memref<12288xi32, #tpu.memory_space<hbm>> -> memref<384xi32, #tpu.memory_space<hbm>>
    tpu.enqueue_dma source(%dma_start3A_42 : memref<384xi32, #tpu.memory_space<hbm>>) target(%arg13 : memref<384xi32, #tpu.memory_space<vmem>>) target_semaphore(%arg17 : memref<!tpu.dma_semaphore, #tpu.memory_space<semaphore_mem>>)
    %dma_start3A_43 = tpu.memref_slice %arg4[%add3A_35] : memref<12288xi32, #tpu.memory_space<hbm>> -> memref<384xi32, #tpu.memory_space<hbm>>
    %dma_start3A_44 = tpu.memref_slice %arg4[%add3A_35] : memref<12288xi32, #tpu.memory_space<hbm>> -> memref<384xi32, #tpu.memory_space<hbm>>
    tpu.enqueue_dma source(%dma_start3A_44 : memref<384xi32, #tpu.memory_space<hbm>>) target(%arg14 : memref<384xi32, #tpu.memory_space<vmem>>) target_semaphore(%arg18 : memref<!tpu.dma_semaphore, #tpu.memory_space<semaphore_mem>>)
    %dma_start3A_45 = tpu.memref_slice %arg5[%add3A_35] : memref<12288xi32, #tpu.memory_space<hbm>> -> memref<384xi32, #tpu.memory_space<hbm>>
    %dma_start3A_46 = tpu.memref_slice %arg5[%add3A_35] : memref<12288xi32, #tpu.memory_space<hbm>> -> memref<384xi32, #tpu.memory_space<hbm>>
    tpu.enqueue_dma source(%dma_start3A_46 : memref<384xi32, #tpu.memory_space<hbm>>) target(%arg15 : memref<384xi32, #tpu.memory_space<vmem>>) target_semaphore(%arg19 : memref<!tpu.dma_semaphore, #tpu.memory_space<semaphore_mem>>)
    %dma_wait3A = tpu.memref_slice %arg2[%add3A_35] : memref<12288xi32, #tpu.memory_space<hbm>> -> memref<384xi32, #tpu.memory_space<hbm>>
    %dma_wait3A_47 = tpu.memref_slice %arg2[%add3A_35] : memref<12288xi32, #tpu.memory_space<hbm>> -> memref<384xi32, #tpu.memory_space<hbm>>
    tpu.wait_dma2 semaphore(%arg16 : memref<!tpu.dma_semaphore, #tpu.memory_space<semaphore_mem>>) src(%dma_wait3A_47 : memref<384xi32, #tpu.memory_space<hbm>>) dst(%arg12 : memref<384xi32, #tpu.memory_space<vmem>>)
    %dma_wait3A_48 = tpu.memref_slice %arg3[%add3A_35] : memref<12288xi32, #tpu.memory_space<hbm>> -> memref<384xi32, #tpu.memory_space<hbm>>
    %dma_wait3A_49 = tpu.memref_slice %arg3[%add3A_35] : memref<12288xi32, #tpu.memory_space<hbm>> -> memref<384xi32, #tpu.memory_space<hbm>>
    tpu.wait_dma2 semaphore(%arg17 : memref<!tpu.dma_semaphore, #tpu.memory_space<semaphore_mem>>) src(%dma_wait3A_49 : memref<384xi32, #tpu.memory_space<hbm>>) dst(%arg13 : memref<384xi32, #tpu.memory_space<vmem>>)
    %dma_wait3A_50 = tpu.memref_slice %arg4[%add3A_35] : memref<12288xi32, #tpu.memory_space<hbm>> -> memref<384xi32, #tpu.memory_space<hbm>>
    %dma_wait3A_51 = tpu.memref_slice %arg4[%add3A_35] : memref<12288xi32, #tpu.memory_space<hbm>> -> memref<384xi32, #tpu.memory_space<hbm>>
    tpu.wait_dma2 semaphore(%arg18 : memref<!tpu.dma_semaphore, #tpu.memory_space<semaphore_mem>>) src(%dma_wait3A_51 : memref<384xi32, #tpu.memory_space<hbm>>) dst(%arg14 : memref<384xi32, #tpu.memory_space<vmem>>)
    %dma_wait3A_52 = tpu.memref_slice %arg5[%add3A_35] : memref<12288xi32, #tpu.memory_space<hbm>> -> memref<384xi32, #tpu.memory_space<hbm>>
    %dma_wait3A_53 = tpu.memref_slice %arg5[%add3A_35] : memref<12288xi32, #tpu.memory_space<hbm>> -> memref<384xi32, #tpu.memory_space<hbm>>
    tpu.wait_dma2 semaphore(%arg19 : memref<!tpu.dma_semaphore, #tpu.memory_space<semaphore_mem>>) src(%dma_wait3A_53 : memref<384xi32, #tpu.memory_space<hbm>>) dst(%arg15 : memref<384xi32, #tpu.memory_space<vmem>>)
    %get3A = arith.constant 0 : index
    %get3A_54 = tpu.vector_load %arg12[%get3A] {strides = array<i32>} : memref<384xi32, #tpu.memory_space<vmem>>, vector<16xi32>,
    %get3A_55 = vector.shape_cast %get3A_54 : vector<16xi32> to vector<16xi32>
    %get3A_56 = arith.constant 0 : index
    %get3A_57 = tpu.vector_load %arg13[%get3A_56] {strides = array<i32>} : memref<384xi32, #tpu.memory_space<vmem>>, vector<16xi32>,
    %get3A_58 = vector.shape_cast %get3A_57 : vector<16xi32> to vector<16xi32>
    %get3A_59 = arith.constant 0 : index
    %get3A_60 = tpu.vector_load %arg14[%get3A_59] {strides = array<i32>} : memref<384xi32, #tpu.memory_space<vmem>>, vector<16xi32>,
    %get3A_61 = vector.shape_cast %get3A_60 : vector<16xi32> to vector<16xi32>
    %get3A_62 = arith.constant 0 : index
    %get3A_63 = tpu.vector_load %arg15[%get3A_62] {strides = array<i32>} : memref<384xi32, #tpu.memory_space<vmem>>, vector<16xi32>,
    %get3A_64 = vector.shape_cast %get3A_63 : vector<16xi32> to vector<16xi32>
    %swap3A = arith.constant 0 : index
    %swap3A_65 = tpu.vector_load %arg11[%swap3A] {strides = array<i32>} : memref<2304xi32, #tpu.memory_space<vmem>>, vector<16xi32>,
    %swap3A_66 = vector.shape_cast %swap3A_65 : vector<16xi32> to vector<16xi32>
    %swap3A_67 = vector.shape_cast %get3A_55 : vector<16xi32> to vector<16xi32>
    tpu.vector_store %arg11[%swap3A], %swap3A_67 {strides = array<i32>} : memref<2304xi32, #tpu.memory_space<vmem>>, vector<16xi32>,
    %add3A_68 = arith.constant 1024 : i32
    %add3A_69 = vector.broadcast %add3A_68 : i32 to vector<16xi32>
    %add3A_70 = arith.addi %get3A_58, %add3A_69 : vector<16xi32>
    %swap3A_71 = arith.constant 384 : index
    %swap3A_72 = tpu.vector_load %arg11[%swap3A_71] {strides = array<i32>} : memref<2304xi32, #tpu.memory_space<vmem>>, vector<16xi32>,
    %swap3A_73 = vector.shape_cast %swap3A_72 : vector<16xi32> to vector<16xi32>
    %swap3A_74 = vector.shape_cast %add3A_70 : vector<16xi32> to vector<16xi32>
    tpu.vector_store %arg11[%swap3A_71], %swap3A_74 {strides = array<i32>} : memref<2304xi32, #tpu.memory_space<vmem>>, vector<16xi32>,
    %add3A_75 = arith.addi %get3A_55, %get3A_61 : vector<16xi32>
    %swap3A_76 = arith.constant 768 : index
    %swap3A_77 = tpu.vector_load %arg11[%swap3A_76] {strides = array<i32>} : memref<2304xi32, #tpu.memory_space<vmem>>, vector<16xi32>,
    %swap3A_78 = vector.shape_cast %swap3A_77 : vector<16xi32> to vector<16xi32>
    %swap3A_79 = vector.shape_cast %add3A_75 : vector<16xi32> to vector<16xi32>
    tpu.vector_store %arg11[%swap3A_76], %swap3A_79 {strides = array<i32>} : memref<2304xi32, #tpu.memory_space<vmem>>, vector<16xi32>,
    %add3A_80 = arith.addi %get3A_58, %get3A_64 : vector<16xi32>
    %add3A_81 = arith.constant 1024 : i32
    %add3A_82 = vector.broadcast %add3A_81 : i32 to vector<16xi32>
    %add3A_83 = arith.addi %add3A_80, %add3A_82 : vector<16xi32>
    %swap3A_84 = arith.constant 1152 : index
    %swap3A_85 = tpu.vector_load %arg11[%swap3A_84] {strides = array<i32>} : memref<2304xi32, #tpu.memory_space<vmem>>, vector<16xi32>,
    %swap3A_86 = vector.shape_cast %swap3A_85 : vector<16xi32> to vector<16xi32>
    %swap3A_87 = vector.shape_cast %add3A_83 : vector<16xi32> to vector<16xi32>
    tpu.vector_store %arg11[%swap3A_84], %swap3A_87 {strides = array<i32>} : memref<2304xi32, #tpu.memory_space<vmem>>, vector<16xi32>,
    %add3A_88 = arith.constant 2048 : i32
    %add3A_89 = vector.broadcast %add3A_88 : i32 to vector<16xi32>
    %add3A_90 = arith.addi %get3A_64, %add3A_89 : vector<16xi32>
    %swap3A_91 = arith.constant 1536 : index
    %swap3A_92 = tpu.vector_load %arg11[%swap3A_91] {strides = array<i32>} : memref<2304xi32, #tpu.memory_space<vmem>>, vector<16xi32>,
    %swap3A_93 = vector.shape_cast %swap3A_92 : vector<16xi32> to vector<16xi32>
    %swap3A_94 = vector.shape_cast %add3A_90 : vector<16xi32> to vector<16xi32>
    tpu.vector_store %arg11[%swap3A_91], %swap3A_94 {strides = array<i32>} : memref<2304xi32, #tpu.memory_space<vmem>>, vector<16xi32>,
    %add3A_95 = arith.constant 3072 : i32
    %add3A_96 = vector.broadcast %add3A_95 : i32 to vector<16xi32>
    %add3A_97 = arith.addi %get3A_61, %add3A_96 : vector<16xi32>
    %swap3A_98 = arith.constant 1920 : index
    %swap3A_99 = tpu.vector_load %arg11[%swap3A_98] {strides = array<i32>} : memref<2304xi32, #tpu.memory_space<vmem>>, vector<16xi32>,
    %swap3A_100 = vector.shape_cast %swap3A_99 : vector<16xi32> to vector<16xi32>
    %swap3A_101 = vector.shape_cast %add3A_97 : vector<16xi32> to vector<16xi32>
    tpu.vector_store %arg11[%swap3A_98], %swap3A_101 {strides = array<i32>} : memref<2304xi32, #tpu.memory_space<vmem>>, vector<16xi32>,
    %get3A_102 = arith.constant 16 : index
    %get3A_103 = tpu.vector_load %arg12[%get3A_102] {strides = array<i32>} : memref<384xi32, #tpu.memory_space<vmem>>, vector<16xi32>,
    %get3A_104 = vector.shape_cast %get3A_103 : vector<16xi32> to vector<16xi32>
    %get3A_105 = arith.constant 16 : index
    %get3A_106 = tpu.vector_load %arg13[%get3A_105] {strides = array<i32>} : memref<384xi32, #tpu.memory_space<vmem>>, vector<16xi32>,
    %get3A_107 = vector.shape_cast %get3A_106 : vector<16xi32> to vector<16xi32>
    %get3A_108 = arith.constant 16 : index
    %get3A_109 = tpu.vector_load %arg14[%get3A_108] {strides = array<i32>} : memref<384xi32, #tpu.memory_space<vmem>>, vector<16xi32>,
    %get3A_110 = vector.shape_cast %get3A_109 : vector<16xi32> to vector<16xi32>
    %get3A_111 = arith.constant 16 : index
    %get3A_112 = tpu.vector_load %arg15[%get3A_111] {strides = array<i32>} : memref<384xi32, #tpu.memory_space<vmem>>, vector<16xi32>,
    %get3A_113 = vector.shape_cast %get3A_112 : vector<16xi32> to vector<16xi32>
    %swap3A_114 = arith.constant 16 : index
    %swap3A_115 = tpu.vector_load %arg11[%swap3A_114] {strides = array<i32>} : memref<2304xi32, #tpu.memory_space<vmem>>, vector<16xi32>,
    %swap3A_116 = vector.shape_cast %swap3A_115 : vector<16xi32> to vector<16xi32>
    %swap3A_117 = vector.shape_cast %get3A_104 : vector<16xi32> to vector<16xi32>
    tpu.vector_store %arg11[%swap3A_114], %swap3A_117 {strides = array<i32>} : memref<2304xi32, #tpu.memory_space<vmem>>, vector<16xi32>,
    %add3A_118 = arith.constant 1024 : i32
    %add3A_119 = vector.broadcast %add3A_118 : i32 to vector<16xi32>
    %add3A_120 = arith.addi %get3A_107, %add3A_119 : vector<16xi32>
    %swap3A_121 = arith.constant 400 : index
    %swap3A_122 = tpu.vector_load %arg11[%swap3A_121] {strides = array<i32>} : memref<2304xi32, #tpu.memory_space<vmem>>, vector<16xi32>,
    %swap3A_123 = vector.shape_cast %swap3A_122 : vector<16xi32> to vector<16xi32>
    %swap3A_124 = vector.shape_cast %add3A_120 : vector<16xi32> to vector<16xi32>
    tpu.vector_store %arg11[%swap3A_121], %swap3A_124 {strides = array<i32>} : memref<2304xi32, #tpu.memory_space<vmem>>, vector<16xi32>,
    %add3A_125 = arith.addi %get3A_104, %get3A_110 : vector<16xi32>
    %swap3A_126 = arith.constant 784 : index
    %swap3A_127 = tpu.vector_load %arg11[%swap3A_126] {strides = array<i32>} : memref<2304xi32, #tpu.memory_space<vmem>>, vector<16xi32>,
    %swap3A_128 = vector.shape_cast %swap3A_127 : vector<16xi32> to vector<16xi32>
    %swap3A_129 = vector.shape_cast %add3A_125 : vector<16xi32> to vector<16xi32>
    tpu.vector_store %arg11[%swap3A_126], %swap3A_129 {strides = array<i32>} : memref<2304xi32, #tpu.memory_space<vmem>>, vector<16xi32>,
    %add3A_130 = arith.addi %get3A_107, %get3A_113 : vector<16xi32>
    %add3A_131 = arith.constant 1024 : i32
    %add3A_132 = vector.broadcast %add3A_131 : i32 to vector<16xi32>
    %add3A_133 = arith.addi %add3A_130, %add3A_132 : vector<16xi32>
    %swap3A_134 = arith.constant 1168 : index
    %swap3A_135 = tpu.vector_load %arg11[%swap3A_134] {strides = array<i32>} : memref<2304xi32, #tpu.memory_space<vmem>>, vector<16xi32>,
    %swap3A_136 = vector.shape_cast %swap3A_135 : vector<16xi32> to vector<16xi32>
    %swap3A_137 = vector.shape_cast %add3A_133 : vector<16xi32> to vector<16xi32>
    tpu.vector_store %arg11[%swap3A_134], %swap3A_137 {strides = array<i32>} : memref<2304xi32, #tpu.memory_space<vmem>>, vector<16xi32>,
    %add3A_138 = arith.constant 2048 : i32
    %add3A_139 = vector.broadcast %add3A_138 : i32 to vector<16xi32>
    %add3A_140 = arith.addi %get3A_113, %add3A_139 : vector<16xi32>
    %swap3A_141 = arith.constant 1552 : index
    %swap3A_142 = tpu.vector_load %arg11[%swap3A_141] {strides = array<i32>} : memref<2304xi32, #tpu.memory_space<vmem>>, vector<16xi32>,
    %swap3A_143 = vector.shape_cast %swap3A_142 : vector<16xi32> to vector<16xi32>
    %swap3A_144 = vector.shape_cast %add3A_140 : vector<16xi32> to vector<16xi32>
    tpu.vector_store %arg11[%swap3A_141], %swap3A_144 {strides = array<i32>} : memref<2304xi32, #tpu.memory_space<vmem>>, vector<16xi32>,
    %add3A_145 = arith.constant 3072 : i32
    %add3A_146 = vector.broadcast %add3A_145 : i32 to vector<16xi32>
    %add3A_147 = arith.addi %get3A_110, %add3A_146 : vector<16xi32>
    %swap3A_148 = arith.constant 1936 : index
    %swap3A_149 = tpu.vector_load %arg11[%swap3A_148] {strides = array<i32>} : memref<2304xi32, #tpu.memory_space<vmem>>, vector<16xi32>,
    %swap3A_150 = vector.shape_cast %swap3A_149 : vector<16xi32> to vector<16xi32>
    %swap3A_151 = vector.shape_cast %add3A_147 : vector<16xi32> to vector<16xi32>
    tpu.vector_store %arg11[%swap3A_148], %swap3A_151 {strides = array<i32>} : memref<2304xi32, #tpu.memory_space<vmem>>, vector<16xi32>,
    %get3A_152 = arith.constant 32 : index
    %get3A_153 = tpu.vector_load %arg12[%get3A_152] {strides = array<i32>} : memref<384xi32, #tpu.memory_space<vmem>>, vector<16xi32>,
    %get3A_154 = vector.shape_cast %get3A_153 : vector<16xi32> to vector<16xi32>
    %get3A_155 = arith.constant 32 : index
    %get3A_156 = tpu.vector_load %arg13[%get3A_155] {strides = array<i32>} : memref<384xi32, #tpu.memory_space<vmem>>, vector<16xi32>,
    %get3A_157 = vector.shape_cast %get3A_156 : vector<16xi32> to vector<16xi32>
    %get3A_158 = arith.constant 32 : index
    %get3A_159 = tpu.vector_load %arg14[%get3A_158] {strides = array<i32>} : memref<384xi32, #tpu.memory_space<vmem>>, vector<16xi32>,
    %get3A_160 = vector.shape_cast %get3A_159 : vector<16xi32> to vector<16xi32>
    %get3A_161 = arith.constant 32 : index
    %get3A_162 = tpu.vector_load %arg15[%get3A_161] {strides = array<i32>} : memref<384xi32, #tpu.memory_space<vmem>>, vector<16xi32>,
    %get3A_163 = vector.shape_cast %get3A_162 : vector<16xi32> to vector<16xi32>
    %swap3A_164 = arith.constant 32 : index
    %swap3A_165 = tpu.vector_load %arg11[%swap3A_164] {strides = array<i32>} : memref<2304xi32, #tpu.memory_space<vmem>>, vector<16xi32>,
    %swap3A_166 = vector.shape_cast %swap3A_165 : vector<16xi32> to vector<16xi32>
    %swap3A_167 = vector.shape_cast %get3A_154 : vector<16xi32> to vector<16xi32>
    tpu.vector_store %arg11[%swap3A_164], %swap3A_167 {strides = array<i32>} : memref<2304xi32, #tpu.memory_space<vmem>>, vector<16xi32>,
    %add3A_168 = arith.constant 1024 : i32
    %add3A_169 = vector.broadcast %add3A_168 : i32 to vector<16xi32>
    %add3A_170 = arith.addi %get3A_157, %add3A_169 : vector<16xi32>
    %swap3A_171 = arith.constant 416 : index
    %swap3A_172 = tpu.vector_load %arg11[%swap3A_171] {strides = array<i32>} : memref<2304xi32, #tpu.memory_space<vmem>>, vector<16xi32>,
    %swap3A_173 = vector.shape_cast %swap3A_172 : vector<16xi32> to vector<16xi32>
    %swap3A_174 = vector.shape_cast %add3A_170 : vector<16xi32> to vector<16xi32>
    tpu.vector_store %arg11[%swap3A_171], %swap3A_174 {strides = array<i32>} : memref<2304xi32, #tpu.memory_space<vmem>>, vector<16xi32>,
    %add3A_175 = arith.addi %get3A_154, %get3A_160 : vector<16xi32>
    %swap3A_176 = arith.constant 800 : index
    %swap3A_177 = tpu.vector_load %arg11[%swap3A_176] {strides = array<i32>} : memref<2304xi32, #tpu.memory_space<vmem>>, vector<16xi32>,
    %swap3A_178 = vector.shape_cast %swap3A_177 : vector<16xi32> to vector<16xi32>
    %swap3A_179 = vector.shape_cast %add3A_175 : vector<16xi32> to vector<16xi32>
    tpu.vector_store %arg11[%swap3A_176], %swap3A_179 {strides = array<i32>} : memref<2304xi32, #tpu.memory_space<vmem>>, vector<16xi32>,
    %add3A_180 = arith.addi %get3A_157, %get3A_163 : vector<16xi32>
    %add3A_181 = arith.constant 1024 : i32
    %add3A_182 = vector.broadcast %add3A_181 : i32 to vector<16xi32>
    %add3A_183 = arith.addi %add3A_180, %add3A_182 : vector<16xi32>
    %swap3A_184 = arith.constant 1184 : index
    %swap3A_185 = tpu.vector_load %arg11[%swap3A_184] {strides = array<i32>} : memref<2304xi32, #tpu.memory_space<vmem>>, vector<16xi32>,
    %swap3A_186 = vector.shape_cast %swap3A_185 : vector<16xi32> to vector<16xi32>
    %swap3A_187 = vector.shape_cast %add3A_183 : vector<16xi32> to vector<16xi32>
    tpu.vector_store %arg11[%swap3A_184], %swap3A_187 {strides = array<i32>} : memref<2304xi32, #tpu.memory_space<vmem>>, vector<16xi32>,
    %add3A_188 = arith.constant 2048 : i32
    %add3A_189 = vector.broadcast %add3A_188 : i32 to vector<16xi32>
    %add3A_190 = arith.addi %get3A_163, %add3A_189 : vector<16xi32>
    %swap3A_191 = arith.constant 1568 : index
    %swap3A_192 = tpu.vector_load %arg11[%swap3A_191] {strides = array<i32>} : memref<2304xi32, #tpu.memory_space<vmem>>, vector<16xi32>,
    %swap3A_193 = vector.shape_cast %swap3A_192 : vector<16xi32> to vector<16xi32>
    %swap3A_194 = vector.shape_cast %add3A_190 : vector<16xi32> to vector<16xi32>
    tpu.vector_store %arg11[%swap3A_191], %swap3A_194 {strides = array<i32>} : memref<2304xi32, #tpu.memory_space<vmem>>, vector<16xi32>,
    %add3A_195 = arith.constant 3072 : i32
    %add3A_196 = vector.broadcast %add3A_195 : i32 to vector<16xi32>
    %add3A_197 = arith.addi %get3A_160, %add3A_196 : vector<16xi32>
    %swap3A_198 = arith.constant 1952 : index
    %swap3A_199 = tpu.vector_load %arg11[%swap3A_198] {strides = array<i32>} : memref<2304xi32, #tpu.memory_space<vmem>>, vector<16xi32>,
    %swap3A_200 = vector.shape_cast %swap3A_199 : vector<16xi32> to vector<16xi32>
    %swap3A_201 = vector.shape_cast %add3A_197 : vector<16xi32> to vector<16xi32>
    tpu.vector_store %arg11[%swap3A_198], %swap3A_201 {strides = array<i32>} : memref<2304xi32, #tpu.memory_space<vmem>>, vector<16xi32>,
    %get3A_202 = arith.constant 48 : index
    %get3A_203 = tpu.vector_load %arg12[%get3A_202] {strides = array<i32>} : memref<384xi32, #tpu.memory_space<vmem>>, vector<16xi32>,
    %get3A_204 = vector.shape_cast %get3A_203 : vector<16xi32> to vector<16xi32>
    %get3A_205 = arith.constant 48 : index
    %get3A_206 = tpu.vector_load %arg13[%get3A_205] {strides = array<i32>} : memref<384xi32, #tpu.memory_space<vmem>>, vector<16xi32>,
    %get3A_207 = vector.shape_cast %get3A_206 : vector<16xi32> to vector<16xi32>
    %get3A_208 = arith.constant 48 : index
    %get3A_209 = tpu.vector_load %arg14[%get3A_208] {strides = array<i32>} : memref<384xi32, #tpu.memory_space<vmem>>, vector<16xi32>,
    %get3A_210 = vector.shape_cast %get3A_209 : vector<16xi32> to vector<16xi32>
    %get3A_211 = arith.constant 48 : index
    %get3A_212 = tpu.vector_load %arg15[%get3A_211] {strides = array<i32>} : memref<384xi32, #tpu.memory_space<vmem>>, vector<16xi32>,
    %get3A_213 = vector.shape_cast %get3A_212 : vector<16xi32> to vector<16xi32>
    %swap3A_214 = arith.constant 48 : index
    %swap3A_215 = tpu.vector_load %arg11[%swap3A_214] {strides = array<i32>} : memref<2304xi32, #tpu.memory_space<vmem>>, vector<16xi32>,
    %swap3A_216 = vector.shape_cast %swap3A_215 : vector<16xi32> to vector<16xi32>
    %swap3A_217 = vector.shape_cast %get3A_204 : vector<16xi32> to vector<16xi32>
    tpu.vector_store %arg11[%swap3A_214], %swap3A_217 {strides = array<i32>} : memref<2304xi32, #tpu.memory_space<vmem>>, vector<16xi32>,
    %add3A_218 = arith.constant 1024 : i32
    %add3A_219 = vector.broadcast %add3A_218 : i32 to vector<16xi32>
    %add3A_220 = arith.addi %get3A_207, %add3A_219 : vector<16xi32>
    %swap3A_221 = arith.constant 432 : index
    %swap3A_222 = tpu.vector_load %arg11[%swap3A_221] {strides = array<i32>} : memref<2304xi32, #tpu.memory_space<vmem>>, vector<16xi32>,
    %swap3A_223 = vector.shape_cast %swap3A_222 : vector<16xi32> to vector<16xi32>
    %swap3A_224 = vector.shape_cast %add3A_220 : vector<16xi32> to vector<16xi32>
    tpu.vector_store %arg11[%swap3A_221], %swap3A_224 {strides = array<i32>} : memref<2304xi32, #tpu.memory_space<vmem>>, vector<16xi32>,
    %add3A_225 = arith.addi %get3A_204, %get3A_210 : vector<16xi32>
    %swap3A_226 = arith.constant 816 : index
    %swap3A_227 = tpu.vector_load %arg11[%swap3A_226] {strides = array<i32>} : memref<2304xi32, #tpu.memory_space<vmem>>, vector<16xi32>,
    %swap3A_228 = vector.shape_cast %swap3A_227 : vector<16xi32> to vector<16xi32>
    %swap3A_229 = vector.shape_cast %add3A_225 : vector<16xi32> to vector<16xi32>
    tpu.vector_store %arg11[%swap3A_226], %swap3A_229 {strides = array<i32>} : memref<2304xi32, #tpu.memory_space<vmem>>, vector<16xi32>,
    %add3A_230 = arith.addi %get3A_207, %get3A_213 : vector<16xi32>
    %add3A_231 = arith.constant 1024 : i32
    %add3A_232 = vector.broadcast %add3A_231 : i32 to vector<16xi32>
    %add3A_233 = arith.addi %add3A_230, %add3A_232 : vector<16xi32>
    %swap3A_234 = arith.constant 1200 : index
    %swap3A_235 = tpu.vector_load %arg11[%swap3A_234] {strides = array<i32>} : memref<2304xi32, #tpu.memory_space<vmem>>, vector<16xi32>,
    %swap3A_236 = vector.shape_cast %swap3A_235 : vector<16xi32> to vector<16xi32>
    %swap3A_237 = vector.shape_cast %add3A_233 : vector<16xi32> to vector<16xi32>
    tpu.vector_store %arg11[%swap3A_234], %swap3A_237 {strides = array<i32>} : memref<2304xi32, #tpu.memory_space<vmem>>, vector<16xi32>,
    %add3A_238 = arith.constant 2048 : i32
    %add3A_239 = vector.broadcast %add3A_238 : i32 to vector<16xi32>
    %add3A_240 = arith.addi %get3A_213, %add3A_239 : vector<16xi32>
    %swap3A_241 = arith.constant 1584 : index
    %swap3A_242 = tpu.vector_load %arg11[%swap3A_241] {strides = array<i32>} : memref<2304xi32, #tpu.memory_space<vmem>>, vector<16xi32>,
    %swap3A_243 = vector.shape_cast %swap3A_242 : vector<16xi32> to vector<16xi32>
    %swap3A_244 = vector.shape_cast %add3A_240 : vector<16xi32> to vector<16xi32>
    tpu.vector_store %arg11[%swap3A_241], %swap3A_244 {strides = array<i32>} : memref<2304xi32, #tpu.memory_space<vmem>>, vector<16xi32>,
    %add3A_245 = arith.constant 3072 : i32
    %add3A_246 = vector.broadcast %add3A_245 : i32 to vector<16xi32>
    %add3A_247 = arith.addi %get3A_210, %add3A_246 : vector<16xi32>
    %swap3A_248 = arith.constant 1968 : index
    %swap3A_249 = tpu.vector_load %arg11[%swap3A_248] {strides = array<i32>} : memref<2304xi32, #tpu.memory_space<vmem>>, vector<16xi32>,
    %swap3A_250 = vector.shape_cast %swap3A_249 : vector<16xi32> to vector<16xi32>
    %swap3A_251 = vector.shape_cast %add3A_247 : vector<16xi32> to vector<16xi32>
    tpu.vector_store %arg11[%swap3A_248], %swap3A_251 {strides = array<i32>} : memref<2304xi32, #tpu.memory_space<vmem>>, vector<16xi32>,
    %get3A_252 = arith.constant 64 : index
    %get3A_253 = tpu.vector_load %arg12[%get3A_252] {strides = array<i32>} : memref<384xi32, #tpu.memory_space<vmem>>, vector<16xi32>,
    %get3A_254 = vector.shape_cast %get3A_253 : vector<16xi32> to vector<16xi32>
    %get3A_255 = arith.constant 64 : index
    %get3A_256 = tpu.vector_load %arg13[%get3A_255] {strides = array<i32>} : memref<384xi32, #tpu.memory_space<vmem>>, vector<16xi32>,
    %get3A_257 = vector.shape_cast %get3A_256 : vector<16xi32> to vector<16xi32>
    %get3A_258 = arith.constant 64 : index
    %get3A_259 = tpu.vector_load %arg14[%get3A_258] {strides = array<i32>} : memref<384xi32, #tpu.memory_space<vmem>>, vector<16xi32>,
    %get3A_260 = vector.shape_cast %get3A_259 : vector<16xi32> to vector<16xi32>
    %get3A_261 = arith.constant 64 : index
    %get3A_262 = tpu.vector_load %arg15[%get3A_261] {strides = array<i32>} : memref<384xi32, #tpu.memory_space<vmem>>, vector<16xi32>,
    %get3A_263 = vector.shape_cast %get3A_262 : vector<16xi32> to vector<16xi32>
    %swap3A_264 = arith.constant 64 : index
    %swap3A_265 = tpu.vector_load %arg11[%swap3A_264] {strides = array<i32>} : memref<2304xi32, #tpu.memory_space<vmem>>, vector<16xi32>,
    %swap3A_266 = vector.shape_cast %swap3A_265 : vector<16xi32> to vector<16xi32>
    %swap3A_267 = vector.shape_cast %get3A_254 : vector<16xi32> to vector<16xi32>
    tpu.vector_store %arg11[%swap3A_264], %swap3A_267 {strides = array<i32>} : memref<2304xi32, #tpu.memory_space<vmem>>, vector<16xi32>,
    %add3A_268 = arith.constant 1024 : i32
    %add3A_269 = vector.broadcast %add3A_268 : i32 to vector<16xi32>
    %add3A_270 = arith.addi %get3A_257, %add3A_269 : vector<16xi32>
    %swap3A_271 = arith.constant 448 : index
    %swap3A_272 = tpu.vector_load %arg11[%swap3A_271] {strides = array<i32>} : memref<2304xi32, #tpu.memory_space<vmem>>, vector<16xi32>,
    %swap3A_273 = vector.shape_cast %swap3A_272 : vector<16xi32> to vector<16xi32>
    %swap3A_274 = vector.shape_cast %add3A_270 : vector<16xi32> to vector<16xi32>
    tpu.vector_store %arg11[%swap3A_271], %swap3A_274 {strides = array<i32>} : memref<2304xi32, #tpu.memory_space<vmem>>, vector<16xi32>,
    %add3A_275 = arith.addi %get3A_254, %get3A_260 : vector<16xi32>
    %swap3A_276 = arith.constant 832 : index
    %swap3A_277 = tpu.vector_load %arg11[%swap3A_276] {strides = array<i32>} : memref<2304xi32, #tpu.memory_space<vmem>>, vector<16xi32>,
    %swap3A_278 = vector.shape_cast %swap3A_277 : vector<16xi32> to vector<16xi32>
    %swap3A_279 = vector.shape_cast %add3A_275 : vector<16xi32> to vector<16xi32>
    tpu.vector_store %arg11[%swap3A_276], %swap3A_279 {strides = array<i32>} : memref<2304xi32, #tpu.memory_space<vmem>>, vector<16xi32>,
    %add3A_280 = arith.addi %get3A_257, %get3A_263 : vector<16xi32>
    %add3A_281 = arith.constant 1024 : i32
    %add3A_282 = vector.broadcast %add3A_281 : i32 to vector<16xi32>
    %add3A_283 = arith.addi %add3A_280, %add3A_282 : vector<16xi32>
    %swap3A_284 = arith.constant 1216 : index
    %swap3A_285 = tpu.vector_load %arg11[%swap3A_284] {strides = array<i32>} : memref<2304xi32, #tpu.memory_space<vmem>>, vector<16xi32>,
    %swap3A_286 = vector.shape_cast %swap3A_285 : vector<16xi32> to vector<16xi32>
    %swap3A_287 = vector.shape_cast %add3A_283 : vector<16xi32> to vector<16xi32>
    tpu.vector_store %arg11[%swap3A_284], %swap3A_287 {strides = array<i32>} : memref<2304xi32, #tpu.memory_space<vmem>>, vector<16xi32>,
    %add3A_288 = arith.constant 2048 : i32
    %add3A_289 = vector.broadcast %add3A_288 : i32 to vector<16xi32>
    %add3A_290 = arith.addi %get3A_263, %add3A_289 : vector<16xi32>
    %swap3A_291 = arith.constant 1600 : index
    %swap3A_292 = tpu.vector_load %arg11[%swap3A_291] {strides = array<i32>} : memref<2304xi32, #tpu.memory_space<vmem>>, vector<16xi32>,
    %swap3A_293 = vector.shape_cast %swap3A_292 : vector<16xi32> to vector<16xi32>
    %swap3A_294 = vector.shape_cast %add3A_290 : vector<16xi32> to vector<16xi32>
    tpu.vector_store %arg11[%swap3A_291], %swap3A_294 {strides = array<i32>} : memref<2304xi32, #tpu.memory_space<vmem>>, vector<16xi32>,
    %add3A_295 = arith.constant 3072 : i32
    %add3A_296 = vector.broadcast %add3A_295 : i32 to vector<16xi32>
    %add3A_297 = arith.addi %get3A_260, %add3A_296 : vector<16xi32>
    %swap3A_298 = arith.constant 1984 : index
    %swap3A_299 = tpu.vector_load %arg11[%swap3A_298] {strides = array<i32>} : memref<2304xi32, #tpu.memory_space<vmem>>, vector<16xi32>,
    %swap3A_300 = vector.shape_cast %swap3A_299 : vector<16xi32> to vector<16xi32>
    %swap3A_301 = vector.shape_cast %add3A_297 : vector<16xi32> to vector<16xi32>
    tpu.vector_store %arg11[%swap3A_298], %swap3A_301 {strides = array<i32>} : memref<2304xi32, #tpu.memory_space<vmem>>, vector<16xi32>,
    %get3A_302 = arith.constant 80 : index
    %get3A_303 = tpu.vector_load %arg12[%get3A_302] {strides = array<i32>} : memref<384xi32, #tpu.memory_space<vmem>>, vector<16xi32>,
    %get3A_304 = vector.shape_cast %get3A_303 : vector<16xi32> to vector<16xi32>
    %get3A_305 = arith.constant 80 : index
    %get3A_306 = tpu.vector_load %arg13[%get3A_305] {strides = array<i32>} : memref<384xi32, #tpu.memory_space<vmem>>, vector<16xi32>,
    %get3A_307 = vector.shape_cast %get3A_306 : vector<16xi32> to vector<16xi32>
    %get3A_308 = arith.constant 80 : index
    %get3A_309 = tpu.vector_load %arg14[%get3A_308] {strides = array<i32>} : memref<384xi32, #tpu.memory_space<vmem>>, vector<16xi32>,
    %get3A_310 = vector.shape_cast %get3A_309 : vector<16xi32> to vector<16xi32>
    %get3A_311 = arith.constant 80 : index
    %get3A_312 = tpu.vector_load %arg15[%get3A_311] {strides = array<i32>} : memref<384xi32, #tpu.memory_space<vmem>>, vector<16xi32>,
    %get3A_313 = vector.shape_cast %get3A_312 : vector<16xi32> to vector<16xi32>
    %swap3A_314 = arith.constant 80 : index
    %swap3A_315 = tpu.vector_load %arg11[%swap3A_314] {strides = array<i32>} : memref<2304xi32, #tpu.memory_space<vmem>>, vector<16xi32>,
    %swap3A_316 = vector.shape_cast %swap3A_315 : vector<16xi32> to vector<16xi32>
    %swap3A_317 = vector.shape_cast %get3A_304 : vector<16xi32> to vector<16xi32>
    tpu.vector_store %arg11[%swap3A_314], %swap3A_317 {strides = array<i32>} : memref<2304xi32, #tpu.memory_space<vmem>>, vector<16xi32>,
    %add3A_318 = arith.constant 1024 : i32
    %add3A_319 = vector.broadcast %add3A_318 : i32 to vector<16xi32>
    %add3A_320 = arith.addi %get3A_307, %add3A_319 : vector<16xi32>
    %swap3A_321 = arith.constant 464 : index
    %swap3A_322 = tpu.vector_load %arg11[%swap3A_321] {strides = array<i32>} : memref<2304xi32, #tpu.memory_space<vmem>>, vector<16xi32>,
    %swap3A_323 = vector.shape_cast %swap3A_322 : vector<16xi32> to vector<16xi32>
    %swap3A_324 = vector.shape_cast %add3A_320 : vector<16xi32> to vector<16xi32>
    tpu.vector_store %arg11[%swap3A_321], %swap3A_324 {strides = array<i32>} : memref<2304xi32, #tpu.memory_space<vmem>>, vector<16xi32>,
    %add3A_325 = arith.addi %get3A_304, %get3A_310 : vector<16xi32>
    %swap3A_326 = arith.constant 848 : index
    %swap3A_327 = tpu.vector_load %arg11[%swap3A_326] {strides = array<i32>} : memref<2304xi32, #tpu.memory_space<vmem>>, vector<16xi32>,
    %swap3A_328 = vector.shape_cast %swap3A_327 : vector<16xi32> to vector<16xi32>
    %swap3A_329 = vector.shape_cast %add3A_325 : vector<16xi32> to vector<16xi32>
    tpu.vector_store %arg11[%swap3A_326], %swap3A_329 {strides = array<i32>} : memref<2304xi32, #tpu.memory_space<vmem>>, vector<16xi32>,
    %add3A_330 = arith.addi %get3A_307, %get3A_313 : vector<16xi32>
    %add3A_331 = arith.constant 1024 : i32
    %add3A_332 = vector.broadcast %add3A_331 : i32 to vector<16xi32>
    %add3A_333 = arith.addi %add3A_330, %add3A_332 : vector<16xi32>
    %swap3A_334 = arith.constant 1232 : index
    %swap3A_335 = tpu.vector_load %arg11[%swap3A_334] {strides = array<i32>} : memref<2304xi32, #tpu.memory_space<vmem>>, vector<16xi32>,
    %swap3A_336 = vector.shape_cast %swap3A_335 : vector<16xi32> to vector<16xi32>
    %swap3A_337 = vector.shape_cast %add3A_333 : vector<16xi32> to vector<16xi32>
    tpu.vector_store %arg11[%swap3A_334], %swap3A_337 {strides = array<i32>} : memref<2304xi32, #tpu.memory_space<vmem>>, vector<16xi32>,
    %add3A_338 = arith.constant 2048 : i32
    %add3A_339 = vector.broadcast %add3A_338 : i32 to vector<16xi32>
    %add3A_340 = arith.addi %get3A_313, %add3A_339 : vector<16xi32>
    %swap3A_341 = arith.constant 1616 : index
    %swap3A_342 = tpu.vector_load %arg11[%swap3A_341] {strides = array<i32>} : memref<2304xi32, #tpu.memory_space<vmem>>, vector<16xi32>,
    %swap3A_343 = vector.shape_cast %swap3A_342 : vector<16xi32> to vector<16xi32>
    %swap3A_344 = vector.shape_cast %add3A_340 : vector<16xi32> to vector<16xi32>
    tpu.vector_store %arg11[%swap3A_341], %swap3A_344 {strides = array<i32>} : memref<2304xi32, #tpu.memory_space<vmem>>, vector<16xi32>,
    %add3A_345 = arith.constant 3072 : i32
    %add3A_346 = vector.broadcast %add3A_345 : i32 to vector<16xi32>
    %add3A_347 = arith.addi %get3A_310, %add3A_346 : vector<16xi32>
    %swap3A_348 = arith.constant 2000 : index
    %swap3A_349 = tpu.vector_load %arg11[%swap3A_348] {strides = array<i32>} : memref<2304xi32, #tpu.memory_space<vmem>>, vector<16xi32>,
    %swap3A_350 = vector.shape_cast %swap3A_349 : vector<16xi32> to vector<16xi32>
    %swap3A_351 = vector.shape_cast %add3A_347 : vector<16xi32> to vector<16xi32>
    tpu.vector_store %arg11[%swap3A_348], %swap3A_351 {strides = array<i32>} : memref<2304xi32, #tpu.memory_space<vmem>>, vector<16xi32>,
    %get3A_352 = arith.constant 96 : index
    %get3A_353 = tpu.vector_load %arg12[%get3A_352] {strides = array<i32>} : memref<384xi32, #tpu.memory_space<vmem>>, vector<16xi32>,
    %get3A_354 = vector.shape_cast %get3A_353 : vector<16xi32> to vector<16xi32>
    %get3A_355 = arith.constant 96 : index
    %get3A_356 = tpu.vector_load %arg13[%get3A_355] {strides = array<i32>} : memref<384xi32, #tpu.memory_space<vmem>>, vector<16xi32>,
    %get3A_357 = vector.shape_cast %get3A_356 : vector<16xi32> to vector<16xi32>
    %get3A_358 = arith.constant 96 : index
    %get3A_359 = tpu.vector_load %arg14[%get3A_358] {strides = array<i32>} : memref<384xi32, #tpu.memory_space<vmem>>, vector<16xi32>,
    %get3A_360 = vector.shape_cast %get3A_359 : vector<16xi32> to vector<16xi32>
    %get3A_361 = arith.constant 96 : index
    %get3A_362 = tpu.vector_load %arg15[%get3A_361] {strides = array<i32>} : memref<384xi32, #tpu.memory_space<vmem>>, vector<16xi32>,
    %get3A_363 = vector.shape_cast %get3A_362 : vector<16xi32> to vector<16xi32>
    %swap3A_364 = arith.constant 96 : index
    %swap3A_365 = tpu.vector_load %arg11[%swap3A_364] {strides = array<i32>} : memref<2304xi32, #tpu.memory_space<vmem>>, vector<16xi32>,
    %swap3A_366 = vector.shape_cast %swap3A_365 : vector<16xi32> to vector<16xi32>
    %swap3A_367 = vector.shape_cast %get3A_354 : vector<16xi32> to vector<16xi32>
    tpu.vector_store %arg11[%swap3A_364], %swap3A_367 {strides = array<i32>} : memref<2304xi32, #tpu.memory_space<vmem>>, vector<16xi32>,
    %add3A_368 = arith.constant 1024 : i32
    %add3A_369 = vector.broadcast %add3A_368 : i32 to vector<16xi32>
    %add3A_370 = arith.addi %get3A_357, %add3A_369 : vector<16xi32>
    %swap3A_371 = arith.constant 480 : index
    %swap3A_372 = tpu.vector_load %arg11[%swap3A_371] {strides = array<i32>} : memref<2304xi32, #tpu.memory_space<vmem>>, vector<16xi32>,
    %swap3A_373 = vector.shape_cast %swap3A_372 : vector<16xi32> to vector<16xi32>
    %swap3A_374 = vector.shape_cast %add3A_370 : vector<16xi32> to vector<16xi32>
    tpu.vector_store %arg11[%swap3A_371], %swap3A_374 {strides = array<i32>} : memref<2304xi32, #tpu.memory_space<vmem>>, vector<16xi32>,
    %add3A_375 = arith.addi %get3A_354, %get3A_360 : vector<16xi32>
    %swap3A_376 = arith.constant 864 : index
    %swap3A_377 = tpu.vector_load %arg11[%swap3A_376] {strides = array<i32>} : memref<2304xi32, #tpu.memory_space<vmem>>, vector<16xi32>,
    %swap3A_378 = vector.shape_cast %swap3A_377 : vector<16xi32> to vector<16xi32>
    %swap3A_379 = vector.shape_cast %add3A_375 : vector<16xi32> to vector<16xi32>
    tpu.vector_store %arg11[%swap3A_376], %swap3A_379 {strides = array<i32>} : memref<2304xi32, #tpu.memory_space<vmem>>, vector<16xi32>,
    %add3A_380 = arith.addi %get3A_357, %get3A_363 : vector<16xi32>
    %add3A_381 = arith.constant 1024 : i32
    %add3A_382 = vector.broadcast %add3A_381 : i32 to vector<16xi32>
    %add3A_383 = arith.addi %add3A_380, %add3A_382 : vector<16xi32>
    %swap3A_384 = arith.constant 1248 : index
    %swap3A_385 = tpu.vector_load %arg11[%swap3A_384] {strides = array<i32>} : memref<2304xi32, #tpu.memory_space<vmem>>, vector<16xi32>,
    %swap3A_386 = vector.shape_cast %swap3A_385 : vector<16xi32> to vector<16xi32>
    %swap3A_387 = vector.shape_cast %add3A_383 : vector<16xi32> to vector<16xi32>
    tpu.vector_store %arg11[%swap3A_384], %swap3A_387 {strides = array<i32>} : memref<2304xi32, #tpu.memory_space<vmem>>, vector<16xi32>,
    %add3A_388 = arith.constant 2048 : i32
    %add3A_389 = vector.broadcast %add3A_388 : i32 to vector<16xi32>
    %add3A_390 = arith.addi %get3A_363, %add3A_389 : vector<16xi32>
    %swap3A_391 = arith.constant 1632 : index
    %swap3A_392 = tpu.vector_load %arg11[%swap3A_391] {strides = array<i32>} : memref<2304xi32, #tpu.memory_space<vmem>>, vector<16xi32>,
    %swap3A_393 = vector.shape_cast %swap3A_392 : vector<16xi32> to vector<16xi32>
    %swap3A_394 = vector.shape_cast %add3A_390 : vector<16xi32> to vector<16xi32>
    tpu.vector_store %arg11[%swap3A_391], %swap3A_394 {strides = array<i32>} : memref<2304xi32, #tpu.memory_space<vmem>>, vector<16xi32>,
    %add3A_395 = arith.constant 3072 : i32
    %add3A_396 = vector.broadcast %add3A_395 : i32 to vector<16xi32>
    %add3A_397 = arith.addi %get3A_360, %add3A_396 : vector<16xi32>
    %swap3A_398 = arith.constant 2016 : index
    %swap3A_399 = tpu.vector_load %arg11[%swap3A_398] {strides = array<i32>} : memref<2304xi32, #tpu.memory_space<vmem>>, vector<16xi32>,
    %swap3A_400 = vector.shape_cast %swap3A_399 : vector<16xi32> to vector<16xi32>
    %swap3A_401 = vector.shape_cast %add3A_397 : vector<16xi32> to vector<16xi32>
    tpu.vector_store %arg11[%swap3A_398], %swap3A_401 {strides = array<i32>} : memref<2304xi32, #tpu.memory_space<vmem>>, vector<16xi32>,
    %get3A_402 = arith.constant 112 : index
    %get3A_403 = tpu.vector_load %arg12[%get3A_402] {strides = array<i32>} : memref<384xi32, #tpu.memory_space<vmem>>, vector<16xi32>,
    %get3A_404 = vector.shape_cast %get3A_403 : vector<16xi32> to vector<16xi32>
    %get3A_405 = arith.constant 112 : index
    %get3A_406 = tpu.vector_load %arg13[%get3A_405] {strides = array<i32>} : memref<384xi32, #tpu.memory_space<vmem>>, vector<16xi32>,
    %get3A_407 = vector.shape_cast %get3A_406 : vector<16xi32> to vector<16xi32>
    %get3A_408 = arith.constant 112 : index
    %get3A_409 = tpu.vector_load %arg14[%get3A_408] {strides = array<i32>} : memref<384xi32, #tpu.memory_space<vmem>>, vector<16xi32>,
    %get3A_410 = vector.shape_cast %get3A_409 : vector<16xi32> to vector<16xi32>
    %get3A_411 = arith.constant 112 : index
    %get3A_412 = tpu.vector_load %arg15[%get3A_411] {strides = array<i32>} : memref<384xi32, #tpu.memory_space<vmem>>, vector<16xi32>,
    %get3A_413 = vector.shape_cast %get3A_412 : vector<16xi32> to vector<16xi32>
    %swap3A_414 = arith.constant 112 : index
    %swap3A_415 = tpu.vector_load %arg11[%swap3A_414] {strides = array<i32>} : memref<2304xi32, #tpu.memory_space<vmem>>, vector<16xi32>,
    %swap3A_416 = vector.shape_cast %swap3A_415 : vector<16xi32> to vector<16xi32>
    %swap3A_417 = vector.shape_cast %get3A_404 : vector<16xi32> to vector<16xi32>
    tpu.vector_store %arg11[%swap3A_414], %swap3A_417 {strides = array<i32>} : memref<2304xi32, #tpu.memory_space<vmem>>, vector<16xi32>,
    %add3A_418 = arith.constant 1024 : i32
    %add3A_419 = vector.broadcast %add3A_418 : i32 to vector<16xi32>
    %add3A_420 = arith.addi %get3A_407, %add3A_419 : vector<16xi32>
    %swap3A_421 = arith.constant 496 : index
    %swap3A_422 = tpu.vector_load %arg11[%swap3A_421] {strides = array<i32>} : memref<2304xi32, #tpu.memory_space<vmem>>, vector<16xi32>,
    %swap3A_423 = vector.shape_cast %swap3A_422 : vector<16xi32> to vector<16xi32>
    %swap3A_424 = vector.shape_cast %add3A_420 : vector<16xi32> to vector<16xi32>
    tpu.vector_store %arg11[%swap3A_421], %swap3A_424 {strides = array<i32>} : memref<2304xi32, #tpu.memory_space<vmem>>, vector<16xi32>,
    %add3A_425 = arith.addi %get3A_404, %get3A_410 : vector<16xi32>
    %swap3A_426 = arith.constant 880 : index
    %swap3A_427 = tpu.vector_load %arg11[%swap3A_426] {strides = array<i32>} : memref<2304xi32, #tpu.memory_space<vmem>>, vector<16xi32>,
    %swap3A_428 = vector.shape_cast %swap3A_427 : vector<16xi32> to vector<16xi32>
    %swap3A_429 = vector.shape_cast %add3A_425 : vector<16xi32> to vector<16xi32>
    tpu.vector_store %arg11[%swap3A_426], %swap3A_429 {strides = array<i32>} : memref<2304xi32, #tpu.memory_space<vmem>>, vector<16xi32>,
    %add3A_430 = arith.addi %get3A_407, %get3A_413 : vector<16xi32>
    %add3A_431 = arith.constant 1024 : i32
    %add3A_432 = vector.broadcast %add3A_431 : i32 to vector<16xi32>
    %add3A_433 = arith.addi %add3A_430, %add3A_432 : vector<16xi32>
    %swap3A_434 = arith.constant 1264 : index
    %swap3A_435 = tpu.vector_load %arg11[%swap3A_434] {strides = array<i32>} : memref<2304xi32, #tpu.memory_space<vmem>>, vector<16xi32>,
    %swap3A_436 = vector.shape_cast %swap3A_435 : vector<16xi32> to vector<16xi32>
    %swap3A_437 = vector.shape_cast %add3A_433 : vector<16xi32> to vector<16xi32>
    tpu.vector_store %arg11[%swap3A_434], %swap3A_437 {strides = array<i32>} : memref<2304xi32, #tpu.memory_space<vmem>>, vector<16xi32>,
    %add3A_438 = arith.constant 2048 : i32
    %add3A_439 = vector.broadcast %add3A_438 : i32 to vector<16xi32>
    %add3A_440 = arith.addi %get3A_413, %add3A_439 : vector<16xi32>
    %swap3A_441 = arith.constant 1648 : index
    %swap3A_442 = tpu.vector_load %arg11[%swap3A_441] {strides = array<i32>} : memref<2304xi32, #tpu.memory_space<vmem>>, vector<16xi32>,
    %swap3A_443 = vector.shape_cast %swap3A_442 : vector<16xi32> to vector<16xi32>
    %swap3A_444 = vector.shape_cast %add3A_440 : vector<16xi32> to vector<16xi32>
    tpu.vector_store %arg11[%swap3A_441], %swap3A_444 {strides = array<i32>} : memref<2304xi32, #tpu.memory_space<vmem>>, vector<16xi32>,
    %add3A_445 = arith.constant 3072 : i32
    %add3A_446 = vector.broadcast %add3A_445 : i32 to vector<16xi32>
    %add3A_447 = arith.addi %get3A_410, %add3A_446 : vector<16xi32>
    %swap3A_448 = arith.constant 2032 : index
    %swap3A_449 = tpu.vector_load %arg11[%swap3A_448] {strides = array<i32>} : memref<2304xi32, #tpu.memory_space<vmem>>, vector<16xi32>,
    %swap3A_450 = vector.shape_cast %swap3A_449 : vector<16xi32> to vector<16xi32>
    %swap3A_451 = vector.shape_cast %add3A_447 : vector<16xi32> to vector<16xi32>
    tpu.vector_store %arg11[%swap3A_448], %swap3A_451 {strides = array<i32>} : memref<2304xi32, #tpu.memory_space<vmem>>, vector<16xi32>,
    %get3A_452 = arith.constant 128 : index
    %get3A_453 = tpu.vector_load %arg12[%get3A_452] {strides = array<i32>} : memref<384xi32, #tpu.memory_space<vmem>>, vector<16xi32>,
    %get3A_454 = vector.shape_cast %get3A_453 : vector<16xi32> to vector<16xi32>
    %get3A_455 = arith.constant 128 : index
    %get3A_456 = tpu.vector_load %arg13[%get3A_455] {strides = array<i32>} : memref<384xi32, #tpu.memory_space<vmem>>, vector<16xi32>,
    %get3A_457 = vector.shape_cast %get3A_456 : vector<16xi32> to vector<16xi32>
    %get3A_458 = arith.constant 128 : index
    %get3A_459 = tpu.vector_load %arg14[%get3A_458] {strides = array<i32>} : memref<384xi32, #tpu.memory_space<vmem>>, vector<16xi32>,
    %get3A_460 = vector.shape_cast %get3A_459 : vector<16xi32> to vector<16xi32>
    %get3A_461 = arith.constant 128 : index
    %get3A_462 = tpu.vector_load %arg15[%get3A_461] {strides = array<i32>} : memref<384xi32, #tpu.memory_space<vmem>>, vector<16xi32>,
    %get3A_463 = vector.shape_cast %get3A_462 : vector<16xi32> to vector<16xi32>
    %swap3A_464 = arith.constant 128 : index
    %swap3A_465 = tpu.vector_load %arg11[%swap3A_464] {strides = array<i32>} : memref<2304xi32, #tpu.memory_space<vmem>>, vector<16xi32>,
    %swap3A_466 = vector.shape_cast %swap3A_465 : vector<16xi32> to vector<16xi32>
    %swap3A_467 = vector.shape_cast %get3A_454 : vector<16xi32> to vector<16xi32>
    tpu.vector_store %arg11[%swap3A_464], %swap3A_467 {strides = array<i32>} : memref<2304xi32, #tpu.memory_space<vmem>>, vector<16xi32>,
    %add3A_468 = arith.constant 1024 : i32
    %add3A_469 = vector.broadcast %add3A_468 : i32 to vector<16xi32>
    %add3A_470 = arith.addi %get3A_457, %add3A_469 : vector<16xi32>
    %swap3A_471 = arith.constant 512 : index
    %swap3A_472 = tpu.vector_load %arg11[%swap3A_471] {strides = array<i32>} : memref<2304xi32, #tpu.memory_space<vmem>>, vector<16xi32>,
    %swap3A_473 = vector.shape_cast %swap3A_472 : vector<16xi32> to vector<16xi32>
    %swap3A_474 = vector.shape_cast %add3A_470 : vector<16xi32> to vector<16xi32>
    tpu.vector_store %arg11[%swap3A_471], %swap3A_474 {strides = array<i32>} : memref<2304xi32, #tpu.memory_space<vmem>>, vector<16xi32>,
    %add3A_475 = arith.addi %get3A_454, %get3A_460 : vector<16xi32>
    %swap3A_476 = arith.constant 896 : index
    %swap3A_477 = tpu.vector_load %arg11[%swap3A_476] {strides = array<i32>} : memref<2304xi32, #tpu.memory_space<vmem>>, vector<16xi32>,
    %swap3A_478 = vector.shape_cast %swap3A_477 : vector<16xi32> to vector<16xi32>
    %swap3A_479 = vector.shape_cast %add3A_475 : vector<16xi32> to vector<16xi32>
    tpu.vector_store %arg11[%swap3A_476], %swap3A_479 {strides = array<i32>} : memref<2304xi32, #tpu.memory_space<vmem>>, vector<16xi32>,
    %add3A_480 = arith.addi %get3A_457, %get3A_463 : vector<16xi32>
    %add3A_481 = arith.constant 1024 : i32
    %add3A_482 = vector.broadcast %add3A_481 : i32 to vector<16xi32>
    %add3A_483 = arith.addi %add3A_480, %add3A_482 : vector<16xi32>
    %swap3A_484 = arith.constant 1280 : index
    %swap3A_485 = tpu.vector_load %arg11[%swap3A_484] {strides = array<i32>} : memref<2304xi32, #tpu.memory_space<vmem>>, vector<16xi32>,
    %swap3A_486 = vector.shape_cast %swap3A_485 : vector<16xi32> to vector<16xi32>
    %swap3A_487 = vector.shape_cast %add3A_483 : vector<16xi32> to vector<16xi32>
    tpu.vector_store %arg11[%swap3A_484], %swap3A_487 {strides = array<i32>} : memref<2304xi32, #tpu.memory_space<vmem>>, vector<16xi32>,
    %add3A_488 = arith.constant 2048 : i32
    %add3A_489 = vector.broadcast %add3A_488 : i32 to vector<16xi32>
    %add3A_490 = arith.addi %get3A_463, %add3A_489 : vector<16xi32>
    %swap3A_491 = arith.constant 1664 : index
    %swap3A_492 = tpu.vector_load %arg11[%swap3A_491] {strides = array<i32>} : memref<2304xi32, #tpu.memory_space<vmem>>, vector<16xi32>,
    %swap3A_493 = vector.shape_cast %swap3A_492 : vector<16xi32> to vector<16xi32>
    %swap3A_494 = vector.shape_cast %add3A_490 : vector<16xi32> to vector<16xi32>
    tpu.vector_store %arg11[%swap3A_491], %swap3A_494 {strides = array<i32>} : memref<2304xi32, #tpu.memory_space<vmem>>, vector<16xi32>,
    %add3A_495 = arith.constant 3072 : i32
    %add3A_496 = vector.broadcast %add3A_495 : i32 to vector<16xi32>
    %add3A_497 = arith.addi %get3A_460, %add3A_496 : vector<16xi32>
    %swap3A_498 = arith.constant 2048 : index
    %swap3A_499 = tpu.vector_load %arg11[%swap3A_498] {strides = array<i32>} : memref<2304xi32, #tpu.memory_space<vmem>>, vector<16xi32>,
    %swap3A_500 = vector.shape_cast %swap3A_499 : vector<16xi32> to vector<16xi32>
    %swap3A_501 = vector.shape_cast %add3A_497 : vector<16xi32> to vector<16xi32>
    tpu.vector_store %arg11[%swap3A_498], %swap3A_501 {strides = array<i32>} : memref<2304xi32, #tpu.memory_space<vmem>>, vector<16xi32>,
    %get3A_502 = arith.constant 144 : index
    %get3A_503 = tpu.vector_load %arg12[%get3A_502] {strides = array<i32>} : memref<384xi32, #tpu.memory_space<vmem>>, vector<16xi32>,
    %get3A_504 = vector.shape_cast %get3A_503 : vector<16xi32> to vector<16xi32>
    %get3A_505 = arith.constant 144 : index
    %get3A_506 = tpu.vector_load %arg13[%get3A_505] {strides = array<i32>} : memref<384xi32, #tpu.memory_space<vmem>>, vector<16xi32>,
    %get3A_507 = vector.shape_cast %get3A_506 : vector<16xi32> to vector<16xi32>
    %get3A_508 = arith.constant 144 : index
    %get3A_509 = tpu.vector_load %arg14[%get3A_508] {strides = array<i32>} : memref<384xi32, #tpu.memory_space<vmem>>, vector<16xi32>,
    %get3A_510 = vector.shape_cast %get3A_509 : vector<16xi32> to vector<16xi32>
    %get3A_511 = arith.constant 144 : index
    %get3A_512 = tpu.vector_load %arg15[%get3A_511] {strides = array<i32>} : memref<384xi32, #tpu.memory_space<vmem>>, vector<16xi32>,
    %get3A_513 = vector.shape_cast %get3A_512 : vector<16xi32> to vector<16xi32>
    %swap3A_514 = arith.constant 144 : index
    %swap3A_515 = tpu.vector_load %arg11[%swap3A_514] {strides = array<i32>} : memref<2304xi32, #tpu.memory_space<vmem>>, vector<16xi32>,
    %swap3A_516 = vector.shape_cast %swap3A_515 : vector<16xi32> to vector<16xi32>
    %swap3A_517 = vector.shape_cast %get3A_504 : vector<16xi32> to vector<16xi32>
    tpu.vector_store %arg11[%swap3A_514], %swap3A_517 {strides = array<i32>} : memref<2304xi32, #tpu.memory_space<vmem>>, vector<16xi32>,
    %add3A_518 = arith.constant 1024 : i32
    %add3A_519 = vector.broadcast %add3A_518 : i32 to vector<16xi32>
    %add3A_520 = arith.addi %get3A_507, %add3A_519 : vector<16xi32>
    %swap3A_521 = arith.constant 528 : index
    %swap3A_522 = tpu.vector_load %arg11[%swap3A_521] {strides = array<i32>} : memref<2304xi32, #tpu.memory_space<vmem>>, vector<16xi32>,
    %swap3A_523 = vector.shape_cast %swap3A_522 : vector<16xi32> to vector<16xi32>
    %swap3A_524 = vector.shape_cast %add3A_520 : vector<16xi32> to vector<16xi32>
    tpu.vector_store %arg11[%swap3A_521], %swap3A_524 {strides = array<i32>} : memref<2304xi32, #tpu.memory_space<vmem>>, vector<16xi32>,
    %add3A_525 = arith.addi %get3A_504, %get3A_510 : vector<16xi32>
    %swap3A_526 = arith.constant 912 : index
    %swap3A_527 = tpu.vector_load %arg11[%swap3A_526] {strides = array<i32>} : memref<2304xi32, #tpu.memory_space<vmem>>, vector<16xi32>,
    %swap3A_528 = vector.shape_cast %swap3A_527 : vector<16xi32> to vector<16xi32>
    %swap3A_529 = vector.shape_cast %add3A_525 : vector<16xi32> to vector<16xi32>
    tpu.vector_store %arg11[%swap3A_526], %swap3A_529 {strides = array<i32>} : memref<2304xi32, #tpu.memory_space<vmem>>, vector<16xi32>,
    %add3A_530 = arith.addi %get3A_507, %get3A_513 : vector<16xi32>
    %add3A_531 = arith.constant 1024 : i32
    %add3A_532 = vector.broadcast %add3A_531 : i32 to vector<16xi32>
    %add3A_533 = arith.addi %add3A_530, %add3A_532 : vector<16xi32>
    %swap3A_534 = arith.constant 1296 : index
    %swap3A_535 = tpu.vector_load %arg11[%swap3A_534] {strides = array<i32>} : memref<2304xi32, #tpu.memory_space<vmem>>, vector<16xi32>,
    %swap3A_536 = vector.shape_cast %swap3A_535 : vector<16xi32> to vector<16xi32>
    %swap3A_537 = vector.shape_cast %add3A_533 : vector<16xi32> to vector<16xi32>
    tpu.vector_store %arg11[%swap3A_534], %swap3A_537 {strides = array<i32>} : memref<2304xi32, #tpu.memory_space<vmem>>, vector<16xi32>,
    %add3A_538 = arith.constant 2048 : i32
    %add3A_539 = vector.broadcast %add3A_538 : i32 to vector<16xi32>
    %add3A_540 = arith.addi %get3A_513, %add3A_539 : vector<16xi32>
    %swap3A_541 = arith.constant 1680 : index
    %swap3A_542 = tpu.vector_load %arg11[%swap3A_541] {strides = array<i32>} : memref<2304xi32, #tpu.memory_space<vmem>>, vector<16xi32>,
    %swap3A_543 = vector.shape_cast %swap3A_542 : vector<16xi32> to vector<16xi32>
    %swap3A_544 = vector.shape_cast %add3A_540 : vector<16xi32> to vector<16xi32>
    tpu.vector_store %arg11[%swap3A_541], %swap3A_544 {strides = array<i32>} : memref<2304xi32, #tpu.memory_space<vmem>>, vector<16xi32>,
    %add3A_545 = arith.constant 3072 : i32
    %add3A_546 = vector.broadcast %add3A_545 : i32 to vector<16xi32>
    %add3A_547 = arith.addi %get3A_510, %add3A_546 : vector<16xi32>
    %swap3A_548 = arith.constant 2064 : index
    %swap3A_549 = tpu.vector_load %arg11[%swap3A_548] {strides = array<i32>} : memref<2304xi32, #tpu.memory_space<vmem>>, vector<16xi32>,
    %swap3A_550 = vector.shape_cast %swap3A_549 : vector<16xi32> to vector<16xi32>
    %swap3A_551 = vector.shape_cast %add3A_547 : vector<16xi32> to vector<16xi32>
    tpu.vector_store %arg11[%swap3A_548], %swap3A_551 {strides = array<i32>} : memref<2304xi32, #tpu.memory_space<vmem>>, vector<16xi32>,
    %get3A_552 = arith.constant 160 : index
    %get3A_553 = tpu.vector_load %arg12[%get3A_552] {strides = array<i32>} : memref<384xi32, #tpu.memory_space<vmem>>, vector<16xi32>,
    %get3A_554 = vector.shape_cast %get3A_553 : vector<16xi32> to vector<16xi32>
    %get3A_555 = arith.constant 160 : index
    %get3A_556 = tpu.vector_load %arg13[%get3A_555] {strides = array<i32>} : memref<384xi32, #tpu.memory_space<vmem>>, vector<16xi32>,
    %get3A_557 = vector.shape_cast %get3A_556 : vector<16xi32> to vector<16xi32>
    %get3A_558 = arith.constant 160 : index
    %get3A_559 = tpu.vector_load %arg14[%get3A_558] {strides = array<i32>} : memref<384xi32, #tpu.memory_space<vmem>>, vector<16xi32>,
    %get3A_560 = vector.shape_cast %get3A_559 : vector<16xi32> to vector<16xi32>
    %get3A_561 = arith.constant 160 : index
    %get3A_562 = tpu.vector_load %arg15[%get3A_561] {strides = array<i32>} : memref<384xi32, #tpu.memory_space<vmem>>, vector<16xi32>,
    %get3A_563 = vector.shape_cast %get3A_562 : vector<16xi32> to vector<16xi32>
    %swap3A_564 = arith.constant 160 : index
    %swap3A_565 = tpu.vector_load %arg11[%swap3A_564] {strides = array<i32>} : memref<2304xi32, #tpu.memory_space<vmem>>, vector<16xi32>,
    %swap3A_566 = vector.shape_cast %swap3A_565 : vector<16xi32> to vector<16xi32>
    %swap3A_567 = vector.shape_cast %get3A_554 : vector<16xi32> to vector<16xi32>
    tpu.vector_store %arg11[%swap3A_564], %swap3A_567 {strides = array<i32>} : memref<2304xi32, #tpu.memory_space<vmem>>, vector<16xi32>,
    %add3A_568 = arith.constant 1024 : i32
    %add3A_569 = vector.broadcast %add3A_568 : i32 to vector<16xi32>
    %add3A_570 = arith.addi %get3A_557, %add3A_569 : vector<16xi32>
    %swap3A_571 = arith.constant 544 : index
    %swap3A_572 = tpu.vector_load %arg11[%swap3A_571] {strides = array<i32>} : memref<2304xi32, #tpu.memory_space<vmem>>, vector<16xi32>,
    %swap3A_573 = vector.shape_cast %swap3A_572 : vector<16xi32> to vector<16xi32>
    %swap3A_574 = vector.shape_cast %add3A_570 : vector<16xi32> to vector<16xi32>
    tpu.vector_store %arg11[%swap3A_571], %swap3A_574 {strides = array<i32>} : memref<2304xi32, #tpu.memory_space<vmem>>, vector<16xi32>,
    %add3A_575 = arith.addi %get3A_554, %get3A_560 : vector<16xi32>
    %swap3A_576 = arith.constant 928 : index
    %swap3A_577 = tpu.vector_load %arg11[%swap3A_576] {strides = array<i32>} : memref<2304xi32, #tpu.memory_space<vmem>>, vector<16xi32>,
    %swap3A_578 = vector.shape_cast %swap3A_577 : vector<16xi32> to vector<16xi32>
    %swap3A_579 = vector.shape_cast %add3A_575 : vector<16xi32> to vector<16xi32>
    tpu.vector_store %arg11[%swap3A_576], %swap3A_579 {strides = array<i32>} : memref<2304xi32, #tpu.memory_space<vmem>>, vector<16xi32>,
    %add3A_580 = arith.addi %get3A_557, %get3A_563 : vector<16xi32>
    %add3A_581 = arith.constant 1024 : i32
    %add3A_582 = vector.broadcast %add3A_581 : i32 to vector<16xi32>
    %add3A_583 = arith.addi %add3A_580, %add3A_582 : vector<16xi32>
    %swap3A_584 = arith.constant 1312 : index
    %swap3A_585 = tpu.vector_load %arg11[%swap3A_584] {strides = array<i32>} : memref<2304xi32, #tpu.memory_space<vmem>>, vector<16xi32>,
    %swap3A_586 = vector.shape_cast %swap3A_585 : vector<16xi32> to vector<16xi32>
    %swap3A_587 = vector.shape_cast %add3A_583 : vector<16xi32> to vector<16xi32>
    tpu.vector_store %arg11[%swap3A_584], %swap3A_587 {strides = array<i32>} : memref<2304xi32, #tpu.memory_space<vmem>>, vector<16xi32>,
    %add3A_588 = arith.constant 2048 : i32
    %add3A_589 = vector.broadcast %add3A_588 : i32 to vector<16xi32>
    %add3A_590 = arith.addi %get3A_563, %add3A_589 : vector<16xi32>
    %swap3A_591 = arith.constant 1696 : index
    %swap3A_592 = tpu.vector_load %arg11[%swap3A_591] {strides = array<i32>} : memref<2304xi32, #tpu.memory_space<vmem>>, vector<16xi32>,
    %swap3A_593 = vector.shape_cast %swap3A_592 : vector<16xi32> to vector<16xi32>
    %swap3A_594 = vector.shape_cast %add3A_590 : vector<16xi32> to vector<16xi32>
    tpu.vector_store %arg11[%swap3A_591], %swap3A_594 {strides = array<i32>} : memref<2304xi32, #tpu.memory_space<vmem>>, vector<16xi32>,
    %add3A_595 = arith.constant 3072 : i32
    %add3A_596 = vector.broadcast %add3A_595 : i32 to vector<16xi32>
    %add3A_597 = arith.addi %get3A_560, %add3A_596 : vector<16xi32>
    %swap3A_598 = arith.constant 2080 : index
    %swap3A_599 = tpu.vector_load %arg11[%swap3A_598] {strides = array<i32>} : memref<2304xi32, #tpu.memory_space<vmem>>, vector<16xi32>,
    %swap3A_600 = vector.shape_cast %swap3A_599 : vector<16xi32> to vector<16xi32>
    %swap3A_601 = vector.shape_cast %add3A_597 : vector<16xi32> to vector<16xi32>
    tpu.vector_store %arg11[%swap3A_598], %swap3A_601 {strides = array<i32>} : memref<2304xi32, #tpu.memory_space<vmem>>, vector<16xi32>,
    %get3A_602 = arith.constant 176 : index
    %get3A_603 = tpu.vector_load %arg12[%get3A_602] {strides = array<i32>} : memref<384xi32, #tpu.memory_space<vmem>>, vector<16xi32>,
    %get3A_604 = vector.shape_cast %get3A_603 : vector<16xi32> to vector<16xi32>
    %get3A_605 = arith.constant 176 : index
    %get3A_606 = tpu.vector_load %arg13[%get3A_605] {strides = array<i32>} : memref<384xi32, #tpu.memory_space<vmem>>, vector<16xi32>,
    %get3A_607 = vector.shape_cast %get3A_606 : vector<16xi32> to vector<16xi32>
    %get3A_608 = arith.constant 176 : index
    %get3A_609 = tpu.vector_load %arg14[%get3A_608] {strides = array<i32>} : memref<384xi32, #tpu.memory_space<vmem>>, vector<16xi32>,
    %get3A_610 = vector.shape_cast %get3A_609 : vector<16xi32> to vector<16xi32>
    %get3A_611 = arith.constant 176 : index
    %get3A_612 = tpu.vector_load %arg15[%get3A_611] {strides = array<i32>} : memref<384xi32, #tpu.memory_space<vmem>>, vector<16xi32>,
    %get3A_613 = vector.shape_cast %get3A_612 : vector<16xi32> to vector<16xi32>
    %swap3A_614 = arith.constant 176 : index
    %swap3A_615 = tpu.vector_load %arg11[%swap3A_614] {strides = array<i32>} : memref<2304xi32, #tpu.memory_space<vmem>>, vector<16xi32>,
    %swap3A_616 = vector.shape_cast %swap3A_615 : vector<16xi32> to vector<16xi32>
    %swap3A_617 = vector.shape_cast %get3A_604 : vector<16xi32> to vector<16xi32>
    tpu.vector_store %arg11[%swap3A_614], %swap3A_617 {strides = array<i32>} : memref<2304xi32, #tpu.memory_space<vmem>>, vector<16xi32>,
    %add3A_618 = arith.constant 1024 : i32
    %add3A_619 = vector.broadcast %add3A_618 : i32 to vector<16xi32>
    %add3A_620 = arith.addi %get3A_607, %add3A_619 : vector<16xi32>
    %swap3A_621 = arith.constant 560 : index
    %swap3A_622 = tpu.vector_load %arg11[%swap3A_621] {strides = array<i32>} : memref<2304xi32, #tpu.memory_space<vmem>>, vector<16xi32>,
    %swap3A_623 = vector.shape_cast %swap3A_622 : vector<16xi32> to vector<16xi32>
    %swap3A_624 = vector.shape_cast %add3A_620 : vector<16xi32> to vector<16xi32>
    tpu.vector_store %arg11[%swap3A_621], %swap3A_624 {strides = array<i32>} : memref<2304xi32, #tpu.memory_space<vmem>>, vector<16xi32>,
    %add3A_625 = arith.addi %get3A_604, %get3A_610 : vector<16xi32>
    %swap3A_626 = arith.constant 944 : index
    %swap3A_627 = tpu.vector_load %arg11[%swap3A_626] {strides = array<i32>} : memref<2304xi32, #tpu.memory_space<vmem>>, vector<16xi32>,
    %swap3A_628 = vector.shape_cast %swap3A_627 : vector<16xi32> to vector<16xi32>
    %swap3A_629 = vector.shape_cast %add3A_625 : vector<16xi32> to vector<16xi32>
    tpu.vector_store %arg11[%swap3A_626], %swap3A_629 {strides = array<i32>} : memref<2304xi32, #tpu.memory_space<vmem>>, vector<16xi32>,
    %add3A_630 = arith.addi %get3A_607, %get3A_613 : vector<16xi32>
    %add3A_631 = arith.constant 1024 : i32
    %add3A_632 = vector.broadcast %add3A_631 : i32 to vector<16xi32>
    %add3A_633 = arith.addi %add3A_630, %add3A_632 : vector<16xi32>
    %swap3A_634 = arith.constant 1328 : index
    %swap3A_635 = tpu.vector_load %arg11[%swap3A_634] {strides = array<i32>} : memref<2304xi32, #tpu.memory_space<vmem>>, vector<16xi32>,
    %swap3A_636 = vector.shape_cast %swap3A_635 : vector<16xi32> to vector<16xi32>
    %swap3A_637 = vector.shape_cast %add3A_633 : vector<16xi32> to vector<16xi32>
    tpu.vector_store %arg11[%swap3A_634], %swap3A_637 {strides = array<i32>} : memref<2304xi32, #tpu.memory_space<vmem>>, vector<16xi32>,
    %add3A_638 = arith.constant 2048 : i32
    %add3A_639 = vector.broadcast %add3A_638 : i32 to vector<16xi32>
    %add3A_640 = arith.addi %get3A_613, %add3A_639 : vector<16xi32>
    %swap3A_641 = arith.constant 1712 : index
    %swap3A_642 = tpu.vector_load %arg11[%swap3A_641] {strides = array<i32>} : memref<2304xi32, #tpu.memory_space<vmem>>, vector<16xi32>,
    %swap3A_643 = vector.shape_cast %swap3A_642 : vector<16xi32> to vector<16xi32>
    %swap3A_644 = vector.shape_cast %add3A_640 : vector<16xi32> to vector<16xi32>
    tpu.vector_store %arg11[%swap3A_641], %swap3A_644 {strides = array<i32>} : memref<2304xi32, #tpu.memory_space<vmem>>, vector<16xi32>,
    %add3A_645 = arith.constant 3072 : i32
    %add3A_646 = vector.broadcast %add3A_645 : i32 to vector<16xi32>
    %add3A_647 = arith.addi %get3A_610, %add3A_646 : vector<16xi32>
    %swap3A_648 = arith.constant 2096 : index
    %swap3A_649 = tpu.vector_load %arg11[%swap3A_648] {strides = array<i32>} : memref<2304xi32, #tpu.memory_space<vmem>>, vector<16xi32>,
    %swap3A_650 = vector.shape_cast %swap3A_649 : vector<16xi32> to vector<16xi32>
    %swap3A_651 = vector.shape_cast %add3A_647 : vector<16xi32> to vector<16xi32>
    tpu.vector_store %arg11[%swap3A_648], %swap3A_651 {strides = array<i32>} : memref<2304xi32, #tpu.memory_space<vmem>>, vector<16xi32>,
    %get3A_652 = arith.constant 192 : index
    %get3A_653 = tpu.vector_load %arg12[%get3A_652] {strides = array<i32>} : memref<384xi32, #tpu.memory_space<vmem>>, vector<16xi32>,
    %get3A_654 = vector.shape_cast %get3A_653 : vector<16xi32> to vector<16xi32>
    %get3A_655 = arith.constant 192 : index
    %get3A_656 = tpu.vector_load %arg13[%get3A_655] {strides = array<i32>} : memref<384xi32, #tpu.memory_space<vmem>>, vector<16xi32>,
    %get3A_657 = vector.shape_cast %get3A_656 : vector<16xi32> to vector<16xi32>
    %get3A_658 = arith.constant 192 : index
    %get3A_659 = tpu.vector_load %arg14[%get3A_658] {strides = array<i32>} : memref<384xi32, #tpu.memory_space<vmem>>, vector<16xi32>,
    %get3A_660 = vector.shape_cast %get3A_659 : vector<16xi32> to vector<16xi32>
    %get3A_661 = arith.constant 192 : index
    %get3A_662 = tpu.vector_load %arg15[%get3A_661] {strides = array<i32>} : memref<384xi32, #tpu.memory_space<vmem>>, vector<16xi32>,
    %get3A_663 = vector.shape_cast %get3A_662 : vector<16xi32> to vector<16xi32>
    %swap3A_664 = arith.constant 192 : index
    %swap3A_665 = tpu.vector_load %arg11[%swap3A_664] {strides = array<i32>} : memref<2304xi32, #tpu.memory_space<vmem>>, vector<16xi32>,
    %swap3A_666 = vector.shape_cast %swap3A_665 : vector<16xi32> to vector<16xi32>
    %swap3A_667 = vector.shape_cast %get3A_654 : vector<16xi32> to vector<16xi32>
    tpu.vector_store %arg11[%swap3A_664], %swap3A_667 {strides = array<i32>} : memref<2304xi32, #tpu.memory_space<vmem>>, vector<16xi32>,
    %add3A_668 = arith.constant 1024 : i32
    %add3A_669 = vector.broadcast %add3A_668 : i32 to vector<16xi32>
    %add3A_670 = arith.addi %get3A_657, %add3A_669 : vector<16xi32>
    %swap3A_671 = arith.constant 576 : index
    %swap3A_672 = tpu.vector_load %arg11[%swap3A_671] {strides = array<i32>} : memref<2304xi32, #tpu.memory_space<vmem>>, vector<16xi32>,
    %swap3A_673 = vector.shape_cast %swap3A_672 : vector<16xi32> to vector<16xi32>
    %swap3A_674 = vector.shape_cast %add3A_670 : vector<16xi32> to vector<16xi32>
    tpu.vector_store %arg11[%swap3A_671], %swap3A_674 {strides = array<i32>} : memref<2304xi32, #tpu.memory_space<vmem>>, vector<16xi32>,
    %add3A_675 = arith.addi %get3A_654, %get3A_660 : vector<16xi32>
    %swap3A_676 = arith.constant 960 : index
    %swap3A_677 = tpu.vector_load %arg11[%swap3A_676] {strides = array<i32>} : memref<2304xi32, #tpu.memory_space<vmem>>, vector<16xi32>,
    %swap3A_678 = vector.shape_cast %swap3A_677 : vector<16xi32> to vector<16xi32>
    %swap3A_679 = vector.shape_cast %add3A_675 : vector<16xi32> to vector<16xi32>
    tpu.vector_store %arg11[%swap3A_676], %swap3A_679 {strides = array<i32>} : memref<2304xi32, #tpu.memory_space<vmem>>, vector<16xi32>,
    %add3A_680 = arith.addi %get3A_657, %get3A_663 : vector<16xi32>
    %add3A_681 = arith.constant 1024 : i32
    %add3A_682 = vector.broadcast %add3A_681 : i32 to vector<16xi32>
    %add3A_683 = arith.addi %add3A_680, %add3A_682 : vector<16xi32>
    %swap3A_684 = arith.constant 1344 : index
    %swap3A_685 = tpu.vector_load %arg11[%swap3A_684] {strides = array<i32>} : memref<2304xi32, #tpu.memory_space<vmem>>, vector<16xi32>,
    %swap3A_686 = vector.shape_cast %swap3A_685 : vector<16xi32> to vector<16xi32>
    %swap3A_687 = vector.shape_cast %add3A_683 : vector<16xi32> to vector<16xi32>
    tpu.vector_store %arg11[%swap3A_684], %swap3A_687 {strides = array<i32>} : memref<2304xi32, #tpu.memory_space<vmem>>, vector<16xi32>,
    %add3A_688 = arith.constant 2048 : i32
    %add3A_689 = vector.broadcast %add3A_688 : i32 to vector<16xi32>
    %add3A_690 = arith.addi %get3A_663, %add3A_689 : vector<16xi32>
    %swap3A_691 = arith.constant 1728 : index
    %swap3A_692 = tpu.vector_load %arg11[%swap3A_691] {strides = array<i32>} : memref<2304xi32, #tpu.memory_space<vmem>>, vector<16xi32>,
    %swap3A_693 = vector.shape_cast %swap3A_692 : vector<16xi32> to vector<16xi32>
    %swap3A_694 = vector.shape_cast %add3A_690 : vector<16xi32> to vector<16xi32>
    tpu.vector_store %arg11[%swap3A_691], %swap3A_694 {strides = array<i32>} : memref<2304xi32, #tpu.memory_space<vmem>>, vector<16xi32>,
    %add3A_695 = arith.constant 3072 : i32
    %add3A_696 = vector.broadcast %add3A_695 : i32 to vector<16xi32>
    %add3A_697 = arith.addi %get3A_660, %add3A_696 : vector<16xi32>
    %swap3A_698 = arith.constant 2112 : index
    %swap3A_699 = tpu.vector_load %arg11[%swap3A_698] {strides = array<i32>} : memref<2304xi32, #tpu.memory_space<vmem>>, vector<16xi32>,
    %swap3A_700 = vector.shape_cast %swap3A_699 : vector<16xi32> to vector<16xi32>
    %swap3A_701 = vector.shape_cast %add3A_697 : vector<16xi32> to vector<16xi32>
    tpu.vector_store %arg11[%swap3A_698], %swap3A_701 {strides = array<i32>} : memref<2304xi32, #tpu.memory_space<vmem>>, vector<16xi32>,
    %get3A_702 = arith.constant 208 : index
    %get3A_703 = tpu.vector_load %arg12[%get3A_702] {strides = array<i32>} : memref<384xi32, #tpu.memory_space<vmem>>, vector<16xi32>,
    %get3A_704 = vector.shape_cast %get3A_703 : vector<16xi32> to vector<16xi32>
    %get3A_705 = arith.constant 208 : index
    %get3A_706 = tpu.vector_load %arg13[%get3A_705] {strides = array<i32>} : memref<384xi32, #tpu.memory_space<vmem>>, vector<16xi32>,
    %get3A_707 = vector.shape_cast %get3A_706 : vector<16xi32> to vector<16xi32>
    %get3A_708 = arith.constant 208 : index
    %get3A_709 = tpu.vector_load %arg14[%get3A_708] {strides = array<i32>} : memref<384xi32, #tpu.memory_space<vmem>>, vector<16xi32>,
    %get3A_710 = vector.shape_cast %get3A_709 : vector<16xi32> to vector<16xi32>
    %get3A_711 = arith.constant 208 : index
    %get3A_712 = tpu.vector_load %arg15[%get3A_711] {strides = array<i32>} : memref<384xi32, #tpu.memory_space<vmem>>, vector<16xi32>,
    %get3A_713 = vector.shape_cast %get3A_712 : vector<16xi32> to vector<16xi32>
    %swap3A_714 = arith.constant 208 : index
    %swap3A_715 = tpu.vector_load %arg11[%swap3A_714] {strides = array<i32>} : memref<2304xi32, #tpu.memory_space<vmem>>, vector<16xi32>,
    %swap3A_716 = vector.shape_cast %swap3A_715 : vector<16xi32> to vector<16xi32>
    %swap3A_717 = vector.shape_cast %get3A_704 : vector<16xi32> to vector<16xi32>
    tpu.vector_store %arg11[%swap3A_714], %swap3A_717 {strides = array<i32>} : memref<2304xi32, #tpu.memory_space<vmem>>, vector<16xi32>,
    %add3A_718 = arith.constant 1024 : i32
    %add3A_719 = vector.broadcast %add3A_718 : i32 to vector<16xi32>
    %add3A_720 = arith.addi %get3A_707, %add3A_719 : vector<16xi32>
    %swap3A_721 = arith.constant 592 : index
    %swap3A_722 = tpu.vector_load %arg11[%swap3A_721] {strides = array<i32>} : memref<2304xi32, #tpu.memory_space<vmem>>, vector<16xi32>,
    %swap3A_723 = vector.shape_cast %swap3A_722 : vector<16xi32> to vector<16xi32>
    %swap3A_724 = vector.shape_cast %add3A_720 : vector<16xi32> to vector<16xi32>
    tpu.vector_store %arg11[%swap3A_721], %swap3A_724 {strides = array<i32>} : memref<2304xi32, #tpu.memory_space<vmem>>, vector<16xi32>,
    %add3A_725 = arith.addi %get3A_704, %get3A_710 : vector<16xi32>
    %swap3A_726 = arith.constant 976 : index
    %swap3A_727 = tpu.vector_load %arg11[%swap3A_726] {strides = array<i32>} : memref<2304xi32, #tpu.memory_space<vmem>>, vector<16xi32>,
    %swap3A_728 = vector.shape_cast %swap3A_727 : vector<16xi32> to vector<16xi32>
    %swap3A_729 = vector.shape_cast %add3A_725 : vector<16xi32> to vector<16xi32>
    tpu.vector_store %arg11[%swap3A_726], %swap3A_729 {strides = array<i32>} : memref<2304xi32, #tpu.memory_space<vmem>>, vector<16xi32>,
    %add3A_730 = arith.addi %get3A_707, %get3A_713 : vector<16xi32>
    %add3A_731 = arith.constant 1024 : i32
    %add3A_732 = vector.broadcast %add3A_731 : i32 to vector<16xi32>
    %add3A_733 = arith.addi %add3A_730, %add3A_732 : vector<16xi32>
    %swap3A_734 = arith.constant 1360 : index
    %swap3A_735 = tpu.vector_load %arg11[%swap3A_734] {strides = array<i32>} : memref<2304xi32, #tpu.memory_space<vmem>>, vector<16xi32>,
    %swap3A_736 = vector.shape_cast %swap3A_735 : vector<16xi32> to vector<16xi32>
    %swap3A_737 = vector.shape_cast %add3A_733 : vector<16xi32> to vector<16xi32>
    tpu.vector_store %arg11[%swap3A_734], %swap3A_737 {strides = array<i32>} : memref<2304xi32, #tpu.memory_space<vmem>>, vector<16xi32>,
    %add3A_738 = arith.constant 2048 : i32
    %add3A_739 = vector.broadcast %add3A_738 : i32 to vector<16xi32>
    %add3A_740 = arith.addi %get3A_713, %add3A_739 : vector<16xi32>
    %swap3A_741 = arith.constant 1744 : index
    %swap3A_742 = tpu.vector_load %arg11[%swap3A_741] {strides = array<i32>} : memref<2304xi32, #tpu.memory_space<vmem>>, vector<16xi32>,
    %swap3A_743 = vector.shape_cast %swap3A_742 : vector<16xi32> to vector<16xi32>
    %swap3A_744 = vector.shape_cast %add3A_740 : vector<16xi32> to vector<16xi32>
    tpu.vector_store %arg11[%swap3A_741], %swap3A_744 {strides = array<i32>} : memref<2304xi32, #tpu.memory_space<vmem>>, vector<16xi32>,
    %add3A_745 = arith.constant 3072 : i32
    %add3A_746 = vector.broadcast %add3A_745 : i32 to vector<16xi32>
    %add3A_747 = arith.addi %get3A_710, %add3A_746 : vector<16xi32>
    %swap3A_748 = arith.constant 2128 : index
    %swap3A_749 = tpu.vector_load %arg11[%swap3A_748] {strides = array<i32>} : memref<2304xi32, #tpu.memory_space<vmem>>, vector<16xi32>,
    %swap3A_750 = vector.shape_cast %swap3A_749 : vector<16xi32> to vector<16xi32>
    %swap3A_751 = vector.shape_cast %add3A_747 : vector<16xi32> to vector<16xi32>
    tpu.vector_store %arg11[%swap3A_748], %swap3A_751 {strides = array<i32>} : memref<2304xi32, #tpu.memory_space<vmem>>, vector<16xi32>,
    %get3A_752 = arith.constant 224 : index
    %get3A_753 = tpu.vector_load %arg12[%get3A_752] {strides = array<i32>} : memref<384xi32, #tpu.memory_space<vmem>>, vector<16xi32>,
    %get3A_754 = vector.shape_cast %get3A_753 : vector<16xi32> to vector<16xi32>
    %get3A_755 = arith.constant 224 : index
    %get3A_756 = tpu.vector_load %arg13[%get3A_755] {strides = array<i32>} : memref<384xi32, #tpu.memory_space<vmem>>, vector<16xi32>,
    %get3A_757 = vector.shape_cast %get3A_756 : vector<16xi32> to vector<16xi32>
    %get3A_758 = arith.constant 224 : index
    %get3A_759 = tpu.vector_load %arg14[%get3A_758] {strides = array<i32>} : memref<384xi32, #tpu.memory_space<vmem>>, vector<16xi32>,
    %get3A_760 = vector.shape_cast %get3A_759 : vector<16xi32> to vector<16xi32>
    %get3A_761 = arith.constant 224 : index
    %get3A_762 = tpu.vector_load %arg15[%get3A_761] {strides = array<i32>} : memref<384xi32, #tpu.memory_space<vmem>>, vector<16xi32>,
    %get3A_763 = vector.shape_cast %get3A_762 : vector<16xi32> to vector<16xi32>
    %swap3A_764 = arith.constant 224 : index
    %swap3A_765 = tpu.vector_load %arg11[%swap3A_764] {strides = array<i32>} : memref<2304xi32, #tpu.memory_space<vmem>>, vector<16xi32>,
    %swap3A_766 = vector.shape_cast %swap3A_765 : vector<16xi32> to vector<16xi32>
    %swap3A_767 = vector.shape_cast %get3A_754 : vector<16xi32> to vector<16xi32>
    tpu.vector_store %arg11[%swap3A_764], %swap3A_767 {strides = array<i32>} : memref<2304xi32, #tpu.memory_space<vmem>>, vector<16xi32>,
    %add3A_768 = arith.constant 1024 : i32
    %add3A_769 = vector.broadcast %add3A_768 : i32 to vector<16xi32>
    %add3A_770 = arith.addi %get3A_757, %add3A_769 : vector<16xi32>
    %swap3A_771 = arith.constant 608 : index
    %swap3A_772 = tpu.vector_load %arg11[%swap3A_771] {strides = array<i32>} : memref<2304xi32, #tpu.memory_space<vmem>>, vector<16xi32>,
    %swap3A_773 = vector.shape_cast %swap3A_772 : vector<16xi32> to vector<16xi32>
    %swap3A_774 = vector.shape_cast %add3A_770 : vector<16xi32> to vector<16xi32>
    tpu.vector_store %arg11[%swap3A_771], %swap3A_774 {strides = array<i32>} : memref<2304xi32, #tpu.memory_space<vmem>>, vector<16xi32>,
    %add3A_775 = arith.addi %get3A_754, %get3A_760 : vector<16xi32>
    %swap3A_776 = arith.constant 992 : index
    %swap3A_777 = tpu.vector_load %arg11[%swap3A_776] {strides = array<i32>} : memref<2304xi32, #tpu.memory_space<vmem>>, vector<16xi32>,
    %swap3A_778 = vector.shape_cast %swap3A_777 : vector<16xi32> to vector<16xi32>
    %swap3A_779 = vector.shape_cast %add3A_775 : vector<16xi32> to vector<16xi32>
    tpu.vector_store %arg11[%swap3A_776], %swap3A_779 {strides = array<i32>} : memref<2304xi32, #tpu.memory_space<vmem>>, vector<16xi32>,
    %add3A_780 = arith.addi %get3A_757, %get3A_763 : vector<16xi32>
    %add3A_781 = arith.constant 1024 : i32
    %add3A_782 = vector.broadcast %add3A_781 : i32 to vector<16xi32>
    %add3A_783 = arith.addi %add3A_780, %add3A_782 : vector<16xi32>
    %swap3A_784 = arith.constant 1376 : index
    %swap3A_785 = tpu.vector_load %arg11[%swap3A_784] {strides = array<i32>} : memref<2304xi32, #tpu.memory_space<vmem>>, vector<16xi32>,
    %swap3A_786 = vector.shape_cast %swap3A_785 : vector<16xi32> to vector<16xi32>
    %swap3A_787 = vector.shape_cast %add3A_783 : vector<16xi32> to vector<16xi32>
    tpu.vector_store %arg11[%swap3A_784], %swap3A_787 {strides = array<i32>} : memref<2304xi32, #tpu.memory_space<vmem>>, vector<16xi32>,
    %add3A_788 = arith.constant 2048 : i32
    %add3A_789 = vector.broadcast %add3A_788 : i32 to vector<16xi32>
    %add3A_790 = arith.addi %get3A_763, %add3A_789 : vector<16xi32>
    %swap3A_791 = arith.constant 1760 : index
    %swap3A_792 = tpu.vector_load %arg11[%swap3A_791] {strides = array<i32>} : memref<2304xi32, #tpu.memory_space<vmem>>, vector<16xi32>,
    %swap3A_793 = vector.shape_cast %swap3A_792 : vector<16xi32> to vector<16xi32>
    %swap3A_794 = vector.shape_cast %add3A_790 : vector<16xi32> to vector<16xi32>
    tpu.vector_store %arg11[%swap3A_791], %swap3A_794 {strides = array<i32>} : memref<2304xi32, #tpu.memory_space<vmem>>, vector<16xi32>,
    %add3A_795 = arith.constant 3072 : i32
    %add3A_796 = vector.broadcast %add3A_795 : i32 to vector<16xi32>
    %add3A_797 = arith.addi %get3A_760, %add3A_796 : vector<16xi32>
    %swap3A_798 = arith.constant 2144 : index
    %swap3A_799 = tpu.vector_load %arg11[%swap3A_798] {strides = array<i32>} : memref<2304xi32, #tpu.memory_space<vmem>>, vector<16xi32>,
    %swap3A_800 = vector.shape_cast %swap3A_799 : vector<16xi32> to vector<16xi32>
    %swap3A_801 = vector.shape_cast %add3A_797 : vector<16xi32> to vector<16xi32>
    tpu.vector_store %arg11[%swap3A_798], %swap3A_801 {strides = array<i32>} : memref<2304xi32, #tpu.memory_space<vmem>>, vector<16xi32>,
    %get3A_802 = arith.constant 240 : index
    %get3A_803 = tpu.vector_load %arg12[%get3A_802] {strides = array<i32>} : memref<384xi32, #tpu.memory_space<vmem>>, vector<16xi32>,
    %get3A_804 = vector.shape_cast %get3A_803 : vector<16xi32> to vector<16xi32>
    %get3A_805 = arith.constant 240 : index
    %get3A_806 = tpu.vector_load %arg13[%get3A_805] {strides = array<i32>} : memref<384xi32, #tpu.memory_space<vmem>>, vector<16xi32>,
    %get3A_807 = vector.shape_cast %get3A_806 : vector<16xi32> to vector<16xi32>
    %get3A_808 = arith.constant 240 : index
    %get3A_809 = tpu.vector_load %arg14[%get3A_808] {strides = array<i32>} : memref<384xi32, #tpu.memory_space<vmem>>, vector<16xi32>,
    %get3A_810 = vector.shape_cast %get3A_809 : vector<16xi32> to vector<16xi32>
    %get3A_811 = arith.constant 240 : index
    %get3A_812 = tpu.vector_load %arg15[%get3A_811] {strides = array<i32>} : memref<384xi32, #tpu.memory_space<vmem>>, vector<16xi32>,
    %get3A_813 = vector.shape_cast %get3A_812 : vector<16xi32> to vector<16xi32>
    %swap3A_814 = arith.constant 240 : index
    %swap3A_815 = tpu.vector_load %arg11[%swap3A_814] {strides = array<i32>} : memref<2304xi32, #tpu.memory_space<vmem>>, vector<16xi32>,
    %swap3A_816 = vector.shape_cast %swap3A_815 : vector<16xi32> to vector<16xi32>
    %swap3A_817 = vector.shape_cast %get3A_804 : vector<16xi32> to vector<16xi32>
    tpu.vector_store %arg11[%swap3A_814], %swap3A_817 {strides = array<i32>} : memref<2304xi32, #tpu.memory_space<vmem>>, vector<16xi32>,
    %add3A_818 = arith.constant 1024 : i32
    %add3A_819 = vector.broadcast %add3A_818 : i32 to vector<16xi32>
    %add3A_820 = arith.addi %get3A_807, %add3A_819 : vector<16xi32>
    %swap3A_821 = arith.constant 624 : index
    %swap3A_822 = tpu.vector_load %arg11[%swap3A_821] {strides = array<i32>} : memref<2304xi32, #tpu.memory_space<vmem>>, vector<16xi32>,
    %swap3A_823 = vector.shape_cast %swap3A_822 : vector<16xi32> to vector<16xi32>
    %swap3A_824 = vector.shape_cast %add3A_820 : vector<16xi32> to vector<16xi32>
    tpu.vector_store %arg11[%swap3A_821], %swap3A_824 {strides = array<i32>} : memref<2304xi32, #tpu.memory_space<vmem>>, vector<16xi32>,
    %add3A_825 = arith.addi %get3A_804, %get3A_810 : vector<16xi32>
    %swap3A_826 = arith.constant 1008 : index
    %swap3A_827 = tpu.vector_load %arg11[%swap3A_826] {strides = array<i32>} : memref<2304xi32, #tpu.memory_space<vmem>>, vector<16xi32>,
    %swap3A_828 = vector.shape_cast %swap3A_827 : vector<16xi32> to vector<16xi32>
    %swap3A_829 = vector.shape_cast %add3A_825 : vector<16xi32> to vector<16xi32>
    tpu.vector_store %arg11[%swap3A_826], %swap3A_829 {strides = array<i32>} : memref<2304xi32, #tpu.memory_space<vmem>>, vector<16xi32>,
    %add3A_830 = arith.addi %get3A_807, %get3A_813 : vector<16xi32>
    %add3A_831 = arith.constant 1024 : i32
    %add3A_832 = vector.broadcast %add3A_831 : i32 to vector<16xi32>
    %add3A_833 = arith.addi %add3A_830, %add3A_832 : vector<16xi32>
    %swap3A_834 = arith.constant 1392 : index
    %swap3A_835 = tpu.vector_load %arg11[%swap3A_834] {strides = array<i32>} : memref<2304xi32, #tpu.memory_space<vmem>>, vector<16xi32>,
    %swap3A_836 = vector.shape_cast %swap3A_835 : vector<16xi32> to vector<16xi32>
    %swap3A_837 = vector.shape_cast %add3A_833 : vector<16xi32> to vector<16xi32>
    tpu.vector_store %arg11[%swap3A_834], %swap3A_837 {strides = array<i32>} : memref<2304xi32, #tpu.memory_space<vmem>>, vector<16xi32>,
    %add3A_838 = arith.constant 2048 : i32
    %add3A_839 = vector.broadcast %add3A_838 : i32 to vector<16xi32>
    %add3A_840 = arith.addi %get3A_813, %add3A_839 : vector<16xi32>
    %swap3A_841 = arith.constant 1776 : index
    %swap3A_842 = tpu.vector_load %arg11[%swap3A_841] {strides = array<i32>} : memref<2304xi32, #tpu.memory_space<vmem>>, vector<16xi32>,
    %swap3A_843 = vector.shape_cast %swap3A_842 : vector<16xi32> to vector<16xi32>
    %swap3A_844 = vector.shape_cast %add3A_840 : vector<16xi32> to vector<16xi32>
    tpu.vector_store %arg11[%swap3A_841], %swap3A_844 {strides = array<i32>} : memref<2304xi32, #tpu.memory_space<vmem>>, vector<16xi32>,
    %add3A_845 = arith.constant 3072 : i32
    %add3A_846 = vector.broadcast %add3A_845 : i32 to vector<16xi32>
    %add3A_847 = arith.addi %get3A_810, %add3A_846 : vector<16xi32>
    %swap3A_848 = arith.constant 2160 : index
    %swap3A_849 = tpu.vector_load %arg11[%swap3A_848] {strides = array<i32>} : memref<2304xi32, #tpu.memory_space<vmem>>, vector<16xi32>,
    %swap3A_850 = vector.shape_cast %swap3A_849 : vector<16xi32> to vector<16xi32>
    %swap3A_851 = vector.shape_cast %add3A_847 : vector<16xi32> to vector<16xi32>
    tpu.vector_store %arg11[%swap3A_848], %swap3A_851 {strides = array<i32>} : memref<2304xi32, #tpu.memory_space<vmem>>, vector<16xi32>,
    %get3A_852 = arith.constant 256 : index
    %get3A_853 = tpu.vector_load %arg12[%get3A_852] {strides = array<i32>} : memref<384xi32, #tpu.memory_space<vmem>>, vector<16xi32>,
    %get3A_854 = vector.shape_cast %get3A_853 : vector<16xi32> to vector<16xi32>
    %get3A_855 = arith.constant 256 : index
    %get3A_856 = tpu.vector_load %arg13[%get3A_855] {strides = array<i32>} : memref<384xi32, #tpu.memory_space<vmem>>, vector<16xi32>,
    %get3A_857 = vector.shape_cast %get3A_856 : vector<16xi32> to vector<16xi32>
    %get3A_858 = arith.constant 256 : index
    %get3A_859 = tpu.vector_load %arg14[%get3A_858] {strides = array<i32>} : memref<384xi32, #tpu.memory_space<vmem>>, vector<16xi32>,
    %get3A_860 = vector.shape_cast %get3A_859 : vector<16xi32> to vector<16xi32>
    %get3A_861 = arith.constant 256 : index
    %get3A_862 = tpu.vector_load %arg15[%get3A_861] {strides = array<i32>} : memref<384xi32, #tpu.memory_space<vmem>>, vector<16xi32>,
    %get3A_863 = vector.shape_cast %get3A_862 : vector<16xi32> to vector<16xi32>
    %swap3A_864 = arith.constant 256 : index
    %swap3A_865 = tpu.vector_load %arg11[%swap3A_864] {strides = array<i32>} : memref<2304xi32, #tpu.memory_space<vmem>>, vector<16xi32>,
    %swap3A_866 = vector.shape_cast %swap3A_865 : vector<16xi32> to vector<16xi32>
    %swap3A_867 = vector.shape_cast %get3A_854 : vector<16xi32> to vector<16xi32>
    tpu.vector_store %arg11[%swap3A_864], %swap3A_867 {strides = array<i32>} : memref<2304xi32, #tpu.memory_space<vmem>>, vector<16xi32>,
    %add3A_868 = arith.constant 1024 : i32
    %add3A_869 = vector.broadcast %add3A_868 : i32 to vector<16xi32>
    %add3A_870 = arith.addi %get3A_857, %add3A_869 : vector<16xi32>
    %swap3A_871 = arith.constant 640 : index
    %swap3A_872 = tpu.vector_load %arg11[%swap3A_871] {strides = array<i32>} : memref<2304xi32, #tpu.memory_space<vmem>>, vector<16xi32>,
    %swap3A_873 = vector.shape_cast %swap3A_872 : vector<16xi32> to vector<16xi32>
    %swap3A_874 = vector.shape_cast %add3A_870 : vector<16xi32> to vector<16xi32>
    tpu.vector_store %arg11[%swap3A_871], %swap3A_874 {strides = array<i32>} : memref<2304xi32, #tpu.memory_space<vmem>>, vector<16xi32>,
    %add3A_875 = arith.addi %get3A_854, %get3A_860 : vector<16xi32>
    %swap3A_876 = arith.constant 1024 : index
    %swap3A_877 = tpu.vector_load %arg11[%swap3A_876] {strides = array<i32>} : memref<2304xi32, #tpu.memory_space<vmem>>, vector<16xi32>,
    %swap3A_878 = vector.shape_cast %swap3A_877 : vector<16xi32> to vector<16xi32>
    %swap3A_879 = vector.shape_cast %add3A_875 : vector<16xi32> to vector<16xi32>
    tpu.vector_store %arg11[%swap3A_876], %swap3A_879 {strides = array<i32>} : memref<2304xi32, #tpu.memory_space<vmem>>, vector<16xi32>,
    %add3A_880 = arith.addi %get3A_857, %get3A_863 : vector<16xi32>
    %add3A_881 = arith.constant 1024 : i32
    %add3A_882 = vector.broadcast %add3A_881 : i32 to vector<16xi32>
    %add3A_883 = arith.addi %add3A_880, %add3A_882 : vector<16xi32>
    %swap3A_884 = arith.constant 1408 : index
    %swap3A_885 = tpu.vector_load %arg11[%swap3A_884] {strides = array<i32>} : memref<2304xi32, #tpu.memory_space<vmem>>, vector<16xi32>,
    %swap3A_886 = vector.shape_cast %swap3A_885 : vector<16xi32> to vector<16xi32>
    %swap3A_887 = vector.shape_cast %add3A_883 : vector<16xi32> to vector<16xi32>
    tpu.vector_store %arg11[%swap3A_884], %swap3A_887 {strides = array<i32>} : memref<2304xi32, #tpu.memory_space<vmem>>, vector<16xi32>,
    %add3A_888 = arith.constant 2048 : i32
    %add3A_889 = vector.broadcast %add3A_888 : i32 to vector<16xi32>
    %add3A_890 = arith.addi %get3A_863, %add3A_889 : vector<16xi32>
    %swap3A_891 = arith.constant 1792 : index
    %swap3A_892 = tpu.vector_load %arg11[%swap3A_891] {strides = array<i32>} : memref<2304xi32, #tpu.memory_space<vmem>>, vector<16xi32>,
    %swap3A_893 = vector.shape_cast %swap3A_892 : vector<16xi32> to vector<16xi32>
    %swap3A_894 = vector.shape_cast %add3A_890 : vector<16xi32> to vector<16xi32>
    tpu.vector_store %arg11[%swap3A_891], %swap3A_894 {strides = array<i32>} : memref<2304xi32, #tpu.memory_space<vmem>>, vector<16xi32>,
    %add3A_895 = arith.constant 3072 : i32
    %add3A_896 = vector.broadcast %add3A_895 : i32 to vector<16xi32>
    %add3A_897 = arith.addi %get3A_860, %add3A_896 : vector<16xi32>
    %swap3A_898 = arith.constant 2176 : index
    %swap3A_899 = tpu.vector_load %arg11[%swap3A_898] {strides = array<i32>} : memref<2304xi32, #tpu.memory_space<vmem>>, vector<16xi32>,
    %swap3A_900 = vector.shape_cast %swap3A_899 : vector<16xi32> to vector<16xi32>
    %swap3A_901 = vector.shape_cast %add3A_897 : vector<16xi32> to vector<16xi32>
    tpu.vector_store %arg11[%swap3A_898], %swap3A_901 {strides = array<i32>} : memref<2304xi32, #tpu.memory_space<vmem>>, vector<16xi32>,
    %get3A_902 = arith.constant 272 : index
    %get3A_903 = tpu.vector_load %arg12[%get3A_902] {strides = array<i32>} : memref<384xi32, #tpu.memory_space<vmem>>, vector<16xi32>,
    %get3A_904 = vector.shape_cast %get3A_903 : vector<16xi32> to vector<16xi32>
    %get3A_905 = arith.constant 272 : index
    %get3A_906 = tpu.vector_load %arg13[%get3A_905] {strides = array<i32>} : memref<384xi32, #tpu.memory_space<vmem>>, vector<16xi32>,
    %get3A_907 = vector.shape_cast %get3A_906 : vector<16xi32> to vector<16xi32>
    %get3A_908 = arith.constant 272 : index
    %get3A_909 = tpu.vector_load %arg14[%get3A_908] {strides = array<i32>} : memref<384xi32, #tpu.memory_space<vmem>>, vector<16xi32>,
    %get3A_910 = vector.shape_cast %get3A_909 : vector<16xi32> to vector<16xi32>
    %get3A_911 = arith.constant 272 : index
    %get3A_912 = tpu.vector_load %arg15[%get3A_911] {strides = array<i32>} : memref<384xi32, #tpu.memory_space<vmem>>, vector<16xi32>,
    %get3A_913 = vector.shape_cast %get3A_912 : vector<16xi32> to vector<16xi32>
    %swap3A_914 = arith.constant 272 : index
    %swap3A_915 = tpu.vector_load %arg11[%swap3A_914] {strides = array<i32>} : memref<2304xi32, #tpu.memory_space<vmem>>, vector<16xi32>,
    %swap3A_916 = vector.shape_cast %swap3A_915 : vector<16xi32> to vector<16xi32>
    %swap3A_917 = vector.shape_cast %get3A_904 : vector<16xi32> to vector<16xi32>
    tpu.vector_store %arg11[%swap3A_914], %swap3A_917 {strides = array<i32>} : memref<2304xi32, #tpu.memory_space<vmem>>, vector<16xi32>,
    %add3A_918 = arith.constant 1024 : i32
    %add3A_919 = vector.broadcast %add3A_918 : i32 to vector<16xi32>
    %add3A_920 = arith.addi %get3A_907, %add3A_919 : vector<16xi32>
    %swap3A_921 = arith.constant 656 : index
    %swap3A_922 = tpu.vector_load %arg11[%swap3A_921] {strides = array<i32>} : memref<2304xi32, #tpu.memory_space<vmem>>, vector<16xi32>,
    %swap3A_923 = vector.shape_cast %swap3A_922 : vector<16xi32> to vector<16xi32>
    %swap3A_924 = vector.shape_cast %add3A_920 : vector<16xi32> to vector<16xi32>
    tpu.vector_store %arg11[%swap3A_921], %swap3A_924 {strides = array<i32>} : memref<2304xi32, #tpu.memory_space<vmem>>, vector<16xi32>,
    %add3A_925 = arith.addi %get3A_904, %get3A_910 : vector<16xi32>
    %swap3A_926 = arith.constant 1040 : index
    %swap3A_927 = tpu.vector_load %arg11[%swap3A_926] {strides = array<i32>} : memref<2304xi32, #tpu.memory_space<vmem>>, vector<16xi32>,
    %swap3A_928 = vector.shape_cast %swap3A_927 : vector<16xi32> to vector<16xi32>
    %swap3A_929 = vector.shape_cast %add3A_925 : vector<16xi32> to vector<16xi32>
    tpu.vector_store %arg11[%swap3A_926], %swap3A_929 {strides = array<i32>} : memref<2304xi32, #tpu.memory_space<vmem>>, vector<16xi32>,
    %add3A_930 = arith.addi %get3A_907, %get3A_913 : vector<16xi32>
    %add3A_931 = arith.constant 1024 : i32
    %add3A_932 = vector.broadcast %add3A_931 : i32 to vector<16xi32>
    %add3A_933 = arith.addi %add3A_930, %add3A_932 : vector<16xi32>
    %swap3A_934 = arith.constant 1424 : index
    %swap3A_935 = tpu.vector_load %arg11[%swap3A_934] {strides = array<i32>} : memref<2304xi32, #tpu.memory_space<vmem>>, vector<16xi32>,
    %swap3A_936 = vector.shape_cast %swap3A_935 : vector<16xi32> to vector<16xi32>
    %swap3A_937 = vector.shape_cast %add3A_933 : vector<16xi32> to vector<16xi32>
    tpu.vector_store %arg11[%swap3A_934], %swap3A_937 {strides = array<i32>} : memref<2304xi32, #tpu.memory_space<vmem>>, vector<16xi32>,
    %add3A_938 = arith.constant 2048 : i32
    %add3A_939 = vector.broadcast %add3A_938 : i32 to vector<16xi32>
    %add3A_940 = arith.addi %get3A_913, %add3A_939 : vector<16xi32>
    %swap3A_941 = arith.constant 1808 : index
    %swap3A_942 = tpu.vector_load %arg11[%swap3A_941] {strides = array<i32>} : memref<2304xi32, #tpu.memory_space<vmem>>, vector<16xi32>,
    %swap3A_943 = vector.shape_cast %swap3A_942 : vector<16xi32> to vector<16xi32>
    %swap3A_944 = vector.shape_cast %add3A_940 : vector<16xi32> to vector<16xi32>
    tpu.vector_store %arg11[%swap3A_941], %swap3A_944 {strides = array<i32>} : memref<2304xi32, #tpu.memory_space<vmem>>, vector<16xi32>,
    %add3A_945 = arith.constant 3072 : i32
    %add3A_946 = vector.broadcast %add3A_945 : i32 to vector<16xi32>
    %add3A_947 = arith.addi %get3A_910, %add3A_946 : vector<16xi32>
    %swap3A_948 = arith.constant 2192 : index
    %swap3A_949 = tpu.vector_load %arg11[%swap3A_948] {strides = array<i32>} : memref<2304xi32, #tpu.memory_space<vmem>>, vector<16xi32>,
    %swap3A_950 = vector.shape_cast %swap3A_949 : vector<16xi32> to vector<16xi32>
    %swap3A_951 = vector.shape_cast %add3A_947 : vector<16xi32> to vector<16xi32>
    tpu.vector_store %arg11[%swap3A_948], %swap3A_951 {strides = array<i32>} : memref<2304xi32, #tpu.memory_space<vmem>>, vector<16xi32>,
    %get3A_952 = arith.constant 288 : index
    %get3A_953 = tpu.vector_load %arg12[%get3A_952] {strides = array<i32>} : memref<384xi32, #tpu.memory_space<vmem>>, vector<16xi32>,
    %get3A_954 = vector.shape_cast %get3A_953 : vector<16xi32> to vector<16xi32>
    %get3A_955 = arith.constant 288 : index
    %get3A_956 = tpu.vector_load %arg13[%get3A_955] {strides = array<i32>} : memref<384xi32, #tpu.memory_space<vmem>>, vector<16xi32>,
    %get3A_957 = vector.shape_cast %get3A_956 : vector<16xi32> to vector<16xi32>
    %get3A_958 = arith.constant 288 : index
    %get3A_959 = tpu.vector_load %arg14[%get3A_958] {strides = array<i32>} : memref<384xi32, #tpu.memory_space<vmem>>, vector<16xi32>,
    %get3A_960 = vector.shape_cast %get3A_959 : vector<16xi32> to vector<16xi32>
    %get3A_961 = arith.constant 288 : index
    %get3A_962 = tpu.vector_load %arg15[%get3A_961] {strides = array<i32>} : memref<384xi32, #tpu.memory_space<vmem>>, vector<16xi32>,
    %get3A_963 = vector.shape_cast %get3A_962 : vector<16xi32> to vector<16xi32>
    %swap3A_964 = arith.constant 288 : index
    %swap3A_965 = tpu.vector_load %arg11[%swap3A_964] {strides = array<i32>} : memref<2304xi32, #tpu.memory_space<vmem>>, vector<16xi32>,
    %swap3A_966 = vector.shape_cast %swap3A_965 : vector<16xi32> to vector<16xi32>
    %swap3A_967 = vector.shape_cast %get3A_954 : vector<16xi32> to vector<16xi32>
    tpu.vector_store %arg11[%swap3A_964], %swap3A_967 {strides = array<i32>} : memref<2304xi32, #tpu.memory_space<vmem>>, vector<16xi32>,
    %add3A_968 = arith.constant 1024 : i32
    %add3A_969 = vector.broadcast %add3A_968 : i32 to vector<16xi32>
    %add3A_970 = arith.addi %get3A_957, %add3A_969 : vector<16xi32>
    %swap3A_971 = arith.constant 672 : index
    %swap3A_972 = tpu.vector_load %arg11[%swap3A_971] {strides = array<i32>} : memref<2304xi32, #tpu.memory_space<vmem>>, vector<16xi32>,
    %swap3A_973 = vector.shape_cast %swap3A_972 : vector<16xi32> to vector<16xi32>
    %swap3A_974 = vector.shape_cast %add3A_970 : vector<16xi32> to vector<16xi32>
    tpu.vector_store %arg11[%swap3A_971], %swap3A_974 {strides = array<i32>} : memref<2304xi32, #tpu.memory_space<vmem>>, vector<16xi32>,
    %add3A_975 = arith.addi %get3A_954, %get3A_960 : vector<16xi32>
    %swap3A_976 = arith.constant 1056 : index
    %swap3A_977 = tpu.vector_load %arg11[%swap3A_976] {strides = array<i32>} : memref<2304xi32, #tpu.memory_space<vmem>>, vector<16xi32>,
    %swap3A_978 = vector.shape_cast %swap3A_977 : vector<16xi32> to vector<16xi32>
    %swap3A_979 = vector.shape_cast %add3A_975 : vector<16xi32> to vector<16xi32>
    tpu.vector_store %arg11[%swap3A_976], %swap3A_979 {strides = array<i32>} : memref<2304xi32, #tpu.memory_space<vmem>>, vector<16xi32>,
    %add3A_980 = arith.addi %get3A_957, %get3A_963 : vector<16xi32>
    %add3A_981 = arith.constant 1024 : i32
    %add3A_982 = vector.broadcast %add3A_981 : i32 to vector<16xi32>
    %add3A_983 = arith.addi %add3A_980, %add3A_982 : vector<16xi32>
    %swap3A_984 = arith.constant 1440 : index
    %swap3A_985 = tpu.vector_load %arg11[%swap3A_984] {strides = array<i32>} : memref<2304xi32, #tpu.memory_space<vmem>>, vector<16xi32>,
    %swap3A_986 = vector.shape_cast %swap3A_985 : vector<16xi32> to vector<16xi32>
    %swap3A_987 = vector.shape_cast %add3A_983 : vector<16xi32> to vector<16xi32>
    tpu.vector_store %arg11[%swap3A_984], %swap3A_987 {strides = array<i32>} : memref<2304xi32, #tpu.memory_space<vmem>>, vector<16xi32>,
    %add3A_988 = arith.constant 2048 : i32
    %add3A_989 = vector.broadcast %add3A_988 : i32 to vector<16xi32>
    %add3A_990 = arith.addi %get3A_963, %add3A_989 : vector<16xi32>
    %swap3A_991 = arith.constant 1824 : index
    %swap3A_992 = tpu.vector_load %arg11[%swap3A_991] {strides = array<i32>} : memref<2304xi32, #tpu.memory_space<vmem>>, vector<16xi32>,
    %swap3A_993 = vector.shape_cast %swap3A_992 : vector<16xi32> to vector<16xi32>
    %swap3A_994 = vector.shape_cast %add3A_990 : vector<16xi32> to vector<16xi32>
    tpu.vector_store %arg11[%swap3A_991], %swap3A_994 {strides = array<i32>} : memref<2304xi32, #tpu.memory_space<vmem>>, vector<16xi32>,
    %add3A_995 = arith.constant 3072 : i32
    %add3A_996 = vector.broadcast %add3A_995 : i32 to vector<16xi32>
    %add3A_997 = arith.addi %get3A_960, %add3A_996 : vector<16xi32>
    %swap3A_998 = arith.constant 2208 : index
    %swap3A_999 = tpu.vector_load %arg11[%swap3A_998] {strides = array<i32>} : memref<2304xi32, #tpu.memory_space<vmem>>, vector<16xi32>,
    %swap3A_1000 = vector.shape_cast %swap3A_999 : vector<16xi32> to vector<16xi32>
    %swap3A_1001 = vector.shape_cast %add3A_997 : vector<16xi32> to vector<16xi32>
    tpu.vector_store %arg11[%swap3A_998], %swap3A_1001 {strides = array<i32>} : memref<2304xi32, #tpu.memory_space<vmem>>, vector<16xi32>,
    %get3A_1002 = arith.constant 304 : index
    %get3A_1003 = tpu.vector_load %arg12[%get3A_1002] {strides = array<i32>} : memref<384xi32, #tpu.memory_space<vmem>>, vector<16xi32>,
    %get3A_1004 = vector.shape_cast %get3A_1003 : vector<16xi32> to vector<16xi32>
    %get3A_1005 = arith.constant 304 : index
    %get3A_1006 = tpu.vector_load %arg13[%get3A_1005] {strides = array<i32>} : memref<384xi32, #tpu.memory_space<vmem>>, vector<16xi32>,
    %get3A_1007 = vector.shape_cast %get3A_1006 : vector<16xi32> to vector<16xi32>
    %get3A_1008 = arith.constant 304 : index
    %get3A_1009 = tpu.vector_load %arg14[%get3A_1008] {strides = array<i32>} : memref<384xi32, #tpu.memory_space<vmem>>, vector<16xi32>,
    %get3A_1010 = vector.shape_cast %get3A_1009 : vector<16xi32> to vector<16xi32>
    %get3A_1011 = arith.constant 304 : index
    %get3A_1012 = tpu.vector_load %arg15[%get3A_1011] {strides = array<i32>} : memref<384xi32, #tpu.memory_space<vmem>>, vector<16xi32>,
    %get3A_1013 = vector.shape_cast %get3A_1012 : vector<16xi32> to vector<16xi32>
    %swap3A_1014 = arith.constant 304 : index
    %swap3A_1015 = tpu.vector_load %arg11[%swap3A_1014] {strides = array<i32>} : memref<2304xi32, #tpu.memory_space<vmem>>, vector<16xi32>,
    %swap3A_1016 = vector.shape_cast %swap3A_1015 : vector<16xi32> to vector<16xi32>
    %swap3A_1017 = vector.shape_cast %get3A_1004 : vector<16xi32> to vector<16xi32>
    tpu.vector_store %arg11[%swap3A_1014], %swap3A_1017 {strides = array<i32>} : memref<2304xi32, #tpu.memory_space<vmem>>, vector<16xi32>,
    %add3A_1018 = arith.constant 1024 : i32
    %add3A_1019 = vector.broadcast %add3A_1018 : i32 to vector<16xi32>
    %add3A_1020 = arith.addi %get3A_1007, %add3A_1019 : vector<16xi32>
    %swap3A_1021 = arith.constant 688 : index
    %swap3A_1022 = tpu.vector_load %arg11[%swap3A_1021] {strides = array<i32>} : memref<2304xi32, #tpu.memory_space<vmem>>, vector<16xi32>,
    %swap3A_1023 = vector.shape_cast %swap3A_1022 : vector<16xi32> to vector<16xi32>
    %swap3A_1024 = vector.shape_cast %add3A_1020 : vector<16xi32> to vector<16xi32>
    tpu.vector_store %arg11[%swap3A_1021], %swap3A_1024 {strides = array<i32>} : memref<2304xi32, #tpu.memory_space<vmem>>, vector<16xi32>,
    %add3A_1025 = arith.addi %get3A_1004, %get3A_1010 : vector<16xi32>
    %swap3A_1026 = arith.constant 1072 : index
    %swap3A_1027 = tpu.vector_load %arg11[%swap3A_1026] {strides = array<i32>} : memref<2304xi32, #tpu.memory_space<vmem>>, vector<16xi32>,
    %swap3A_1028 = vector.shape_cast %swap3A_1027 : vector<16xi32> to vector<16xi32>
    %swap3A_1029 = vector.shape_cast %add3A_1025 : vector<16xi32> to vector<16xi32>
    tpu.vector_store %arg11[%swap3A_1026], %swap3A_1029 {strides = array<i32>} : memref<2304xi32, #tpu.memory_space<vmem>>, vector<16xi32>,
    %add3A_1030 = arith.addi %get3A_1007, %get3A_1013 : vector<16xi32>
    %add3A_1031 = arith.constant 1024 : i32
    %add3A_1032 = vector.broadcast %add3A_1031 : i32 to vector<16xi32>
    %add3A_1033 = arith.addi %add3A_1030, %add3A_1032 : vector<16xi32>
    %swap3A_1034 = arith.constant 1456 : index
    %swap3A_1035 = tpu.vector_load %arg11[%swap3A_1034] {strides = array<i32>} : memref<2304xi32, #tpu.memory_space<vmem>>, vector<16xi32>,
    %swap3A_1036 = vector.shape_cast %swap3A_1035 : vector<16xi32> to vector<16xi32>
    %swap3A_1037 = vector.shape_cast %add3A_1033 : vector<16xi32> to vector<16xi32>
    tpu.vector_store %arg11[%swap3A_1034], %swap3A_1037 {strides = array<i32>} : memref<2304xi32, #tpu.memory_space<vmem>>, vector<16xi32>,
    %add3A_1038 = arith.constant 2048 : i32
    %add3A_1039 = vector.broadcast %add3A_1038 : i32 to vector<16xi32>
    %add3A_1040 = arith.addi %get3A_1013, %add3A_1039 : vector<16xi32>
    %swap3A_1041 = arith.constant 1840 : index
    %swap3A_1042 = tpu.vector_load %arg11[%swap3A_1041] {strides = array<i32>} : memref<2304xi32, #tpu.memory_space<vmem>>, vector<16xi32>,
    %swap3A_1043 = vector.shape_cast %swap3A_1042 : vector<16xi32> to vector<16xi32>
    %swap3A_1044 = vector.shape_cast %add3A_1040 : vector<16xi32> to vector<16xi32>
    tpu.vector_store %arg11[%swap3A_1041], %swap3A_1044 {strides = array<i32>} : memref<2304xi32, #tpu.memory_space<vmem>>, vector<16xi32>,
    %add3A_1045 = arith.constant 3072 : i32
    %add3A_1046 = vector.broadcast %add3A_1045 : i32 to vector<16xi32>
    %add3A_1047 = arith.addi %get3A_1010, %add3A_1046 : vector<16xi32>
    %swap3A_1048 = arith.constant 2224 : index
    %swap3A_1049 = tpu.vector_load %arg11[%swap3A_1048] {strides = array<i32>} : memref<2304xi32, #tpu.memory_space<vmem>>, vector<16xi32>,
    %swap3A_1050 = vector.shape_cast %swap3A_1049 : vector<16xi32> to vector<16xi32>
    %swap3A_1051 = vector.shape_cast %add3A_1047 : vector<16xi32> to vector<16xi32>
    tpu.vector_store %arg11[%swap3A_1048], %swap3A_1051 {strides = array<i32>} : memref<2304xi32, #tpu.memory_space<vmem>>, vector<16xi32>,
    %get3A_1052 = arith.constant 320 : index
    %get3A_1053 = tpu.vector_load %arg12[%get3A_1052] {strides = array<i32>} : memref<384xi32, #tpu.memory_space<vmem>>, vector<16xi32>,
    %get3A_1054 = vector.shape_cast %get3A_1053 : vector<16xi32> to vector<16xi32>
    %get3A_1055 = arith.constant 320 : index
    %get3A_1056 = tpu.vector_load %arg13[%get3A_1055] {strides = array<i32>} : memref<384xi32, #tpu.memory_space<vmem>>, vector<16xi32>,
    %get3A_1057 = vector.shape_cast %get3A_1056 : vector<16xi32> to vector<16xi32>
    %get3A_1058 = arith.constant 320 : index
    %get3A_1059 = tpu.vector_load %arg14[%get3A_1058] {strides = array<i32>} : memref<384xi32, #tpu.memory_space<vmem>>, vector<16xi32>,
    %get3A_1060 = vector.shape_cast %get3A_1059 : vector<16xi32> to vector<16xi32>
    %get3A_1061 = arith.constant 320 : index
    %get3A_1062 = tpu.vector_load %arg15[%get3A_1061] {strides = array<i32>} : memref<384xi32, #tpu.memory_space<vmem>>, vector<16xi32>,
    %get3A_1063 = vector.shape_cast %get3A_1062 : vector<16xi32> to vector<16xi32>
    %swap3A_1064 = arith.constant 320 : index
    %swap3A_1065 = tpu.vector_load %arg11[%swap3A_1064] {strides = array<i32>} : memref<2304xi32, #tpu.memory_space<vmem>>, vector<16xi32>,
    %swap3A_1066 = vector.shape_cast %swap3A_1065 : vector<16xi32> to vector<16xi32>
    %swap3A_1067 = vector.shape_cast %get3A_1054 : vector<16xi32> to vector<16xi32>
    tpu.vector_store %arg11[%swap3A_1064], %swap3A_1067 {strides = array<i32>} : memref<2304xi32, #tpu.memory_space<vmem>>, vector<16xi32>,
    %add3A_1068 = arith.constant 1024 : i32
    %add3A_1069 = vector.broadcast %add3A_1068 : i32 to vector<16xi32>
    %add3A_1070 = arith.addi %get3A_1057, %add3A_1069 : vector<16xi32>
    %swap3A_1071 = arith.constant 704 : index
    %swap3A_1072 = tpu.vector_load %arg11[%swap3A_1071] {strides = array<i32>} : memref<2304xi32, #tpu.memory_space<vmem>>, vector<16xi32>,
    %swap3A_1073 = vector.shape_cast %swap3A_1072 : vector<16xi32> to vector<16xi32>
    %swap3A_1074 = vector.shape_cast %add3A_1070 : vector<16xi32> to vector<16xi32>
    tpu.vector_store %arg11[%swap3A_1071], %swap3A_1074 {strides = array<i32>} : memref<2304xi32, #tpu.memory_space<vmem>>, vector<16xi32>,
    %add3A_1075 = arith.addi %get3A_1054, %get3A_1060 : vector<16xi32>
    %swap3A_1076 = arith.constant 1088 : index
    %swap3A_1077 = tpu.vector_load %arg11[%swap3A_1076] {strides = array<i32>} : memref<2304xi32, #tpu.memory_space<vmem>>, vector<16xi32>,
    %swap3A_1078 = vector.shape_cast %swap3A_1077 : vector<16xi32> to vector<16xi32>
    %swap3A_1079 = vector.shape_cast %add3A_1075 : vector<16xi32> to vector<16xi32>
    tpu.vector_store %arg11[%swap3A_1076], %swap3A_1079 {strides = array<i32>} : memref<2304xi32, #tpu.memory_space<vmem>>, vector<16xi32>,
    %add3A_1080 = arith.addi %get3A_1057, %get3A_1063 : vector<16xi32>
    %add3A_1081 = arith.constant 1024 : i32
    %add3A_1082 = vector.broadcast %add3A_1081 : i32 to vector<16xi32>
    %add3A_1083 = arith.addi %add3A_1080, %add3A_1082 : vector<16xi32>
    %swap3A_1084 = arith.constant 1472 : index
    %swap3A_1085 = tpu.vector_load %arg11[%swap3A_1084] {strides = array<i32>} : memref<2304xi32, #tpu.memory_space<vmem>>, vector<16xi32>,
    %swap3A_1086 = vector.shape_cast %swap3A_1085 : vector<16xi32> to vector<16xi32>
    %swap3A_1087 = vector.shape_cast %add3A_1083 : vector<16xi32> to vector<16xi32>
    tpu.vector_store %arg11[%swap3A_1084], %swap3A_1087 {strides = array<i32>} : memref<2304xi32, #tpu.memory_space<vmem>>, vector<16xi32>,
    %add3A_1088 = arith.constant 2048 : i32
    %add3A_1089 = vector.broadcast %add3A_1088 : i32 to vector<16xi32>
    %add3A_1090 = arith.addi %get3A_1063, %add3A_1089 : vector<16xi32>
    %swap3A_1091 = arith.constant 1856 : index
    %swap3A_1092 = tpu.vector_load %arg11[%swap3A_1091] {strides = array<i32>} : memref<2304xi32, #tpu.memory_space<vmem>>, vector<16xi32>,
    %swap3A_1093 = vector.shape_cast %swap3A_1092 : vector<16xi32> to vector<16xi32>
    %swap3A_1094 = vector.shape_cast %add3A_1090 : vector<16xi32> to vector<16xi32>
    tpu.vector_store %arg11[%swap3A_1091], %swap3A_1094 {strides = array<i32>} : memref<2304xi32, #tpu.memory_space<vmem>>, vector<16xi32>,
    %add3A_1095 = arith.constant 3072 : i32
    %add3A_1096 = vector.broadcast %add3A_1095 : i32 to vector<16xi32>
    %add3A_1097 = arith.addi %get3A_1060, %add3A_1096 : vector<16xi32>
    %swap3A_1098 = arith.constant 2240 : index
    %swap3A_1099 = tpu.vector_load %arg11[%swap3A_1098] {strides = array<i32>} : memref<2304xi32, #tpu.memory_space<vmem>>, vector<16xi32>,
    %swap3A_1100 = vector.shape_cast %swap3A_1099 : vector<16xi32> to vector<16xi32>
    %swap3A_1101 = vector.shape_cast %add3A_1097 : vector<16xi32> to vector<16xi32>
    tpu.vector_store %arg11[%swap3A_1098], %swap3A_1101 {strides = array<i32>} : memref<2304xi32, #tpu.memory_space<vmem>>, vector<16xi32>,
    %get3A_1102 = arith.constant 336 : index
    %get3A_1103 = tpu.vector_load %arg12[%get3A_1102] {strides = array<i32>} : memref<384xi32, #tpu.memory_space<vmem>>, vector<16xi32>,
    %get3A_1104 = vector.shape_cast %get3A_1103 : vector<16xi32> to vector<16xi32>
    %get3A_1105 = arith.constant 336 : index
    %get3A_1106 = tpu.vector_load %arg13[%get3A_1105] {strides = array<i32>} : memref<384xi32, #tpu.memory_space<vmem>>, vector<16xi32>,
    %get3A_1107 = vector.shape_cast %get3A_1106 : vector<16xi32> to vector<16xi32>
    %get3A_1108 = arith.constant 336 : index
    %get3A_1109 = tpu.vector_load %arg14[%get3A_1108] {strides = array<i32>} : memref<384xi32, #tpu.memory_space<vmem>>, vector<16xi32>,
    %get3A_1110 = vector.shape_cast %get3A_1109 : vector<16xi32> to vector<16xi32>
    %get3A_1111 = arith.constant 336 : index
    %get3A_1112 = tpu.vector_load %arg15[%get3A_1111] {strides = array<i32>} : memref<384xi32, #tpu.memory_space<vmem>>, vector<16xi32>,
    %get3A_1113 = vector.shape_cast %get3A_1112 : vector<16xi32> to vector<16xi32>
    %swap3A_1114 = arith.constant 336 : index
    %swap3A_1115 = tpu.vector_load %arg11[%swap3A_1114] {strides = array<i32>} : memref<2304xi32, #tpu.memory_space<vmem>>, vector<16xi32>,
    %swap3A_1116 = vector.shape_cast %swap3A_1115 : vector<16xi32> to vector<16xi32>
    %swap3A_1117 = vector.shape_cast %get3A_1104 : vector<16xi32> to vector<16xi32>
    tpu.vector_store %arg11[%swap3A_1114], %swap3A_1117 {strides = array<i32>} : memref<2304xi32, #tpu.memory_space<vmem>>, vector<16xi32>,
    %add3A_1118 = arith.constant 1024 : i32
    %add3A_1119 = vector.broadcast %add3A_1118 : i32 to vector<16xi32>
    %add3A_1120 = arith.addi %get3A_1107, %add3A_1119 : vector<16xi32>
    %swap3A_1121 = arith.constant 720 : index
    %swap3A_1122 = tpu.vector_load %arg11[%swap3A_1121] {strides = array<i32>} : memref<2304xi32, #tpu.memory_space<vmem>>, vector<16xi32>,
    %swap3A_1123 = vector.shape_cast %swap3A_1122 : vector<16xi32> to vector<16xi32>
    %swap3A_1124 = vector.shape_cast %add3A_1120 : vector<16xi32> to vector<16xi32>
    tpu.vector_store %arg11[%swap3A_1121], %swap3A_1124 {strides = array<i32>} : memref<2304xi32, #tpu.memory_space<vmem>>, vector<16xi32>,
    %add3A_1125 = arith.addi %get3A_1104, %get3A_1110 : vector<16xi32>
    %swap3A_1126 = arith.constant 1104 : index
    %swap3A_1127 = tpu.vector_load %arg11[%swap3A_1126] {strides = array<i32>} : memref<2304xi32, #tpu.memory_space<vmem>>, vector<16xi32>,
    %swap3A_1128 = vector.shape_cast %swap3A_1127 : vector<16xi32> to vector<16xi32>
    %swap3A_1129 = vector.shape_cast %add3A_1125 : vector<16xi32> to vector<16xi32>
    tpu.vector_store %arg11[%swap3A_1126], %swap3A_1129 {strides = array<i32>} : memref<2304xi32, #tpu.memory_space<vmem>>, vector<16xi32>,
    %add3A_1130 = arith.addi %get3A_1107, %get3A_1113 : vector<16xi32>
    %add3A_1131 = arith.constant 1024 : i32
    %add3A_1132 = vector.broadcast %add3A_1131 : i32 to vector<16xi32>
    %add3A_1133 = arith.addi %add3A_1130, %add3A_1132 : vector<16xi32>
    %swap3A_1134 = arith.constant 1488 : index
    %swap3A_1135 = tpu.vector_load %arg11[%swap3A_1134] {strides = array<i32>} : memref<2304xi32, #tpu.memory_space<vmem>>, vector<16xi32>,
    %swap3A_1136 = vector.shape_cast %swap3A_1135 : vector<16xi32> to vector<16xi32>
    %swap3A_1137 = vector.shape_cast %add3A_1133 : vector<16xi32> to vector<16xi32>
    tpu.vector_store %arg11[%swap3A_1134], %swap3A_1137 {strides = array<i32>} : memref<2304xi32, #tpu.memory_space<vmem>>, vector<16xi32>,
    %add3A_1138 = arith.constant 2048 : i32
    %add3A_1139 = vector.broadcast %add3A_1138 : i32 to vector<16xi32>
    %add3A_1140 = arith.addi %get3A_1113, %add3A_1139 : vector<16xi32>
    %swap3A_1141 = arith.constant 1872 : index
    %swap3A_1142 = tpu.vector_load %arg11[%swap3A_1141] {strides = array<i32>} : memref<2304xi32, #tpu.memory_space<vmem>>, vector<16xi32>,
    %swap3A_1143 = vector.shape_cast %swap3A_1142 : vector<16xi32> to vector<16xi32>
    %swap3A_1144 = vector.shape_cast %add3A_1140 : vector<16xi32> to vector<16xi32>
    tpu.vector_store %arg11[%swap3A_1141], %swap3A_1144 {strides = array<i32>} : memref<2304xi32, #tpu.memory_space<vmem>>, vector<16xi32>,
    %add3A_1145 = arith.constant 3072 : i32
    %add3A_1146 = vector.broadcast %add3A_1145 : i32 to vector<16xi32>
    %add3A_1147 = arith.addi %get3A_1110, %add3A_1146 : vector<16xi32>
    %swap3A_1148 = arith.constant 2256 : index
    %swap3A_1149 = tpu.vector_load %arg11[%swap3A_1148] {strides = array<i32>} : memref<2304xi32, #tpu.memory_space<vmem>>, vector<16xi32>,
    %swap3A_1150 = vector.shape_cast %swap3A_1149 : vector<16xi32> to vector<16xi32>
    %swap3A_1151 = vector.shape_cast %add3A_1147 : vector<16xi32> to vector<16xi32>
    tpu.vector_store %arg11[%swap3A_1148], %swap3A_1151 {strides = array<i32>} : memref<2304xi32, #tpu.memory_space<vmem>>, vector<16xi32>,
    %get3A_1152 = arith.constant 352 : index
    %get3A_1153 = tpu.vector_load %arg12[%get3A_1152] {strides = array<i32>} : memref<384xi32, #tpu.memory_space<vmem>>, vector<16xi32>,
    %get3A_1154 = vector.shape_cast %get3A_1153 : vector<16xi32> to vector<16xi32>
    %get3A_1155 = arith.constant 352 : index
    %get3A_1156 = tpu.vector_load %arg13[%get3A_1155] {strides = array<i32>} : memref<384xi32, #tpu.memory_space<vmem>>, vector<16xi32>,
    %get3A_1157 = vector.shape_cast %get3A_1156 : vector<16xi32> to vector<16xi32>
    %get3A_1158 = arith.constant 352 : index
    %get3A_1159 = tpu.vector_load %arg14[%get3A_1158] {strides = array<i32>} : memref<384xi32, #tpu.memory_space<vmem>>, vector<16xi32>,
    %get3A_1160 = vector.shape_cast %get3A_1159 : vector<16xi32> to vector<16xi32>
    %get3A_1161 = arith.constant 352 : index
    %get3A_1162 = tpu.vector_load %arg15[%get3A_1161] {strides = array<i32>} : memref<384xi32, #tpu.memory_space<vmem>>, vector<16xi32>,
    %get3A_1163 = vector.shape_cast %get3A_1162 : vector<16xi32> to vector<16xi32>
    %swap3A_1164 = arith.constant 352 : index
    %swap3A_1165 = tpu.vector_load %arg11[%swap3A_1164] {strides = array<i32>} : memref<2304xi32, #tpu.memory_space<vmem>>, vector<16xi32>,
    %swap3A_1166 = vector.shape_cast %swap3A_1165 : vector<16xi32> to vector<16xi32>
    %swap3A_1167 = vector.shape_cast %get3A_1154 : vector<16xi32> to vector<16xi32>
    tpu.vector_store %arg11[%swap3A_1164], %swap3A_1167 {strides = array<i32>} : memref<2304xi32, #tpu.memory_space<vmem>>, vector<16xi32>,
    %add3A_1168 = arith.constant 1024 : i32
    %add3A_1169 = vector.broadcast %add3A_1168 : i32 to vector<16xi32>
    %add3A_1170 = arith.addi %get3A_1157, %add3A_1169 : vector<16xi32>
    %swap3A_1171 = arith.constant 736 : index
    %swap3A_1172 = tpu.vector_load %arg11[%swap3A_1171] {strides = array<i32>} : memref<2304xi32, #tpu.memory_space<vmem>>, vector<16xi32>,
    %swap3A_1173 = vector.shape_cast %swap3A_1172 : vector<16xi32> to vector<16xi32>
    %swap3A_1174 = vector.shape_cast %add3A_1170 : vector<16xi32> to vector<16xi32>
    tpu.vector_store %arg11[%swap3A_1171], %swap3A_1174 {strides = array<i32>} : memref<2304xi32, #tpu.memory_space<vmem>>, vector<16xi32>,
    %add3A_1175 = arith.addi %get3A_1154, %get3A_1160 : vector<16xi32>
    %swap3A_1176 = arith.constant 1120 : index
    %swap3A_1177 = tpu.vector_load %arg11[%swap3A_1176] {strides = array<i32>} : memref<2304xi32, #tpu.memory_space<vmem>>, vector<16xi32>,
    %swap3A_1178 = vector.shape_cast %swap3A_1177 : vector<16xi32> to vector<16xi32>
    %swap3A_1179 = vector.shape_cast %add3A_1175 : vector<16xi32> to vector<16xi32>
    tpu.vector_store %arg11[%swap3A_1176], %swap3A_1179 {strides = array<i32>} : memref<2304xi32, #tpu.memory_space<vmem>>, vector<16xi32>,
    %add3A_1180 = arith.addi %get3A_1157, %get3A_1163 : vector<16xi32>
    %add3A_1181 = arith.constant 1024 : i32
    %add3A_1182 = vector.broadcast %add3A_1181 : i32 to vector<16xi32>
    %add3A_1183 = arith.addi %add3A_1180, %add3A_1182 : vector<16xi32>
    %swap3A_1184 = arith.constant 1504 : index
    %swap3A_1185 = tpu.vector_load %arg11[%swap3A_1184] {strides = array<i32>} : memref<2304xi32, #tpu.memory_space<vmem>>, vector<16xi32>,
    %swap3A_1186 = vector.shape_cast %swap3A_1185 : vector<16xi32> to vector<16xi32>
    %swap3A_1187 = vector.shape_cast %add3A_1183 : vector<16xi32> to vector<16xi32>
    tpu.vector_store %arg11[%swap3A_1184], %swap3A_1187 {strides = array<i32>} : memref<2304xi32, #tpu.memory_space<vmem>>, vector<16xi32>,
    %add3A_1188 = arith.constant 2048 : i32
    %add3A_1189 = vector.broadcast %add3A_1188 : i32 to vector<16xi32>
    %add3A_1190 = arith.addi %get3A_1163, %add3A_1189 : vector<16xi32>
    %swap3A_1191 = arith.constant 1888 : index
    %swap3A_1192 = tpu.vector_load %arg11[%swap3A_1191] {strides = array<i32>} : memref<2304xi32, #tpu.memory_space<vmem>>, vector<16xi32>,
    %swap3A_1193 = vector.shape_cast %swap3A_1192 : vector<16xi32> to vector<16xi32>
    %swap3A_1194 = vector.shape_cast %add3A_1190 : vector<16xi32> to vector<16xi32>
    tpu.vector_store %arg11[%swap3A_1191], %swap3A_1194 {strides = array<i32>} : memref<2304xi32, #tpu.memory_space<vmem>>, vector<16xi32>,
    %add3A_1195 = arith.constant 3072 : i32
    %add3A_1196 = vector.broadcast %add3A_1195 : i32 to vector<16xi32>
    %add3A_1197 = arith.addi %get3A_1160, %add3A_1196 : vector<16xi32>
    %swap3A_1198 = arith.constant 2272 : index
    %swap3A_1199 = tpu.vector_load %arg11[%swap3A_1198] {strides = array<i32>} : memref<2304xi32, #tpu.memory_space<vmem>>, vector<16xi32>,
    %swap3A_1200 = vector.shape_cast %swap3A_1199 : vector<16xi32> to vector<16xi32>
    %swap3A_1201 = vector.shape_cast %add3A_1197 : vector<16xi32> to vector<16xi32>
    tpu.vector_store %arg11[%swap3A_1198], %swap3A_1201 {strides = array<i32>} : memref<2304xi32, #tpu.memory_space<vmem>>, vector<16xi32>,
    %get3A_1202 = arith.constant 368 : index
    %get3A_1203 = tpu.vector_load %arg12[%get3A_1202] {strides = array<i32>} : memref<384xi32, #tpu.memory_space<vmem>>, vector<16xi32>,
    %get3A_1204 = vector.shape_cast %get3A_1203 : vector<16xi32> to vector<16xi32>
    %get3A_1205 = arith.constant 368 : index
    %get3A_1206 = tpu.vector_load %arg13[%get3A_1205] {strides = array<i32>} : memref<384xi32, #tpu.memory_space<vmem>>, vector<16xi32>,
    %get3A_1207 = vector.shape_cast %get3A_1206 : vector<16xi32> to vector<16xi32>
    %get3A_1208 = arith.constant 368 : index
    %get3A_1209 = tpu.vector_load %arg14[%get3A_1208] {strides = array<i32>} : memref<384xi32, #tpu.memory_space<vmem>>, vector<16xi32>,
    %get3A_1210 = vector.shape_cast %get3A_1209 : vector<16xi32> to vector<16xi32>
    %get3A_1211 = arith.constant 368 : index
    %get3A_1212 = tpu.vector_load %arg15[%get3A_1211] {strides = array<i32>} : memref<384xi32, #tpu.memory_space<vmem>>, vector<16xi32>,
    %get3A_1213 = vector.shape_cast %get3A_1212 : vector<16xi32> to vector<16xi32>
    %swap3A_1214 = arith.constant 368 : index
    %swap3A_1215 = tpu.vector_load %arg11[%swap3A_1214] {strides = array<i32>} : memref<2304xi32, #tpu.memory_space<vmem>>, vector<16xi32>,
    %swap3A_1216 = vector.shape_cast %swap3A_1215 : vector<16xi32> to vector<16xi32>
    %swap3A_1217 = vector.shape_cast %get3A_1204 : vector<16xi32> to vector<16xi32>
    tpu.vector_store %arg11[%swap3A_1214], %swap3A_1217 {strides = array<i32>} : memref<2304xi32, #tpu.memory_space<vmem>>, vector<16xi32>,
    %add3A_1218 = arith.constant 1024 : i32
    %add3A_1219 = vector.broadcast %add3A_1218 : i32 to vector<16xi32>
    %add3A_1220 = arith.addi %get3A_1207, %add3A_1219 : vector<16xi32>
    %swap3A_1221 = arith.constant 752 : index
    %swap3A_1222 = tpu.vector_load %arg11[%swap3A_1221] {strides = array<i32>} : memref<2304xi32, #tpu.memory_space<vmem>>, vector<16xi32>,
    %swap3A_1223 = vector.shape_cast %swap3A_1222 : vector<16xi32> to vector<16xi32>
    %swap3A_1224 = vector.shape_cast %add3A_1220 : vector<16xi32> to vector<16xi32>
    tpu.vector_store %arg11[%swap3A_1221], %swap3A_1224 {strides = array<i32>} : memref<2304xi32, #tpu.memory_space<vmem>>, vector<16xi32>,
    %add3A_1225 = arith.addi %get3A_1204, %get3A_1210 : vector<16xi32>
    %swap3A_1226 = arith.constant 1136 : index
    %swap3A_1227 = tpu.vector_load %arg11[%swap3A_1226] {strides = array<i32>} : memref<2304xi32, #tpu.memory_space<vmem>>, vector<16xi32>,
    %swap3A_1228 = vector.shape_cast %swap3A_1227 : vector<16xi32> to vector<16xi32>
    %swap3A_1229 = vector.shape_cast %add3A_1225 : vector<16xi32> to vector<16xi32>
    tpu.vector_store %arg11[%swap3A_1226], %swap3A_1229 {strides = array<i32>} : memref<2304xi32, #tpu.memory_space<vmem>>, vector<16xi32>,
    %add3A_1230 = arith.addi %get3A_1207, %get3A_1213 : vector<16xi32>
    %add3A_1231 = arith.constant 1024 : i32
    %add3A_1232 = vector.broadcast %add3A_1231 : i32 to vector<16xi32>
    %add3A_1233 = arith.addi %add3A_1230, %add3A_1232 : vector<16xi32>
    %swap3A_1234 = arith.constant 1520 : index
    %swap3A_1235 = tpu.vector_load %arg11[%swap3A_1234] {strides = array<i32>} : memref<2304xi32, #tpu.memory_space<vmem>>, vector<16xi32>,
    %swap3A_1236 = vector.shape_cast %swap3A_1235 : vector<16xi32> to vector<16xi32>
    %swap3A_1237 = vector.shape_cast %add3A_1233 : vector<16xi32> to vector<16xi32>
    tpu.vector_store %arg11[%swap3A_1234], %swap3A_1237 {strides = array<i32>} : memref<2304xi32, #tpu.memory_space<vmem>>, vector<16xi32>,
    %add3A_1238 = arith.constant 2048 : i32
    %add3A_1239 = vector.broadcast %add3A_1238 : i32 to vector<16xi32>
    %add3A_1240 = arith.addi %get3A_1213, %add3A_1239 : vector<16xi32>
    %swap3A_1241 = arith.constant 1904 : index
    %swap3A_1242 = tpu.vector_load %arg11[%swap3A_1241] {strides = array<i32>} : memref<2304xi32, #tpu.memory_space<vmem>>, vector<16xi32>,
    %swap3A_1243 = vector.shape_cast %swap3A_1242 : vector<16xi32> to vector<16xi32>
    %swap3A_1244 = vector.shape_cast %add3A_1240 : vector<16xi32> to vector<16xi32>
    tpu.vector_store %arg11[%swap3A_1241], %swap3A_1244 {strides = array<i32>} : memref<2304xi32, #tpu.memory_space<vmem>>, vector<16xi32>,
    %add3A_1245 = arith.constant 3072 : i32
    %add3A_1246 = vector.broadcast %add3A_1245 : i32 to vector<16xi32>
    %add3A_1247 = arith.addi %get3A_1210, %add3A_1246 : vector<16xi32>
    %swap3A_1248 = arith.constant 2288 : index
    %swap3A_1249 = tpu.vector_load %arg11[%swap3A_1248] {strides = array<i32>} : memref<2304xi32, #tpu.memory_space<vmem>>, vector<16xi32>,
    %swap3A_1250 = vector.shape_cast %swap3A_1249 : vector<16xi32> to vector<16xi32>
    %swap3A_1251 = vector.shape_cast %add3A_1247 : vector<16xi32> to vector<16xi32>
    tpu.vector_store %arg11[%swap3A_1248], %swap3A_1251 {strides = array<i32>} : memref<2304xi32, #tpu.memory_space<vmem>>, vector<16xi32>,
    %mul3A_1252 = arith.constant 1024 : i32
    %mul3A_1253 = arith.muli %add3A, %mul3A_1252 : i32
    %add3A_1254 = arith.constant 256 : i32
    %add3A_1255 = arith.addi %mul3A_1253, %add3A_1254 : i32
    %mul3A_1256 = arith.constant 384 : i32
    %mul3A_1257 = arith.muli %select_n3A_30, %mul3A_1256 : i32
    %add3A_1258 = arith.addi %add3A_1255, %mul3A_1257 : i32
    %barrier3A = arith.constant 0 : index
    tpu.barrier barrier_id(%barrier3A)
    %dma_start3A_1259 = arith.constant 0 : i32
    %dma_start3A_1260 = tpu.memref_slice %arg11[%dma_start3A_1259] : memref<2304xi32, #tpu.memory_space<vmem>> -> memref<128xi32, #tpu.memory_space<vmem>>
    %dma_start3A_1261 = arith.constant 0 : i32
    %dma_start3A_1262 = arith.constant 0 : i32
    %dma_start3A_1263 = tpu.memref_slice %arg8[%dma_start3A_1261, %dma_start3A_1262] : memref<4096x128xf32, #tpu.memory_space<vmem_shared>> -> memref<4096x128xf32, #tpu.memory_space<vmem_shared>>
    tpu.enqueue_indirect_dma source(%dma_start3A_1263 : memref<4096x128xf32, #tpu.memory_space<vmem_shared>>) target(%arg9 : memref<128x128xf32, #tpu.memory_space<vmem>>) offsets(%dma_start3A_1260 : memref<128xi32, #tpu.memory_space<vmem>>) semaphore(%arg16 : memref<!tpu.dma_semaphore, #tpu.memory_space<semaphore_mem>>)
    %dma_wait3A_1264 = arith.constant 0 : i32
    %dma_wait3A_1265 = tpu.memref_slice %arg11[%dma_wait3A_1264] : memref<2304xi32, #tpu.memory_space<vmem>> -> memref<128xi32, #tpu.memory_space<vmem>>
    %dma_wait3A_1266 = arith.constant 0 : i32
    %dma_wait3A_1267 = arith.constant 0 : i32
    %dma_wait3A_1268 = tpu.memref_slice %arg8[%dma_wait3A_1266, %dma_wait3A_1267] : memref<4096x128xf32, #tpu.memory_space<vmem_shared>> -> memref<4096x128xf32, #tpu.memory_space<vmem_shared>>
    tpu.wait_indirect_dma semaphore(%arg16 : memref<!tpu.dma_semaphore, #tpu.memory_space<semaphore_mem>>) src(%dma_wait3A_1268 : memref<4096x128xf32, #tpu.memory_space<vmem_shared>>) dst(%arg9 : memref<128x128xf32, #tpu.memory_space<vmem>>)
    %add3A_1269 = arith.constant 0 : i32
    %add3A_1270 = arith.addi %add3A_1258, %add3A_1269 : i32
    %dma_start3A_1271 = arith.constant 0 : i32
    %dma_start3A_1272 = tpu.memref_slice %arg7[%add3A_1270, %dma_start3A_1271] : memref<16384x768xf32, #tpu.memory_space<hbm>> -> memref<128x128xf32, #tpu.memory_space<hbm>>
    %dma_start3A_1273 = arith.constant 0 : i32
    %dma_start3A_1274 = tpu.memref_slice %arg7[%add3A_1270, %dma_start3A_1273] : memref<16384x768xf32, #tpu.memory_space<hbm>> -> memref<128x128xf32, #tpu.memory_space<hbm>>
    tpu.enqueue_dma source(%arg9 : memref<128x128xf32, #tpu.memory_space<vmem>>) target(%dma_start3A_1274 : memref<128x128xf32, #tpu.memory_space<hbm>>) target_semaphore(%arg18 : memref<!tpu.dma_semaphore, #tpu.memory_space<semaphore_mem>>)
    %dma_start3A_1275 = arith.constant 128 : i32
    %dma_start3A_1276 = tpu.memref_slice %arg11[%dma_start3A_1275] : memref<2304xi32, #tpu.memory_space<vmem>> -> memref<128xi32, #tpu.memory_space<vmem>>
    %dma_start3A_1277 = arith.constant 0 : i32
    %dma_start3A_1278 = arith.constant 0 : i32
    %dma_start3A_1279 = tpu.memref_slice %arg8[%dma_start3A_1277, %dma_start3A_1278] : memref<4096x128xf32, #tpu.memory_space<vmem_shared>> -> memref<4096x128xf32, #tpu.memory_space<vmem_shared>>
    tpu.enqueue_indirect_dma source(%dma_start3A_1279 : memref<4096x128xf32, #tpu.memory_space<vmem_shared>>) target(%arg10 : memref<128x128xf32, #tpu.memory_space<vmem>>) offsets(%dma_start3A_1276 : memref<128xi32, #tpu.memory_space<vmem>>) semaphore(%arg17 : memref<!tpu.dma_semaphore, #tpu.memory_space<semaphore_mem>>)
    %dma_wait3A_1280 = arith.constant 128 : i32
    %dma_wait3A_1281 = tpu.memref_slice %arg11[%dma_wait3A_1280] : memref<2304xi32, #tpu.memory_space<vmem>> -> memref<128xi32, #tpu.memory_space<vmem>>
    %dma_wait3A_1282 = arith.constant 0 : i32
    %dma_wait3A_1283 = arith.constant 0 : i32
    %dma_wait3A_1284 = tpu.memref_slice %arg8[%dma_wait3A_1282, %dma_wait3A_1283] : memref<4096x128xf32, #tpu.memory_space<vmem_shared>> -> memref<4096x128xf32, #tpu.memory_space<vmem_shared>>
    tpu.wait_indirect_dma semaphore(%arg17 : memref<!tpu.dma_semaphore, #tpu.memory_space<semaphore_mem>>) src(%dma_wait3A_1284 : memref<4096x128xf32, #tpu.memory_space<vmem_shared>>) dst(%arg10 : memref<128x128xf32, #tpu.memory_space<vmem>>)
    %add3A_1285 = arith.constant 128 : i32
    %add3A_1286 = arith.addi %add3A_1258, %add3A_1285 : i32
    %dma_start3A_1287 = arith.constant 0 : i32
    %dma_start3A_1288 = tpu.memref_slice %arg7[%add3A_1286, %dma_start3A_1287] : memref<16384x768xf32, #tpu.memory_space<hbm>> -> memref<128x128xf32, #tpu.memory_space<hbm>>
    %dma_start3A_1289 = arith.constant 0 : i32
    %dma_start3A_1290 = tpu.memref_slice %arg7[%add3A_1286, %dma_start3A_1289] : memref<16384x768xf32, #tpu.memory_space<hbm>> -> memref<128x128xf32, #tpu.memory_space<hbm>>
    tpu.enqueue_dma source(%arg10 : memref<128x128xf32, #tpu.memory_space<vmem>>) target(%dma_start3A_1290 : memref<128x128xf32, #tpu.memory_space<hbm>>) target_semaphore(%arg19 : memref<!tpu.dma_semaphore, #tpu.memory_space<semaphore_mem>>)
    %dma_wait3A_1291 = arith.constant 0 : i32
    %dma_wait3A_1292 = tpu.memref_slice %arg7[%add3A_1270, %dma_wait3A_1291] : memref<16384x768xf32, #tpu.memory_space<hbm>> -> memref<128x128xf32, #tpu.memory_space<hbm>>
    %dma_wait3A_1293 = arith.constant 0 : i32
    %dma_wait3A_1294 = tpu.memref_slice %arg7[%add3A_1270, %dma_wait3A_1293] : memref<16384x768xf32, #tpu.memory_space<hbm>> -> memref<128x128xf32, #tpu.memory_space<hbm>>
    tpu.wait_dma2 semaphore(%arg18 : memref<!tpu.dma_semaphore, #tpu.memory_space<semaphore_mem>>) src(%arg9 : memref<128x128xf32, #tpu.memory_space<vmem>>) dst(%dma_wait3A_1294 : memref<128x128xf32, #tpu.memory_space<hbm>>)
    %dma_start3A_1295 = arith.constant 256 : i32
    %dma_start3A_1296 = tpu.memref_slice %arg11[%dma_start3A_1295] : memref<2304xi32, #tpu.memory_space<vmem>> -> memref<128xi32, #tpu.memory_space<vmem>>
    %dma_start3A_1297 = arith.constant 0 : i32
    %dma_start3A_1298 = arith.constant 0 : i32
    %dma_start3A_1299 = tpu.memref_slice %arg8[%dma_start3A_1297, %dma_start3A_1298] : memref<4096x128xf32, #tpu.memory_space<vmem_shared>> -> memref<4096x128xf32, #tpu.memory_space<vmem_shared>>
    tpu.enqueue_indirect_dma source(%dma_start3A_1299 : memref<4096x128xf32, #tpu.memory_space<vmem_shared>>) target(%arg9 : memref<128x128xf32, #tpu.memory_space<vmem>>) offsets(%dma_start3A_1296 : memref<128xi32, #tpu.memory_space<vmem>>) semaphore(%arg16 : memref<!tpu.dma_semaphore, #tpu.memory_space<semaphore_mem>>)
    %dma_wait3A_1300 = arith.constant 256 : i32
    %dma_wait3A_1301 = tpu.memref_slice %arg11[%dma_wait3A_1300] : memref<2304xi32, #tpu.memory_space<vmem>> -> memref<128xi32, #tpu.memory_space<vmem>>
    %dma_wait3A_1302 = arith.constant 0 : i32
    %dma_wait3A_1303 = arith.constant 0 : i32
    %dma_wait3A_1304 = tpu.memref_slice %arg8[%dma_wait3A_1302, %dma_wait3A_1303] : memref<4096x128xf32, #tpu.memory_space<vmem_shared>> -> memref<4096x128xf32, #tpu.memory_space<vmem_shared>>
    tpu.wait_indirect_dma semaphore(%arg16 : memref<!tpu.dma_semaphore, #tpu.memory_space<semaphore_mem>>) src(%dma_wait3A_1304 : memref<4096x128xf32, #tpu.memory_space<vmem_shared>>) dst(%arg9 : memref<128x128xf32, #tpu.memory_space<vmem>>)
    %add3A_1305 = arith.constant 256 : i32
    %add3A_1306 = arith.addi %add3A_1258, %add3A_1305 : i32
    %dma_start3A_1307 = arith.constant 0 : i32
    %dma_start3A_1308 = tpu.memref_slice %arg7[%add3A_1306, %dma_start3A_1307] : memref<16384x768xf32, #tpu.memory_space<hbm>> -> memref<128x128xf32, #tpu.memory_space<hbm>>
    %dma_start3A_1309 = arith.constant 0 : i32
    %dma_start3A_1310 = tpu.memref_slice %arg7[%add3A_1306, %dma_start3A_1309] : memref<16384x768xf32, #tpu.memory_space<hbm>> -> memref<128x128xf32, #tpu.memory_space<hbm>>
    tpu.enqueue_dma source(%arg9 : memref<128x128xf32, #tpu.memory_space<vmem>>) target(%dma_start3A_1310 : memref<128x128xf32, #tpu.memory_space<hbm>>) target_semaphore(%arg18 : memref<!tpu.dma_semaphore, #tpu.memory_space<semaphore_mem>>)
    %dma_wait3A_1311 = arith.constant 0 : i32
    %dma_wait3A_1312 = tpu.memref_slice %arg7[%add3A_1286, %dma_wait3A_1311] : memref<16384x768xf32, #tpu.memory_space<hbm>> -> memref<128x128xf32, #tpu.memory_space<hbm>>
    %dma_wait3A_1313 = arith.constant 0 : i32
    %dma_wait3A_1314 = tpu.memref_slice %arg7[%add3A_1286, %dma_wait3A_1313] : memref<16384x768xf32, #tpu.memory_space<hbm>> -> memref<128x128xf32, #tpu.memory_space<hbm>>
    tpu.wait_dma2 semaphore(%arg19 : memref<!tpu.dma_semaphore, #tpu.memory_space<semaphore_mem>>) src(%arg10 : memref<128x128xf32, #tpu.memory_space<vmem>>) dst(%dma_wait3A_1314 : memref<128x128xf32, #tpu.memory_space<hbm>>)
    %dma_start3A_1315 = arith.constant 384 : i32
    %dma_start3A_1316 = tpu.memref_slice %arg11[%dma_start3A_1315] : memref<2304xi32, #tpu.memory_space<vmem>> -> memref<128xi32, #tpu.memory_space<vmem>>
    %dma_start3A_1317 = arith.constant 0 : i32
    %dma_start3A_1318 = arith.constant 0 : i32
    %dma_start3A_1319 = tpu.memref_slice %arg8[%dma_start3A_1317, %dma_start3A_1318] : memref<4096x128xf32, #tpu.memory_space<vmem_shared>> -> memref<4096x128xf32, #tpu.memory_space<vmem_shared>>
    tpu.enqueue_indirect_dma source(%dma_start3A_1319 : memref<4096x128xf32, #tpu.memory_space<vmem_shared>>) target(%arg10 : memref<128x128xf32, #tpu.memory_space<vmem>>) offsets(%dma_start3A_1316 : memref<128xi32, #tpu.memory_space<vmem>>) semaphore(%arg17 : memref<!tpu.dma_semaphore, #tpu.memory_space<semaphore_mem>>)
    %dma_wait3A_1320 = arith.constant 384 : i32
    %dma_wait3A_1321 = tpu.memref_slice %arg11[%dma_wait3A_1320] : memref<2304xi32, #tpu.memory_space<vmem>> -> memref<128xi32, #tpu.memory_space<vmem>>
    %dma_wait3A_1322 = arith.constant 0 : i32
    %dma_wait3A_1323 = arith.constant 0 : i32
    %dma_wait3A_1324 = tpu.memref_slice %arg8[%dma_wait3A_1322, %dma_wait3A_1323] : memref<4096x128xf32, #tpu.memory_space<vmem_shared>> -> memref<4096x128xf32, #tpu.memory_space<vmem_shared>>
    tpu.wait_indirect_dma semaphore(%arg17 : memref<!tpu.dma_semaphore, #tpu.memory_space<semaphore_mem>>) src(%dma_wait3A_1324 : memref<4096x128xf32, #tpu.memory_space<vmem_shared>>) dst(%arg10 : memref<128x128xf32, #tpu.memory_space<vmem>>)
    %add3A_1325 = arith.constant 0 : i32
    %add3A_1326 = arith.addi %add3A_1258, %add3A_1325 : i32
    %dma_start3A_1327 = arith.constant 128 : i32
    %dma_start3A_1328 = tpu.memref_slice %arg7[%add3A_1326, %dma_start3A_1327] : memref<16384x768xf32, #tpu.memory_space<hbm>> -> memref<128x128xf32, #tpu.memory_space<hbm>>
    %dma_start3A_1329 = arith.constant 128 : i32
    %dma_start3A_1330 = tpu.memref_slice %arg7[%add3A_1326, %dma_start3A_1329] : memref<16384x768xf32, #tpu.memory_space<hbm>> -> memref<128x128xf32, #tpu.memory_space<hbm>>
    tpu.enqueue_dma source(%arg10 : memref<128x128xf32, #tpu.memory_space<vmem>>) target(%dma_start3A_1330 : memref<128x128xf32, #tpu.memory_space<hbm>>) target_semaphore(%arg19 : memref<!tpu.dma_semaphore, #tpu.memory_space<semaphore_mem>>)
    %dma_wait3A_1331 = arith.constant 0 : i32
    %dma_wait3A_1332 = tpu.memref_slice %arg7[%add3A_1306, %dma_wait3A_1331] : memref<16384x768xf32, #tpu.memory_space<hbm>> -> memref<128x128xf32, #tpu.memory_space<hbm>>
    %dma_wait3A_1333 = arith.constant 0 : i32
    %dma_wait3A_1334 = tpu.memref_slice %arg7[%add3A_1306, %dma_wait3A_1333] : memref<16384x768xf32, #tpu.memory_space<hbm>> -> memref<128x128xf32, #tpu.memory_space<hbm>>
    tpu.wait_dma2 semaphore(%arg18 : memref<!tpu.dma_semaphore, #tpu.memory_space<semaphore_mem>>) src(%arg9 : memref<128x128xf32, #tpu.memory_space<vmem>>) dst(%dma_wait3A_1334 : memref<128x128xf32, #tpu.memory_space<hbm>>)
    %dma_start3A_1335 = arith.constant 512 : i32
    %dma_start3A_1336 = tpu.memref_slice %arg11[%dma_start3A_1335] : memref<2304xi32, #tpu.memory_space<vmem>> -> memref<128xi32, #tpu.memory_space<vmem>>
    %dma_start3A_1337 = arith.constant 0 : i32
    %dma_start3A_1338 = arith.constant 0 : i32
    %dma_start3A_1339 = tpu.memref_slice %arg8[%dma_start3A_1337, %dma_start3A_1338] : memref<4096x128xf32, #tpu.memory_space<vmem_shared>> -> memref<4096x128xf32, #tpu.memory_space<vmem_shared>>
    tpu.enqueue_indirect_dma source(%dma_start3A_1339 : memref<4096x128xf32, #tpu.memory_space<vmem_shared>>) target(%arg9 : memref<128x128xf32, #tpu.memory_space<vmem>>) offsets(%dma_start3A_1336 : memref<128xi32, #tpu.memory_space<vmem>>) semaphore(%arg16 : memref<!tpu.dma_semaphore, #tpu.memory_space<semaphore_mem>>)
    %dma_wait3A_1340 = arith.constant 512 : i32
    %dma_wait3A_1341 = tpu.memref_slice %arg11[%dma_wait3A_1340] : memref<2304xi32, #tpu.memory_space<vmem>> -> memref<128xi32, #tpu.memory_space<vmem>>
    %dma_wait3A_1342 = arith.constant 0 : i32
    %dma_wait3A_1343 = arith.constant 0 : i32
    %dma_wait3A_1344 = tpu.memref_slice %arg8[%dma_wait3A_1342, %dma_wait3A_1343] : memref<4096x128xf32, #tpu.memory_space<vmem_shared>> -> memref<4096x128xf32, #tpu.memory_space<vmem_shared>>
    tpu.wait_indirect_dma semaphore(%arg16 : memref<!tpu.dma_semaphore, #tpu.memory_space<semaphore_mem>>) src(%dma_wait3A_1344 : memref<4096x128xf32, #tpu.memory_space<vmem_shared>>) dst(%arg9 : memref<128x128xf32, #tpu.memory_space<vmem>>)
    %add3A_1345 = arith.constant 128 : i32
    %add3A_1346 = arith.addi %add3A_1258, %add3A_1345 : i32
    %dma_start3A_1347 = arith.constant 128 : i32
    %dma_start3A_1348 = tpu.memref_slice %arg7[%add3A_1346, %dma_start3A_1347] : memref<16384x768xf32, #tpu.memory_space<hbm>> -> memref<128x128xf32, #tpu.memory_space<hbm>>
    %dma_start3A_1349 = arith.constant 128 : i32
    %dma_start3A_1350 = tpu.memref_slice %arg7[%add3A_1346, %dma_start3A_1349] : memref<16384x768xf32, #tpu.memory_space<hbm>> -> memref<128x128xf32, #tpu.memory_space<hbm>>
    tpu.enqueue_dma source(%arg9 : memref<128x128xf32, #tpu.memory_space<vmem>>) target(%dma_start3A_1350 : memref<128x128xf32, #tpu.memory_space<hbm>>) target_semaphore(%arg18 : memref<!tpu.dma_semaphore, #tpu.memory_space<semaphore_mem>>)
    %dma_wait3A_1351 = arith.constant 128 : i32
    %dma_wait3A_1352 = tpu.memref_slice %arg7[%add3A_1326, %dma_wait3A_1351] : memref<16384x768xf32, #tpu.memory_space<hbm>> -> memref<128x128xf32, #tpu.memory_space<hbm>>
    %dma_wait3A_1353 = arith.constant 128 : i32
    %dma_wait3A_1354 = tpu.memref_slice %arg7[%add3A_1326, %dma_wait3A_1353] : memref<16384x768xf32, #tpu.memory_space<hbm>> -> memref<128x128xf32, #tpu.memory_space<hbm>>
    tpu.wait_dma2 semaphore(%arg19 : memref<!tpu.dma_semaphore, #tpu.memory_space<semaphore_mem>>) src(%arg10 : memref<128x128xf32, #tpu.memory_space<vmem>>) dst(%dma_wait3A_1354 : memref<128x128xf32, #tpu.memory_space<hbm>>)
    %dma_start3A_1355 = arith.constant 640 : i32
    %dma_start3A_1356 = tpu.memref_slice %arg11[%dma_start3A_1355] : memref<2304xi32, #tpu.memory_space<vmem>> -> memref<128xi32, #tpu.memory_space<vmem>>
    %dma_start3A_1357 = arith.constant 0 : i32
    %dma_start3A_1358 = arith.constant 0 : i32
    %dma_start3A_1359 = tpu.memref_slice %arg8[%dma_start3A_1357, %dma_start3A_1358] : memref<4096x128xf32, #tpu.memory_space<vmem_shared>> -> memref<4096x128xf32, #tpu.memory_space<vmem_shared>>
    tpu.enqueue_indirect_dma source(%dma_start3A_1359 : memref<4096x128xf32, #tpu.memory_space<vmem_shared>>) target(%arg10 : memref<128x128xf32, #tpu.memory_space<vmem>>) offsets(%dma_start3A_1356 : memref<128xi32, #tpu.memory_space<vmem>>) semaphore(%arg17 : memref<!tpu.dma_semaphore, #tpu.memory_space<semaphore_mem>>)
    %dma_wait3A_1360 = arith.constant 640 : i32
    %dma_wait3A_1361 = tpu.memref_slice %arg11[%dma_wait3A_1360] : memref<2304xi32, #tpu.memory_space<vmem>> -> memref<128xi32, #tpu.memory_space<vmem>>
    %dma_wait3A_1362 = arith.constant 0 : i32
    %dma_wait3A_1363 = arith.constant 0 : i32
    %dma_wait3A_1364 = tpu.memref_slice %arg8[%dma_wait3A_1362, %dma_wait3A_1363] : memref<4096x128xf32, #tpu.memory_space<vmem_shared>> -> memref<4096x128xf32, #tpu.memory_space<vmem_shared>>
    tpu.wait_indirect_dma semaphore(%arg17 : memref<!tpu.dma_semaphore, #tpu.memory_space<semaphore_mem>>) src(%dma_wait3A_1364 : memref<4096x128xf32, #tpu.memory_space<vmem_shared>>) dst(%arg10 : memref<128x128xf32, #tpu.memory_space<vmem>>)
    %add3A_1365 = arith.constant 256 : i32
    %add3A_1366 = arith.addi %add3A_1258, %add3A_1365 : i32
    %dma_start3A_1367 = arith.constant 128 : i32
    %dma_start3A_1368 = tpu.memref_slice %arg7[%add3A_1366, %dma_start3A_1367] : memref<16384x768xf32, #tpu.memory_space<hbm>> -> memref<128x128xf32, #tpu.memory_space<hbm>>
    %dma_start3A_1369 = arith.constant 128 : i32
    %dma_start3A_1370 = tpu.memref_slice %arg7[%add3A_1366, %dma_start3A_1369] : memref<16384x768xf32, #tpu.memory_space<hbm>> -> memref<128x128xf32, #tpu.memory_space<hbm>>
    tpu.enqueue_dma source(%arg10 : memref<128x128xf32, #tpu.memory_space<vmem>>) target(%dma_start3A_1370 : memref<128x128xf32, #tpu.memory_space<hbm>>) target_semaphore(%arg19 : memref<!tpu.dma_semaphore, #tpu.memory_space<semaphore_mem>>)
    %dma_wait3A_1371 = arith.constant 128 : i32
    %dma_wait3A_1372 = tpu.memref_slice %arg7[%add3A_1346, %dma_wait3A_1371] : memref<16384x768xf32, #tpu.memory_space<hbm>> -> memref<128x128xf32, #tpu.memory_space<hbm>>
    %dma_wait3A_1373 = arith.constant 128 : i32
    %dma_wait3A_1374 = tpu.memref_slice %arg7[%add3A_1346, %dma_wait3A_1373] : memref<16384x768xf32, #tpu.memory_space<hbm>> -> memref<128x128xf32, #tpu.memory_space<hbm>>
    tpu.wait_dma2 semaphore(%arg18 : memref<!tpu.dma_semaphore, #tpu.memory_space<semaphore_mem>>) src(%arg9 : memref<128x128xf32, #tpu.memory_space<vmem>>) dst(%dma_wait3A_1374 : memref<128x128xf32, #tpu.memory_space<hbm>>)
    %dma_start3A_1375 = arith.constant 768 : i32
    %dma_start3A_1376 = tpu.memref_slice %arg11[%dma_start3A_1375] : memref<2304xi32, #tpu.memory_space<vmem>> -> memref<128xi32, #tpu.memory_space<vmem>>
    %dma_start3A_1377 = arith.constant 0 : i32
    %dma_start3A_1378 = arith.constant 0 : i32
    %dma_start3A_1379 = tpu.memref_slice %arg8[%dma_start3A_1377, %dma_start3A_1378] : memref<4096x128xf32, #tpu.memory_space<vmem_shared>> -> memref<4096x128xf32, #tpu.memory_space<vmem_shared>>
    tpu.enqueue_indirect_dma source(%dma_start3A_1379 : memref<4096x128xf32, #tpu.memory_space<vmem_shared>>) target(%arg9 : memref<128x128xf32, #tpu.memory_space<vmem>>) offsets(%dma_start3A_1376 : memref<128xi32, #tpu.memory_space<vmem>>) semaphore(%arg16 : memref<!tpu.dma_semaphore, #tpu.memory_space<semaphore_mem>>)
    %dma_wait3A_1380 = arith.constant 768 : i32
    %dma_wait3A_1381 = tpu.memref_slice %arg11[%dma_wait3A_1380] : memref<2304xi32, #tpu.memory_space<vmem>> -> memref<128xi32, #tpu.memory_space<vmem>>
    %dma_wait3A_1382 = arith.constant 0 : i32
    %dma_wait3A_1383 = arith.constant 0 : i32
    %dma_wait3A_1384 = tpu.memref_slice %arg8[%dma_wait3A_1382, %dma_wait3A_1383] : memref<4096x128xf32, #tpu.memory_space<vmem_shared>> -> memref<4096x128xf32, #tpu.memory_space<vmem_shared>>
    tpu.wait_indirect_dma semaphore(%arg16 : memref<!tpu.dma_semaphore, #tpu.memory_space<semaphore_mem>>) src(%dma_wait3A_1384 : memref<4096x128xf32, #tpu.memory_space<vmem_shared>>) dst(%arg9 : memref<128x128xf32, #tpu.memory_space<vmem>>)
    %add3A_1385 = arith.constant 0 : i32
    %add3A_1386 = arith.addi %add3A_1258, %add3A_1385 : i32
    %dma_start3A_1387 = arith.constant 256 : i32
    %dma_start3A_1388 = tpu.memref_slice %arg7[%add3A_1386, %dma_start3A_1387] : memref<16384x768xf32, #tpu.memory_space<hbm>> -> memref<128x128xf32, #tpu.memory_space<hbm>>
    %dma_start3A_1389 = arith.constant 256 : i32
    %dma_start3A_1390 = tpu.memref_slice %arg7[%add3A_1386, %dma_start3A_1389] : memref<16384x768xf32, #tpu.memory_space<hbm>> -> memref<128x128xf32, #tpu.memory_space<hbm>>
    tpu.enqueue_dma source(%arg9 : memref<128x128xf32, #tpu.memory_space<vmem>>) target(%dma_start3A_1390 : memref<128x128xf32, #tpu.memory_space<hbm>>) target_semaphore(%arg18 : memref<!tpu.dma_semaphore, #tpu.memory_space<semaphore_mem>>)
    %dma_wait3A_1391 = arith.constant 128 : i32
    %dma_wait3A_1392 = tpu.memref_slice %arg7[%add3A_1366, %dma_wait3A_1391] : memref<16384x768xf32, #tpu.memory_space<hbm>> -> memref<128x128xf32, #tpu.memory_space<hbm>>
    %dma_wait3A_1393 = arith.constant 128 : i32
    %dma_wait3A_1394 = tpu.memref_slice %arg7[%add3A_1366, %dma_wait3A_1393] : memref<16384x768xf32, #tpu.memory_space<hbm>> -> memref<128x128xf32, #tpu.memory_space<hbm>>
    tpu.wait_dma2 semaphore(%arg19 : memref<!tpu.dma_semaphore, #tpu.memory_space<semaphore_mem>>) src(%arg10 : memref<128x128xf32, #tpu.memory_space<vmem>>) dst(%dma_wait3A_1394 : memref<128x128xf32, #tpu.memory_space<hbm>>)
    %dma_start3A_1395 = arith.constant 896 : i32
    %dma_start3A_1396 = tpu.memref_slice %arg11[%dma_start3A_1395] : memref<2304xi32, #tpu.memory_space<vmem>> -> memref<128xi32, #tpu.memory_space<vmem>>
    %dma_start3A_1397 = arith.constant 0 : i32
    %dma_start3A_1398 = arith.constant 0 : i32
    %dma_start3A_1399 = tpu.memref_slice %arg8[%dma_start3A_1397, %dma_start3A_1398] : memref<4096x128xf32, #tpu.memory_space<vmem_shared>> -> memref<4096x128xf32, #tpu.memory_space<vmem_shared>>
    tpu.enqueue_indirect_dma source(%dma_start3A_1399 : memref<4096x128xf32, #tpu.memory_space<vmem_shared>>) target(%arg10 : memref<128x128xf32, #tpu.memory_space<vmem>>) offsets(%dma_start3A_1396 : memref<128xi32, #tpu.memory_space<vmem>>) semaphore(%arg17 : memref<!tpu.dma_semaphore, #tpu.memory_space<semaphore_mem>>)
    %dma_wait3A_1400 = arith.constant 896 : i32
    %dma_wait3A_1401 = tpu.memref_slice %arg11[%dma_wait3A_1400] : memref<2304xi32, #tpu.memory_space<vmem>> -> memref<128xi32, #tpu.memory_space<vmem>>
    %dma_wait3A_1402 = arith.constant 0 : i32
    %dma_wait3A_1403 = arith.constant 0 : i32
    %dma_wait3A_1404 = tpu.memref_slice %arg8[%dma_wait3A_1402, %dma_wait3A_1403] : memref<4096x128xf32, #tpu.memory_space<vmem_shared>> -> memref<4096x128xf32, #tpu.memory_space<vmem_shared>>
    tpu.wait_indirect_dma semaphore(%arg17 : memref<!tpu.dma_semaphore, #tpu.memory_space<semaphore_mem>>) src(%dma_wait3A_1404 : memref<4096x128xf32, #tpu.memory_space<vmem_shared>>) dst(%arg10 : memref<128x128xf32, #tpu.memory_space<vmem>>)
    %add3A_1405 = arith.constant 128 : i32
    %add3A_1406 = arith.addi %add3A_1258, %add3A_1405 : i32
    %dma_start3A_1407 = arith.constant 256 : i32
    %dma_start3A_1408 = tpu.memref_slice %arg7[%add3A_1406, %dma_start3A_1407] : memref<16384x768xf32, #tpu.memory_space<hbm>> -> memref<128x128xf32, #tpu.memory_space<hbm>>
    %dma_start3A_1409 = arith.constant 256 : i32
    %dma_start3A_1410 = tpu.memref_slice %arg7[%add3A_1406, %dma_start3A_1409] : memref<16384x768xf32, #tpu.memory_space<hbm>> -> memref<128x128xf32, #tpu.memory_space<hbm>>
    tpu.enqueue_dma source(%arg10 : memref<128x128xf32, #tpu.memory_space<vmem>>) target(%dma_start3A_1410 : memref<128x128xf32, #tpu.memory_space<hbm>>) target_semaphore(%arg19 : memref<!tpu.dma_semaphore, #tpu.memory_space<semaphore_mem>>)
    %dma_wait3A_1411 = arith.constant 256 : i32
    %dma_wait3A_1412 = tpu.memref_slice %arg7[%add3A_1386, %dma_wait3A_1411] : memref<16384x768xf32, #tpu.memory_space<hbm>> -> memref<128x128xf32, #tpu.memory_space<hbm>>
    %dma_wait3A_1413 = arith.constant 256 : i32
    %dma_wait3A_1414 = tpu.memref_slice %arg7[%add3A_1386, %dma_wait3A_1413] : memref<16384x768xf32, #tpu.memory_space<hbm>> -> memref<128x128xf32, #tpu.memory_space<hbm>>
    tpu.wait_dma2 semaphore(%arg18 : memref<!tpu.dma_semaphore, #tpu.memory_space<semaphore_mem>>) src(%arg9 : memref<128x128xf32, #tpu.memory_space<vmem>>) dst(%dma_wait3A_1414 : memref<128x128xf32, #tpu.memory_space<hbm>>)
    %dma_start3A_1415 = arith.constant 1024 : i32
    %dma_start3A_1416 = tpu.memref_slice %arg11[%dma_start3A_1415] : memref<2304xi32, #tpu.memory_space<vmem>> -> memref<128xi32, #tpu.memory_space<vmem>>
    %dma_start3A_1417 = arith.constant 0 : i32
    %dma_start3A_1418 = arith.constant 0 : i32
    %dma_start3A_1419 = tpu.memref_slice %arg8[%dma_start3A_1417, %dma_start3A_1418] : memref<4096x128xf32, #tpu.memory_space<vmem_shared>> -> memref<4096x128xf32, #tpu.memory_space<vmem_shared>>
    tpu.enqueue_indirect_dma source(%dma_start3A_1419 : memref<4096x128xf32, #tpu.memory_space<vmem_shared>>) target(%arg9 : memref<128x128xf32, #tpu.memory_space<vmem>>) offsets(%dma_start3A_1416 : memref<128xi32, #tpu.memory_space<vmem>>) semaphore(%arg16 : memref<!tpu.dma_semaphore, #tpu.memory_space<semaphore_mem>>)
    %dma_wait3A_1420 = arith.constant 1024 : i32
    %dma_wait3A_1421 = tpu.memref_slice %arg11[%dma_wait3A_1420] : memref<2304xi32, #tpu.memory_space<vmem>> -> memref<128xi32, #tpu.memory_space<vmem>>
    %dma_wait3A_1422 = arith.constant 0 : i32
    %dma_wait3A_1423 = arith.constant 0 : i32
    %dma_wait3A_1424 = tpu.memref_slice %arg8[%dma_wait3A_1422, %dma_wait3A_1423] : memref<4096x128xf32, #tpu.memory_space<vmem_shared>> -> memref<4096x128xf32, #tpu.memory_space<vmem_shared>>
    tpu.wait_indirect_dma semaphore(%arg16 : memref<!tpu.dma_semaphore, #tpu.memory_space<semaphore_mem>>) src(%dma_wait3A_1424 : memref<4096x128xf32, #tpu.memory_space<vmem_shared>>) dst(%arg9 : memref<128x128xf32, #tpu.memory_space<vmem>>)
    %add3A_1425 = arith.constant 256 : i32
    %add3A_1426 = arith.addi %add3A_1258, %add3A_1425 : i32
    %dma_start3A_1427 = arith.constant 256 : i32
    %dma_start3A_1428 = tpu.memref_slice %arg7[%add3A_1426, %dma_start3A_1427] : memref<16384x768xf32, #tpu.memory_space<hbm>> -> memref<128x128xf32, #tpu.memory_space<hbm>>
    %dma_start3A_1429 = arith.constant 256 : i32
    %dma_start3A_1430 = tpu.memref_slice %arg7[%add3A_1426, %dma_start3A_1429] : memref<16384x768xf32, #tpu.memory_space<hbm>> -> memref<128x128xf32, #tpu.memory_space<hbm>>
    tpu.enqueue_dma source(%arg9 : memref<128x128xf32, #tpu.memory_space<vmem>>) target(%dma_start3A_1430 : memref<128x128xf32, #tpu.memory_space<hbm>>) target_semaphore(%arg18 : memref<!tpu.dma_semaphore, #tpu.memory_space<semaphore_mem>>)
    %dma_wait3A_1431 = arith.constant 256 : i32
    %dma_wait3A_1432 = tpu.memref_slice %arg7[%add3A_1406, %dma_wait3A_1431] : memref<16384x768xf32, #tpu.memory_space<hbm>> -> memref<128x128xf32, #tpu.memory_space<hbm>>
    %dma_wait3A_1433 = arith.constant 256 : i32
    %dma_wait3A_1434 = tpu.memref_slice %arg7[%add3A_1406, %dma_wait3A_1433] : memref<16384x768xf32, #tpu.memory_space<hbm>> -> memref<128x128xf32, #tpu.memory_space<hbm>>
    tpu.wait_dma2 semaphore(%arg19 : memref<!tpu.dma_semaphore, #tpu.memory_space<semaphore_mem>>) src(%arg10 : memref<128x128xf32, #tpu.memory_space<vmem>>) dst(%dma_wait3A_1434 : memref<128x128xf32, #tpu.memory_space<hbm>>)
    %dma_start3A_1435 = arith.constant 1152 : i32
    %dma_start3A_1436 = tpu.memref_slice %arg11[%dma_start3A_1435] : memref<2304xi32, #tpu.memory_space<vmem>> -> memref<128xi32, #tpu.memory_space<vmem>>
    %dma_start3A_1437 = arith.constant 0 : i32
    %dma_start3A_1438 = arith.constant 0 : i32
    %dma_start3A_1439 = tpu.memref_slice %arg8[%dma_start3A_1437, %dma_start3A_1438] : memref<4096x128xf32, #tpu.memory_space<vmem_shared>> -> memref<4096x128xf32, #tpu.memory_space<vmem_shared>>
    tpu.enqueue_indirect_dma source(%dma_start3A_1439 : memref<4096x128xf32, #tpu.memory_space<vmem_shared>>) target(%arg10 : memref<128x128xf32, #tpu.memory_space<vmem>>) offsets(%dma_start3A_1436 : memref<128xi32, #tpu.memory_space<vmem>>) semaphore(%arg17 : memref<!tpu.dma_semaphore, #tpu.memory_space<semaphore_mem>>)
    %dma_wait3A_1440 = arith.constant 1152 : i32
    %dma_wait3A_1441 = tpu.memref_slice %arg11[%dma_wait3A_1440] : memref<2304xi32, #tpu.memory_space<vmem>> -> memref<128xi32, #tpu.memory_space<vmem>>
    %dma_wait3A_1442 = arith.constant 0 : i32
    %dma_wait3A_1443 = arith.constant 0 : i32
    %dma_wait3A_1444 = tpu.memref_slice %arg8[%dma_wait3A_1442, %dma_wait3A_1443] : memref<4096x128xf32, #tpu.memory_space<vmem_shared>> -> memref<4096x128xf32, #tpu.memory_space<vmem_shared>>
    tpu.wait_indirect_dma semaphore(%arg17 : memref<!tpu.dma_semaphore, #tpu.memory_space<semaphore_mem>>) src(%dma_wait3A_1444 : memref<4096x128xf32, #tpu.memory_space<vmem_shared>>) dst(%arg10 : memref<128x128xf32, #tpu.memory_space<vmem>>)
    %add3A_1445 = arith.constant 0 : i32
    %add3A_1446 = arith.addi %add3A_1258, %add3A_1445 : i32
    %dma_start3A_1447 = arith.constant 384 : i32
    %dma_start3A_1448 = tpu.memref_slice %arg7[%add3A_1446, %dma_start3A_1447] : memref<16384x768xf32, #tpu.memory_space<hbm>> -> memref<128x128xf32, #tpu.memory_space<hbm>>
    %dma_start3A_1449 = arith.constant 384 : i32
    %dma_start3A_1450 = tpu.memref_slice %arg7[%add3A_1446, %dma_start3A_1449] : memref<16384x768xf32, #tpu.memory_space<hbm>> -> memref<128x128xf32, #tpu.memory_space<hbm>>
    tpu.enqueue_dma source(%arg10 : memref<128x128xf32, #tpu.memory_space<vmem>>) target(%dma_start3A_1450 : memref<128x128xf32, #tpu.memory_space<hbm>>) target_semaphore(%arg19 : memref<!tpu.dma_semaphore, #tpu.memory_space<semaphore_mem>>)
    %dma_wait3A_1451 = arith.constant 256 : i32
    %dma_wait3A_1452 = tpu.memref_slice %arg7[%add3A_1426, %dma_wait3A_1451] : memref<16384x768xf32, #tpu.memory_space<hbm>> -> memref<128x128xf32, #tpu.memory_space<hbm>>
    %dma_wait3A_1453 = arith.constant 256 : i32
    %dma_wait3A_1454 = tpu.memref_slice %arg7[%add3A_1426, %dma_wait3A_1453] : memref<16384x768xf32, #tpu.memory_space<hbm>> -> memref<128x128xf32, #tpu.memory_space<hbm>>
    tpu.wait_dma2 semaphore(%arg18 : memref<!tpu.dma_semaphore, #tpu.memory_space<semaphore_mem>>) src(%arg9 : memref<128x128xf32, #tpu.memory_space<vmem>>) dst(%dma_wait3A_1454 : memref<128x128xf32, #tpu.memory_space<hbm>>)
    %dma_start3A_1455 = arith.constant 1280 : i32
    %dma_start3A_1456 = tpu.memref_slice %arg11[%dma_start3A_1455] : memref<2304xi32, #tpu.memory_space<vmem>> -> memref<128xi32, #tpu.memory_space<vmem>>
    %dma_start3A_1457 = arith.constant 0 : i32
    %dma_start3A_1458 = arith.constant 0 : i32
    %dma_start3A_1459 = tpu.memref_slice %arg8[%dma_start3A_1457, %dma_start3A_1458] : memref<4096x128xf32, #tpu.memory_space<vmem_shared>> -> memref<4096x128xf32, #tpu.memory_space<vmem_shared>>
    tpu.enqueue_indirect_dma source(%dma_start3A_1459 : memref<4096x128xf32, #tpu.memory_space<vmem_shared>>) target(%arg9 : memref<128x128xf32, #tpu.memory_space<vmem>>) offsets(%dma_start3A_1456 : memref<128xi32, #tpu.memory_space<vmem>>) semaphore(%arg16 : memref<!tpu.dma_semaphore, #tpu.memory_space<semaphore_mem>>)
    %dma_wait3A_1460 = arith.constant 1280 : i32
    %dma_wait3A_1461 = tpu.memref_slice %arg11[%dma_wait3A_1460] : memref<2304xi32, #tpu.memory_space<vmem>> -> memref<128xi32, #tpu.memory_space<vmem>>
    %dma_wait3A_1462 = arith.constant 0 : i32
    %dma_wait3A_1463 = arith.constant 0 : i32
    %dma_wait3A_1464 = tpu.memref_slice %arg8[%dma_wait3A_1462, %dma_wait3A_1463] : memref<4096x128xf32, #tpu.memory_space<vmem_shared>> -> memref<4096x128xf32, #tpu.memory_space<vmem_shared>>
    tpu.wait_indirect_dma semaphore(%arg16 : memref<!tpu.dma_semaphore, #tpu.memory_space<semaphore_mem>>) src(%dma_wait3A_1464 : memref<4096x128xf32, #tpu.memory_space<vmem_shared>>) dst(%arg9 : memref<128x128xf32, #tpu.memory_space<vmem>>)
    %add3A_1465 = arith.constant 128 : i32
    %add3A_1466 = arith.addi %add3A_1258, %add3A_1465 : i32
    %dma_start3A_1467 = arith.constant 384 : i32
    %dma_start3A_1468 = tpu.memref_slice %arg7[%add3A_1466, %dma_start3A_1467] : memref<16384x768xf32, #tpu.memory_space<hbm>> -> memref<128x128xf32, #tpu.memory_space<hbm>>
    %dma_start3A_1469 = arith.constant 384 : i32
    %dma_start3A_1470 = tpu.memref_slice %arg7[%add3A_1466, %dma_start3A_1469] : memref<16384x768xf32, #tpu.memory_space<hbm>> -> memref<128x128xf32, #tpu.memory_space<hbm>>
    tpu.enqueue_dma source(%arg9 : memref<128x128xf32, #tpu.memory_space<vmem>>) target(%dma_start3A_1470 : memref<128x128xf32, #tpu.memory_space<hbm>>) target_semaphore(%arg18 : memref<!tpu.dma_semaphore, #tpu.memory_space<semaphore_mem>>)
    %dma_wait3A_1471 = arith.constant 384 : i32
    %dma_wait3A_1472 = tpu.memref_slice %arg7[%add3A_1446, %dma_wait3A_1471] : memref<16384x768xf32, #tpu.memory_space<hbm>> -> memref<128x128xf32, #tpu.memory_space<hbm>>
    %dma_wait3A_1473 = arith.constant 384 : i32
    %dma_wait3A_1474 = tpu.memref_slice %arg7[%add3A_1446, %dma_wait3A_1473] : memref<16384x768xf32, #tpu.memory_space<hbm>> -> memref<128x128xf32, #tpu.memory_space<hbm>>
    tpu.wait_dma2 semaphore(%arg19 : memref<!tpu.dma_semaphore, #tpu.memory_space<semaphore_mem>>) src(%arg10 : memref<128x128xf32, #tpu.memory_space<vmem>>) dst(%dma_wait3A_1474 : memref<128x128xf32, #tpu.memory_space<hbm>>)
    %dma_start3A_1475 = arith.constant 1408 : i32
    %dma_start3A_1476 = tpu.memref_slice %arg11[%dma_start3A_1475] : memref<2304xi32, #tpu.memory_space<vmem>> -> memref<128xi32, #tpu.memory_space<vmem>>
    %dma_start3A_1477 = arith.constant 0 : i32
    %dma_start3A_1478 = arith.constant 0 : i32
    %dma_start3A_1479 = tpu.memref_slice %arg8[%dma_start3A_1477, %dma_start3A_1478] : memref<4096x128xf32, #tpu.memory_space<vmem_shared>> -> memref<4096x128xf32, #tpu.memory_space<vmem_shared>>
    tpu.enqueue_indirect_dma source(%dma_start3A_1479 : memref<4096x128xf32, #tpu.memory_space<vmem_shared>>) target(%arg10 : memref<128x128xf32, #tpu.memory_space<vmem>>) offsets(%dma_start3A_1476 : memref<128xi32, #tpu.memory_space<vmem>>) semaphore(%arg17 : memref<!tpu.dma_semaphore, #tpu.memory_space<semaphore_mem>>)
    %dma_wait3A_1480 = arith.constant 1408 : i32
    %dma_wait3A_1481 = tpu.memref_slice %arg11[%dma_wait3A_1480] : memref<2304xi32, #tpu.memory_space<vmem>> -> memref<128xi32, #tpu.memory_space<vmem>>
    %dma_wait3A_1482 = arith.constant 0 : i32
    %dma_wait3A_1483 = arith.constant 0 : i32
    %dma_wait3A_1484 = tpu.memref_slice %arg8[%dma_wait3A_1482, %dma_wait3A_1483] : memref<4096x128xf32, #tpu.memory_space<vmem_shared>> -> memref<4096x128xf32, #tpu.memory_space<vmem_shared>>
    tpu.wait_indirect_dma semaphore(%arg17 : memref<!tpu.dma_semaphore, #tpu.memory_space<semaphore_mem>>) src(%dma_wait3A_1484 : memref<4096x128xf32, #tpu.memory_space<vmem_shared>>) dst(%arg10 : memref<128x128xf32, #tpu.memory_space<vmem>>)
    %add3A_1485 = arith.constant 256 : i32
    %add3A_1486 = arith.addi %add3A_1258, %add3A_1485 : i32
    %dma_start3A_1487 = arith.constant 384 : i32
    %dma_start3A_1488 = tpu.memref_slice %arg7[%add3A_1486, %dma_start3A_1487] : memref<16384x768xf32, #tpu.memory_space<hbm>> -> memref<128x128xf32, #tpu.memory_space<hbm>>
    %dma_start3A_1489 = arith.constant 384 : i32
    %dma_start3A_1490 = tpu.memref_slice %arg7[%add3A_1486, %dma_start3A_1489] : memref<16384x768xf32, #tpu.memory_space<hbm>> -> memref<128x128xf32, #tpu.memory_space<hbm>>
    tpu.enqueue_dma source(%arg10 : memref<128x128xf32, #tpu.memory_space<vmem>>) target(%dma_start3A_1490 : memref<128x128xf32, #tpu.memory_space<hbm>>) target_semaphore(%arg19 : memref<!tpu.dma_semaphore, #tpu.memory_space<semaphore_mem>>)
    %dma_wait3A_1491 = arith.constant 384 : i32
    %dma_wait3A_1492 = tpu.memref_slice %arg7[%add3A_1466, %dma_wait3A_1491] : memref<16384x768xf32, #tpu.memory_space<hbm>> -> memref<128x128xf32, #tpu.memory_space<hbm>>
    %dma_wait3A_1493 = arith.constant 384 : i32
    %dma_wait3A_1494 = tpu.memref_slice %arg7[%add3A_1466, %dma_wait3A_1493] : memref<16384x768xf32, #tpu.memory_space<hbm>> -> memref<128x128xf32, #tpu.memory_space<hbm>>
    tpu.wait_dma2 semaphore(%arg18 : memref<!tpu.dma_semaphore, #tpu.memory_space<semaphore_mem>>) src(%arg9 : memref<128x128xf32, #tpu.memory_space<vmem>>) dst(%dma_wait3A_1494 : memref<128x128xf32, #tpu.memory_space<hbm>>)
    %dma_start3A_1495 = arith.constant 1536 : i32
    %dma_start3A_1496 = tpu.memref_slice %arg11[%dma_start3A_1495] : memref<2304xi32, #tpu.memory_space<vmem>> -> memref<128xi32, #tpu.memory_space<vmem>>
    %dma_start3A_1497 = arith.constant 0 : i32
    %dma_start3A_1498 = arith.constant 0 : i32
    %dma_start3A_1499 = tpu.memref_slice %arg8[%dma_start3A_1497, %dma_start3A_1498] : memref<4096x128xf32, #tpu.memory_space<vmem_shared>> -> memref<4096x128xf32, #tpu.memory_space<vmem_shared>>
    tpu.enqueue_indirect_dma source(%dma_start3A_1499 : memref<4096x128xf32, #tpu.memory_space<vmem_shared>>) target(%arg9 : memref<128x128xf32, #tpu.memory_space<vmem>>) offsets(%dma_start3A_1496 : memref<128xi32, #tpu.memory_space<vmem>>) semaphore(%arg16 : memref<!tpu.dma_semaphore, #tpu.memory_space<semaphore_mem>>)
    %dma_wait3A_1500 = arith.constant 1536 : i32
    %dma_wait3A_1501 = tpu.memref_slice %arg11[%dma_wait3A_1500] : memref<2304xi32, #tpu.memory_space<vmem>> -> memref<128xi32, #tpu.memory_space<vmem>>
    %dma_wait3A_1502 = arith.constant 0 : i32
    %dma_wait3A_1503 = arith.constant 0 : i32
    %dma_wait3A_1504 = tpu.memref_slice %arg8[%dma_wait3A_1502, %dma_wait3A_1503] : memref<4096x128xf32, #tpu.memory_space<vmem_shared>> -> memref<4096x128xf32, #tpu.memory_space<vmem_shared>>
    tpu.wait_indirect_dma semaphore(%arg16 : memref<!tpu.dma_semaphore, #tpu.memory_space<semaphore_mem>>) src(%dma_wait3A_1504 : memref<4096x128xf32, #tpu.memory_space<vmem_shared>>) dst(%arg9 : memref<128x128xf32, #tpu.memory_space<vmem>>)
    %add3A_1505 = arith.constant 0 : i32
    %add3A_1506 = arith.addi %add3A_1258, %add3A_1505 : i32
    %dma_start3A_1507 = arith.constant 512 : i32
    %dma_start3A_1508 = tpu.memref_slice %arg7[%add3A_1506, %dma_start3A_1507] : memref<16384x768xf32, #tpu.memory_space<hbm>> -> memref<128x128xf32, #tpu.memory_space<hbm>>
    %dma_start3A_1509 = arith.constant 512 : i32
    %dma_start3A_1510 = tpu.memref_slice %arg7[%add3A_1506, %dma_start3A_1509] : memref<16384x768xf32, #tpu.memory_space<hbm>> -> memref<128x128xf32, #tpu.memory_space<hbm>>
    tpu.enqueue_dma source(%arg9 : memref<128x128xf32, #tpu.memory_space<vmem>>) target(%dma_start3A_1510 : memref<128x128xf32, #tpu.memory_space<hbm>>) target_semaphore(%arg18 : memref<!tpu.dma_semaphore, #tpu.memory_space<semaphore_mem>>)
    %dma_wait3A_1511 = arith.constant 384 : i32
    %dma_wait3A_1512 = tpu.memref_slice %arg7[%add3A_1486, %dma_wait3A_1511] : memref<16384x768xf32, #tpu.memory_space<hbm>> -> memref<128x128xf32, #tpu.memory_space<hbm>>
    %dma_wait3A_1513 = arith.constant 384 : i32
    %dma_wait3A_1514 = tpu.memref_slice %arg7[%add3A_1486, %dma_wait3A_1513] : memref<16384x768xf32, #tpu.memory_space<hbm>> -> memref<128x128xf32, #tpu.memory_space<hbm>>
    tpu.wait_dma2 semaphore(%arg19 : memref<!tpu.dma_semaphore, #tpu.memory_space<semaphore_mem>>) src(%arg10 : memref<128x128xf32, #tpu.memory_space<vmem>>) dst(%dma_wait3A_1514 : memref<128x128xf32, #tpu.memory_space<hbm>>)
    %dma_start3A_1515 = arith.constant 1664 : i32
    %dma_start3A_1516 = tpu.memref_slice %arg11[%dma_start3A_1515] : memref<2304xi32, #tpu.memory_space<vmem>> -> memref<128xi32, #tpu.memory_space<vmem>>
    %dma_start3A_1517 = arith.constant 0 : i32
    %dma_start3A_1518 = arith.constant 0 : i32
    %dma_start3A_1519 = tpu.memref_slice %arg8[%dma_start3A_1517, %dma_start3A_1518] : memref<4096x128xf32, #tpu.memory_space<vmem_shared>> -> memref<4096x128xf32, #tpu.memory_space<vmem_shared>>
    tpu.enqueue_indirect_dma source(%dma_start3A_1519 : memref<4096x128xf32, #tpu.memory_space<vmem_shared>>) target(%arg10 : memref<128x128xf32, #tpu.memory_space<vmem>>) offsets(%dma_start3A_1516 : memref<128xi32, #tpu.memory_space<vmem>>) semaphore(%arg17 : memref<!tpu.dma_semaphore, #tpu.memory_space<semaphore_mem>>)
    %dma_wait3A_1520 = arith.constant 1664 : i32
    %dma_wait3A_1521 = tpu.memref_slice %arg11[%dma_wait3A_1520] : memref<2304xi32, #tpu.memory_space<vmem>> -> memref<128xi32, #tpu.memory_space<vmem>>
    %dma_wait3A_1522 = arith.constant 0 : i32
    %dma_wait3A_1523 = arith.constant 0 : i32
    %dma_wait3A_1524 = tpu.memref_slice %arg8[%dma_wait3A_1522, %dma_wait3A_1523] : memref<4096x128xf32, #tpu.memory_space<vmem_shared>> -> memref<4096x128xf32, #tpu.memory_space<vmem_shared>>
    tpu.wait_indirect_dma semaphore(%arg17 : memref<!tpu.dma_semaphore, #tpu.memory_space<semaphore_mem>>) src(%dma_wait3A_1524 : memref<4096x128xf32, #tpu.memory_space<vmem_shared>>) dst(%arg10 : memref<128x128xf32, #tpu.memory_space<vmem>>)
    %add3A_1525 = arith.constant 128 : i32
    %add3A_1526 = arith.addi %add3A_1258, %add3A_1525 : i32
    %dma_start3A_1527 = arith.constant 512 : i32
    %dma_start3A_1528 = tpu.memref_slice %arg7[%add3A_1526, %dma_start3A_1527] : memref<16384x768xf32, #tpu.memory_space<hbm>> -> memref<128x128xf32, #tpu.memory_space<hbm>>
    %dma_start3A_1529 = arith.constant 512 : i32
    %dma_start3A_1530 = tpu.memref_slice %arg7[%add3A_1526, %dma_start3A_1529] : memref<16384x768xf32, #tpu.memory_space<hbm>> -> memref<128x128xf32, #tpu.memory_space<hbm>>
    tpu.enqueue_dma source(%arg10 : memref<128x128xf32, #tpu.memory_space<vmem>>) target(%dma_start3A_1530 : memref<128x128xf32, #tpu.memory_space<hbm>>) target_semaphore(%arg19 : memref<!tpu.dma_semaphore, #tpu.memory_space<semaphore_mem>>)
    %dma_wait3A_1531 = arith.constant 512 : i32
    %dma_wait3A_1532 = tpu.memref_slice %arg7[%add3A_1506, %dma_wait3A_1531] : memref<16384x768xf32, #tpu.memory_space<hbm>> -> memref<128x128xf32, #tpu.memory_space<hbm>>
    %dma_wait3A_1533 = arith.constant 512 : i32
    %dma_wait3A_1534 = tpu.memref_slice %arg7[%add3A_1506, %dma_wait3A_1533] : memref<16384x768xf32, #tpu.memory_space<hbm>> -> memref<128x128xf32, #tpu.memory_space<hbm>>
    tpu.wait_dma2 semaphore(%arg18 : memref<!tpu.dma_semaphore, #tpu.memory_space<semaphore_mem>>) src(%arg9 : memref<128x128xf32, #tpu.memory_space<vmem>>) dst(%dma_wait3A_1534 : memref<128x128xf32, #tpu.memory_space<hbm>>)
    %dma_start3A_1535 = arith.constant 1792 : i32
    %dma_start3A_1536 = tpu.memref_slice %arg11[%dma_start3A_1535] : memref<2304xi32, #tpu.memory_space<vmem>> -> memref<128xi32, #tpu.memory_space<vmem>>
    %dma_start3A_1537 = arith.constant 0 : i32
    %dma_start3A_1538 = arith.constant 0 : i32
    %dma_start3A_1539 = tpu.memref_slice %arg8[%dma_start3A_1537, %dma_start3A_1538] : memref<4096x128xf32, #tpu.memory_space<vmem_shared>> -> memref<4096x128xf32, #tpu.memory_space<vmem_shared>>
    tpu.enqueue_indirect_dma source(%dma_start3A_1539 : memref<4096x128xf32, #tpu.memory_space<vmem_shared>>) target(%arg9 : memref<128x128xf32, #tpu.memory_space<vmem>>) offsets(%dma_start3A_1536 : memref<128xi32, #tpu.memory_space<vmem>>) semaphore(%arg16 : memref<!tpu.dma_semaphore, #tpu.memory_space<semaphore_mem>>)
    %dma_wait3A_1540 = arith.constant 1792 : i32
    %dma_wait3A_1541 = tpu.memref_slice %arg11[%dma_wait3A_1540] : memref<2304xi32, #tpu.memory_space<vmem>> -> memref<128xi32, #tpu.memory_space<vmem>>
    %dma_wait3A_1542 = arith.constant 0 : i32
    %dma_wait3A_1543 = arith.constant 0 : i32
    %dma_wait3A_1544 = tpu.memref_slice %arg8[%dma_wait3A_1542, %dma_wait3A_1543] : memref<4096x128xf32, #tpu.memory_space<vmem_shared>> -> memref<4096x128xf32, #tpu.memory_space<vmem_shared>>
    tpu.wait_indirect_dma semaphore(%arg16 : memref<!tpu.dma_semaphore, #tpu.memory_space<semaphore_mem>>) src(%dma_wait3A_1544 : memref<4096x128xf32, #tpu.memory_space<vmem_shared>>) dst(%arg9 : memref<128x128xf32, #tpu.memory_space<vmem>>)
    %add3A_1545 = arith.constant 256 : i32
    %add3A_1546 = arith.addi %add3A_1258, %add3A_1545 : i32
    %dma_start3A_1547 = arith.constant 512 : i32
    %dma_start3A_1548 = tpu.memref_slice %arg7[%add3A_1546, %dma_start3A_1547] : memref<16384x768xf32, #tpu.memory_space<hbm>> -> memref<128x128xf32, #tpu.memory_space<hbm>>
    %dma_start3A_1549 = arith.constant 512 : i32
    %dma_start3A_1550 = tpu.memref_slice %arg7[%add3A_1546, %dma_start3A_1549] : memref<16384x768xf32, #tpu.memory_space<hbm>> -> memref<128x128xf32, #tpu.memory_space<hbm>>
    tpu.enqueue_dma source(%arg9 : memref<128x128xf32, #tpu.memory_space<vmem>>) target(%dma_start3A_1550 : memref<128x128xf32, #tpu.memory_space<hbm>>) target_semaphore(%arg18 : memref<!tpu.dma_semaphore, #tpu.memory_space<semaphore_mem>>)
    %dma_wait3A_1551 = arith.constant 512 : i32
    %dma_wait3A_1552 = tpu.memref_slice %arg7[%add3A_1526, %dma_wait3A_1551] : memref<16384x768xf32, #tpu.memory_space<hbm>> -> memref<128x128xf32, #tpu.memory_space<hbm>>
    %dma_wait3A_1553 = arith.constant 512 : i32
    %dma_wait3A_1554 = tpu.memref_slice %arg7[%add3A_1526, %dma_wait3A_1553] : memref<16384x768xf32, #tpu.memory_space<hbm>> -> memref<128x128xf32, #tpu.memory_space<hbm>>
    tpu.wait_dma2 semaphore(%arg19 : memref<!tpu.dma_semaphore, #tpu.memory_space<semaphore_mem>>) src(%arg10 : memref<128x128xf32, #tpu.memory_space<vmem>>) dst(%dma_wait3A_1554 : memref<128x128xf32, #tpu.memory_space<hbm>>)
    %dma_start3A_1555 = arith.constant 1920 : i32
    %dma_start3A_1556 = tpu.memref_slice %arg11[%dma_start3A_1555] : memref<2304xi32, #tpu.memory_space<vmem>> -> memref<128xi32, #tpu.memory_space<vmem>>
    %dma_start3A_1557 = arith.constant 0 : i32
    %dma_start3A_1558 = arith.constant 0 : i32
    %dma_start3A_1559 = tpu.memref_slice %arg8[%dma_start3A_1557, %dma_start3A_1558] : memref<4096x128xf32, #tpu.memory_space<vmem_shared>> -> memref<4096x128xf32, #tpu.memory_space<vmem_shared>>
    tpu.enqueue_indirect_dma source(%dma_start3A_1559 : memref<4096x128xf32, #tpu.memory_space<vmem_shared>>) target(%arg10 : memref<128x128xf32, #tpu.memory_space<vmem>>) offsets(%dma_start3A_1556 : memref<128xi32, #tpu.memory_space<vmem>>) semaphore(%arg17 : memref<!tpu.dma_semaphore, #tpu.memory_space<semaphore_mem>>)
    %dma_wait3A_1560 = arith.constant 1920 : i32
    %dma_wait3A_1561 = tpu.memref_slice %arg11[%dma_wait3A_1560] : memref<2304xi32, #tpu.memory_space<vmem>> -> memref<128xi32, #tpu.memory_space<vmem>>
    %dma_wait3A_1562 = arith.constant 0 : i32
    %dma_wait3A_1563 = arith.constant 0 : i32
    %dma_wait3A_1564 = tpu.memref_slice %arg8[%dma_wait3A_1562, %dma_wait3A_1563] : memref<4096x128xf32, #tpu.memory_space<vmem_shared>> -> memref<4096x128xf32, #tpu.memory_space<vmem_shared>>
    tpu.wait_indirect_dma semaphore(%arg17 : memref<!tpu.dma_semaphore, #tpu.memory_space<semaphore_mem>>) src(%dma_wait3A_1564 : memref<4096x128xf32, #tpu.memory_space<vmem_shared>>) dst(%arg10 : memref<128x128xf32, #tpu.memory_space<vmem>>)
    %add3A_1565 = arith.constant 0 : i32
    %add3A_1566 = arith.addi %add3A_1258, %add3A_1565 : i32
    %dma_start3A_1567 = arith.constant 640 : i32
    %dma_start3A_1568 = tpu.memref_slice %arg7[%add3A_1566, %dma_start3A_1567] : memref<16384x768xf32, #tpu.memory_space<hbm>> -> memref<128x128xf32, #tpu.memory_space<hbm>>
    %dma_start3A_1569 = arith.constant 640 : i32
    %dma_start3A_1570 = tpu.memref_slice %arg7[%add3A_1566, %dma_start3A_1569] : memref<16384x768xf32, #tpu.memory_space<hbm>> -> memref<128x128xf32, #tpu.memory_space<hbm>>
    tpu.enqueue_dma source(%arg10 : memref<128x128xf32, #tpu.memory_space<vmem>>) target(%dma_start3A_1570 : memref<128x128xf32, #tpu.memory_space<hbm>>) target_semaphore(%arg19 : memref<!tpu.dma_semaphore, #tpu.memory_space<semaphore_mem>>)
    %dma_wait3A_1571 = arith.constant 512 : i32
    %dma_wait3A_1572 = tpu.memref_slice %arg7[%add3A_1546, %dma_wait3A_1571] : memref<16384x768xf32, #tpu.memory_space<hbm>> -> memref<128x128xf32, #tpu.memory_space<hbm>>
    %dma_wait3A_1573 = arith.constant 512 : i32
    %dma_wait3A_1574 = tpu.memref_slice %arg7[%add3A_1546, %dma_wait3A_1573] : memref<16384x768xf32, #tpu.memory_space<hbm>> -> memref<128x128xf32, #tpu.memory_space<hbm>>
    tpu.wait_dma2 semaphore(%arg18 : memref<!tpu.dma_semaphore, #tpu.memory_space<semaphore_mem>>) src(%arg9 : memref<128x128xf32, #tpu.memory_space<vmem>>) dst(%dma_wait3A_1574 : memref<128x128xf32, #tpu.memory_space<hbm>>)
    %dma_start3A_1575 = arith.constant 2048 : i32
    %dma_start3A_1576 = tpu.memref_slice %arg11[%dma_start3A_1575] : memref<2304xi32, #tpu.memory_space<vmem>> -> memref<128xi32, #tpu.memory_space<vmem>>
    %dma_start3A_1577 = arith.constant 0 : i32
    %dma_start3A_1578 = arith.constant 0 : i32
    %dma_start3A_1579 = tpu.memref_slice %arg8[%dma_start3A_1577, %dma_start3A_1578] : memref<4096x128xf32, #tpu.memory_space<vmem_shared>> -> memref<4096x128xf32, #tpu.memory_space<vmem_shared>>
    tpu.enqueue_indirect_dma source(%dma_start3A_1579 : memref<4096x128xf32, #tpu.memory_space<vmem_shared>>) target(%arg9 : memref<128x128xf32, #tpu.memory_space<vmem>>) offsets(%dma_start3A_1576 : memref<128xi32, #tpu.memory_space<vmem>>) semaphore(%arg16 : memref<!tpu.dma_semaphore, #tpu.memory_space<semaphore_mem>>)
    %dma_wait3A_1580 = arith.constant 2048 : i32
    %dma_wait3A_1581 = tpu.memref_slice %arg11[%dma_wait3A_1580] : memref<2304xi32, #tpu.memory_space<vmem>> -> memref<128xi32, #tpu.memory_space<vmem>>
    %dma_wait3A_1582 = arith.constant 0 : i32
    %dma_wait3A_1583 = arith.constant 0 : i32
    %dma_wait3A_1584 = tpu.memref_slice %arg8[%dma_wait3A_1582, %dma_wait3A_1583] : memref<4096x128xf32, #tpu.memory_space<vmem_shared>> -> memref<4096x128xf32, #tpu.memory_space<vmem_shared>>
    tpu.wait_indirect_dma semaphore(%arg16 : memref<!tpu.dma_semaphore, #tpu.memory_space<semaphore_mem>>) src(%dma_wait3A_1584 : memref<4096x128xf32, #tpu.memory_space<vmem_shared>>) dst(%arg9 : memref<128x128xf32, #tpu.memory_space<vmem>>)
    %add3A_1585 = arith.constant 128 : i32
    %add3A_1586 = arith.addi %add3A_1258, %add3A_1585 : i32
    %dma_start3A_1587 = arith.constant 640 : i32
    %dma_start3A_1588 = tpu.memref_slice %arg7[%add3A_1586, %dma_start3A_1587] : memref<16384x768xf32, #tpu.memory_space<hbm>> -> memref<128x128xf32, #tpu.memory_space<hbm>>
    %dma_start3A_1589 = arith.constant 640 : i32
    %dma_start3A_1590 = tpu.memref_slice %arg7[%add3A_1586, %dma_start3A_1589] : memref<16384x768xf32, #tpu.memory_space<hbm>> -> memref<128x128xf32, #tpu.memory_space<hbm>>
    tpu.enqueue_dma source(%arg9 : memref<128x128xf32, #tpu.memory_space<vmem>>) target(%dma_start3A_1590 : memref<128x128xf32, #tpu.memory_space<hbm>>) target_semaphore(%arg18 : memref<!tpu.dma_semaphore, #tpu.memory_space<semaphore_mem>>)
    %dma_wait3A_1591 = arith.constant 640 : i32
    %dma_wait3A_1592 = tpu.memref_slice %arg7[%add3A_1566, %dma_wait3A_1591] : memref<16384x768xf32, #tpu.memory_space<hbm>> -> memref<128x128xf32, #tpu.memory_space<hbm>>
    %dma_wait3A_1593 = arith.constant 640 : i32
    %dma_wait3A_1594 = tpu.memref_slice %arg7[%add3A_1566, %dma_wait3A_1593] : memref<16384x768xf32, #tpu.memory_space<hbm>> -> memref<128x128xf32, #tpu.memory_space<hbm>>
    tpu.wait_dma2 semaphore(%arg19 : memref<!tpu.dma_semaphore, #tpu.memory_space<semaphore_mem>>) src(%arg10 : memref<128x128xf32, #tpu.memory_space<vmem>>) dst(%dma_wait3A_1594 : memref<128x128xf32, #tpu.memory_space<hbm>>)
    %dma_start3A_1595 = arith.constant 2176 : i32
    %dma_start3A_1596 = tpu.memref_slice %arg11[%dma_start3A_1595] : memref<2304xi32, #tpu.memory_space<vmem>> -> memref<128xi32, #tpu.memory_space<vmem>>
    %dma_start3A_1597 = arith.constant 0 : i32
    %dma_start3A_1598 = arith.constant 0 : i32
    %dma_start3A_1599 = tpu.memref_slice %arg8[%dma_start3A_1597, %dma_start3A_1598] : memref<4096x128xf32, #tpu.memory_space<vmem_shared>> -> memref<4096x128xf32, #tpu.memory_space<vmem_shared>>
    tpu.enqueue_indirect_dma source(%dma_start3A_1599 : memref<4096x128xf32, #tpu.memory_space<vmem_shared>>) target(%arg10 : memref<128x128xf32, #tpu.memory_space<vmem>>) offsets(%dma_start3A_1596 : memref<128xi32, #tpu.memory_space<vmem>>) semaphore(%arg17 : memref<!tpu.dma_semaphore, #tpu.memory_space<semaphore_mem>>)
    %dma_wait3A_1600 = arith.constant 2176 : i32
    %dma_wait3A_1601 = tpu.memref_slice %arg11[%dma_wait3A_1600] : memref<2304xi32, #tpu.memory_space<vmem>> -> memref<128xi32, #tpu.memory_space<vmem>>
    %dma_wait3A_1602 = arith.constant 0 : i32
    %dma_wait3A_1603 = arith.constant 0 : i32
    %dma_wait3A_1604 = tpu.memref_slice %arg8[%dma_wait3A_1602, %dma_wait3A_1603] : memref<4096x128xf32, #tpu.memory_space<vmem_shared>> -> memref<4096x128xf32, #tpu.memory_space<vmem_shared>>
    tpu.wait_indirect_dma semaphore(%arg17 : memref<!tpu.dma_semaphore, #tpu.memory_space<semaphore_mem>>) src(%dma_wait3A_1604 : memref<4096x128xf32, #tpu.memory_space<vmem_shared>>) dst(%arg10 : memref<128x128xf32, #tpu.memory_space<vmem>>)
    %add3A_1605 = arith.constant 256 : i32
    %add3A_1606 = arith.addi %add3A_1258, %add3A_1605 : i32
    %dma_start3A_1607 = arith.constant 640 : i32
    %dma_start3A_1608 = tpu.memref_slice %arg7[%add3A_1606, %dma_start3A_1607] : memref<16384x768xf32, #tpu.memory_space<hbm>> -> memref<128x128xf32, #tpu.memory_space<hbm>>
    %dma_start3A_1609 = arith.constant 640 : i32
    %dma_start3A_1610 = tpu.memref_slice %arg7[%add3A_1606, %dma_start3A_1609] : memref<16384x768xf32, #tpu.memory_space<hbm>> -> memref<128x128xf32, #tpu.memory_space<hbm>>
    tpu.enqueue_dma source(%arg10 : memref<128x128xf32, #tpu.memory_space<vmem>>) target(%dma_start3A_1610 : memref<128x128xf32, #tpu.memory_space<hbm>>) target_semaphore(%arg19 : memref<!tpu.dma_semaphore, #tpu.memory_space<semaphore_mem>>)
    %dma_wait3A_1611 = arith.constant 640 : i32
    %dma_wait3A_1612 = tpu.memref_slice %arg7[%add3A_1586, %dma_wait3A_1611] : memref<16384x768xf32, #tpu.memory_space<hbm>> -> memref<128x128xf32, #tpu.memory_space<hbm>>
    %dma_wait3A_1613 = arith.constant 640 : i32
    %dma_wait3A_1614 = tpu.memref_slice %arg7[%add3A_1586, %dma_wait3A_1613] : memref<16384x768xf32, #tpu.memory_space<hbm>> -> memref<128x128xf32, #tpu.memory_space<hbm>>
    tpu.wait_dma2 semaphore(%arg18 : memref<!tpu.dma_semaphore, #tpu.memory_space<semaphore_mem>>) src(%arg9 : memref<128x128xf32, #tpu.memory_space<vmem>>) dst(%dma_wait3A_1614 : memref<128x128xf32, #tpu.memory_space<hbm>>)
    %dma_wait3A_1615 = arith.constant 640 : i32
    %dma_wait3A_1616 = tpu.memref_slice %arg7[%add3A_1606, %dma_wait3A_1615] : memref<16384x768xf32, #tpu.memory_space<hbm>> -> memref<128x128xf32, #tpu.memory_space<hbm>>
    %dma_wait3A_1617 = arith.constant 640 : i32
    %dma_wait3A_1618 = tpu.memref_slice %arg7[%add3A_1606, %dma_wait3A_1617] : memref<16384x768xf32, #tpu.memory_space<hbm>> -> memref<128x128xf32, #tpu.memory_space<hbm>>
    tpu.wait_dma2 semaphore(%arg19 : memref<!tpu.dma_semaphore, #tpu.memory_space<semaphore_mem>>) src(%arg10 : memref<128x128xf32, #tpu.memory_space<vmem>>) dst(%dma_wait3A_1618 : memref<128x128xf32, #tpu.memory_space<hbm>>)
    return
  }
}

module attributes {stable_mosaic.version = 14 : i64} {
  func.func @_tc_seg_body(%arg0: i32, %arg1: memref<1x1x768xi32, #tpu.memory_space<vmem>>, %arg2: memref<1x768x768xf32, #tpu.memory_space<vmem>>, %arg3: memref<1x256x768xf32, #tpu.memory_space<vmem>>) attributes {dimension_semantics = [#tpu.dimension_semantics<arbitrary>], iteration_bounds = array<i64: 16>, scalar_prefetch = 0 : i64, scratch_operands = 0 : i64, tpu.core_type = #tpu.core_type<tc>, window_params = [{transform_indices = @transform_0, window_bounds = array<i64: 1, 1, 768>}, {transform_indices = @transform_1, window_bounds = array<i64: 1, 768, 768>}, {transform_indices = @transform_2, window_bounds = array<i64: 1, 256, 768>}]} {
    %get3A = arith.constant 0 : index
    %get3A_0 = arith.constant 0 : index
    %get3A_1 = arith.constant 0 : index
    %get3A_2 = vector.load %arg1[%get3A, %get3A_0, %get3A_1] : memref<1x1x768xi32, #tpu.memory_space<vmem>>, vector<1x1x768xi32>
    %get3A_3 = vector.shape_cast %get3A_2 : vector<1x1x768xi32> to vector<768xi32>
    %iota3A = tpu.iota {dimensions = array<i32: 0>} : vector<256x768xi32>
    %broadcast_in_dim3A = vector.shape_cast %get3A_3 : vector<768xi32> to vector<1x768xi32>
    %eq3A = vector.broadcast %broadcast_in_dim3A : vector<1x768xi32> to vector<256x768xi32>
    %eq3A_4 = arith.cmpi eq, %iota3A, %eq3A : vector<256x768xi32>
    %convert_element_type3A = arith.extui %eq3A_4 : vector<256x768xi1> to vector<256x768xi32>
    %convert_element_type3A_5 = arith.sitofp %convert_element_type3A : vector<256x768xi32> to vector<256x768xf32>
    %reduce_sum3A = arith.constant dense<0.000000e+00> : vector<256xf32>
    %reduce_sum3A_6 = vector.multi_reduction <add>, %convert_element_type3A_5, %reduce_sum3A [1] : vector<256x768xf32> to vector<256xf32>
    %broadcast_in_dim3A_7 = vector.shape_cast %reduce_sum3A_6 : vector<256xf32> to vector<256x1xf32>
    %max3A = arith.constant 1.000000e+00 : f32
    %max3A_8 = vector.broadcast %max3A : f32 to vector<256x1xf32>
    %max3A_9 = arith.maximumf %broadcast_in_dim3A_7, %max3A_8 : vector<256x1xf32>
    %div3A = vector.broadcast %max3A_9 : vector<256x1xf32> to vector<256x768xf32>
    %div3A_10 = arith.divf %convert_element_type3A_5, %div3A : vector<256x768xf32>
    %get3A_11 = arith.constant 0 : index
    %get3A_12 = arith.constant 0 : index
    %get3A_13 = arith.constant 0 : index
    %get3A_14 = vector.load %arg2[%get3A_11, %get3A_12, %get3A_13] : memref<1x768x768xf32, #tpu.memory_space<vmem>>, vector<1x768x768xf32>
    %get3A_15 = vector.shape_cast %get3A_14 : vector<1x768x768xf32> to vector<768x768xf32>
    %dot_general3A = arith.constant dense<0.000000e+00> : vector<256x768xf32>
    %dot_general3A_16 = tpu.matmul %div3A_10, %get3A_15, %dot_general3A {dimension_numbers = #tpu.dot_dimension_numbers<[1], [0], [0], [1], [0, 0, 1, 1], [], []>, transpose_lhs_hint = false} : vector<256x768xf32>, vector<768x768xf32>, vector<256x768xf32> -> vector<256x768xf32>
    %swap3A = arith.constant 0 : index
    %swap3A_17 = arith.constant 0 : index
    %swap3A_18 = arith.constant 0 : index
    %swap3A_19 = vector.load %arg3[%swap3A, %swap3A_17, %swap3A_18] : memref<1x256x768xf32, #tpu.memory_space<vmem>>, vector<1x256x768xf32>
    %swap3A_20 = vector.shape_cast %swap3A_19 : vector<1x256x768xf32> to vector<256x768xf32>
    %swap3A_21 = vector.shape_cast %dot_general3A_16 : vector<256x768xf32> to vector<1x256x768xf32>
    tpu.vector_store %arg3[%swap3A, %swap3A_17, %swap3A_18], %swap3A_21 {strides = array<i32>} : memref<1x256x768xf32, #tpu.memory_space<vmem>>, vector<1x256x768xf32>,
    return
  }
  func.func @transform_0(%arg0: i32) -> (i32, i32, i32) {
    %c0_i32 = arith.constant 0 : i32
    %c0_i32_0 = arith.constant 0 : i32
    %c0_i32_1 = arith.constant 0 : i32
    return %arg0, %c0_i32, %c0_i32_0 : i32, i32, i32
  }
  func.func @transform_1(%arg0: i32) -> (i32, i32, i32) {
    %c0_i32 = arith.constant 0 : i32
    %c0_i32_0 = arith.constant 0 : i32
    %c0_i32_1 = arith.constant 0 : i32
    return %arg0, %c0_i32, %c0_i32_0 : i32, i32, i32
  }
  func.func @transform_2(%arg0: i32) -> (i32, i32, i32) {
    %c0_i32 = arith.constant 0 : i32
    %c0_i32_0 = arith.constant 0 : i32
    %c0_i32_1 = arith.constant 0 : i32
    return %arg0, %c0_i32, %c0_i32_0 : i32, i32, i32
  }
}

</mosaic_0001>

<sc_bundles>
// kernel: kernel.5.cloned.1.call-start
scs
__scs_entry_jumppad:
0x0: {  	(pc) =	sbr.rel $0x88, $3  }
0x1: {  	(tag) =	ssettag $0x0;
	lr =	simm.s32 $0x1  }
0x2: {  	[smem:$0x3F98] =	sst lr;
	_ =	strace $0xD0000000  }
0x3: {  	_ = 	snop  }
0x4: {  	_ = 	snop  }
0x5: {  	_ = 	snop  }
0x6: {  	_ = 	snop  }
0x7: {  	_ = 	snop  }
__scs_overlays_trampoline_lowered:
0x8: {  	[smem:$0x3FA7] =	sst s0  }
0x9: {  	[smem:$0x3FA8] =	sst s1  }
0xa: {  	[smem:$0x3FA9] =	sst s2  }
0xb: {  	[smem:$0x3FAA] =	sst s3  }
0xc: {  	[smem:$0x3FAB] =	sst s4  }
0xd: {  	[smem:$0x3FAC] =	sst s5  }
0xe: {  	[smem:$0x3FAD] =	sst s6  }
0xf: {  	[smem:$0x3FAE] =	sst s7  }
0x10: {  	[smem:$0x3FAF] =	sst s8  }
0x11: {  	[smem:$0x3FB0] =	sst s9;
	s0 =	simm.s32 @!p0 $0x0  }
0x12: {  	s1 =	sld [smem:$0x3F96];
	s0 =	simm.s32 @p0 $0x1  }
0x13: {  	[smem:$0x3FB1] =	sst s0;
	s0 =	simm.s32 @!p1 $0x0  }
0x14: {  	s2 =	sld [smem:$0x3F95];
	s0 =	simm.s32 @p1 $0x1  }
0x15: {  	[smem:$0x3FB2] =	sst s0;
	s0 =	simm.s32 @!p2 $0x0  }
0x16: {  	s3 =	sld [smem:$0x3FDB];
	s0 =	simm.s32 @p2 $0x1  }
0x17: {  	s4 =	simm.s32 $0x1BF5;
	[smem:$0x3FB4] =	sst s0  }
0x18: {  	s0 =	sld [smem:$0x3F97];
	_ =	swait.ge [sflag:s4], $0x0  }
0x19: {  	s7 =	sld [smem:$0x3F98]  }
0x1a: {  	s8 =	sadd.s32 $0xFFFFE003, lr  }
0x1b: {  	s9 =	sadd.s32 $0xFFFFFEF7, lr;
	s5 =	simm.s32 $0xFFFFFFFF;
	p2 =	slt.u32 s8, $0xFFFFF086  }
0x1c: {  	p1 =	slt.u32 s9, $0xF7A;
	s5 =	simm.s32 @!p2 $0x0  }
0x1d: {  	s5 =	simm.s32 @p1 $0x1;
	p0 =	seq.s32 s7, s2  }
0x1e: {  	s7 =	smul.u32 @!p0 $0xF7A, s2;
	p2 =	seq.s32 @!p0 s5, $0x0  }
0x1f: {  	s9 =	smul.u32 $0xF7A, s1;
	s8 =	simm.s32 @!p0 $0x1BF5;
	p2 =	por !p2, p0  }
0x20: {  	[sflag:s8] =	ssyncset.s32 @!p0 $0xFFFFF086;
	s6 =	sadd.s32 @!p0 s3, s7;
	s7 =	simm.s32 @!p0 $0x108  }
0x21: {  	s3 =	sadd.s32 s3, s9;
	s6 =	sadd.s32 @!p0 $0x88, s6;
	s7 =	simm.s32 @p2 $0x1082  }
0x22: {  	[simem:s7], [sflag:s8] =	dma.local @!p0 [hbm:s6], $0xF7A  }
0x23: {  	s9 =	sor.u32 $0xD0000000, s2;
	s6 =	simm.s32 $0x108;
	_ =	swait.ge @!p0 [sflag:s8], $0x0  }
0x24: {  	s3 =	sadd.s32 $0x88, s3;
	s6 =	simm.s32 @!p1 $0x1082;
	[sflag:s4] =	ssyncset.s32 $0xFFFFF086  }
0x25: {  	[simem:s6], [sflag:s4] =	dma.local [hbm:s3], $0xF7A  }
0x26: {  	[smem:$0x3F98] =	sst s1;
	(tag) =	ssettag s2;
	_ =	strace s9  }
0x27: {  	s1 =	sld [smem:$0x3FA8]  }
0x28: {  	s2 =	sld [smem:$0x3FA9]  }
0x29: {  	s4 =	sld [smem:$0x3FAB]  }
0x2a: {  	p0 =	seq.s32 s5, $0x0;
	s5 =	sld [smem:$0x3FAC]  }
0x2b: {  	s6 =	sld [smem:$0x3FAD]  }
0x2c: {  	s7 =	sld [smem:$0x3FAE]  }
0x2d: {  	s3 =	simm.s32 $0x108;
	s8 =	sld [smem:$0x3FAF]  }
0x2e: {  	s3 =	simm.s32 @!p0 $0x1082;
	s9 =	sld [smem:$0x3FB0]  }
0x2f: {  	lr =	sadd.s32 s0, s3;
	s0 =	sld [smem:$0x3FA7]  }
0x30: {  	s3 =	sld [smem:$0x3FAA]  }
0x31: {  	[smem:$0x3FB3] =	sst s10  }
0x32: {  	s10 =	sld [smem:$0x3FB1];
	_ =	sdelay $0x3  }
0x33: {  	p0 =	seq.s32 s10, $0x1;
	s10 =	sld [smem:$0x3FB3];
	_ =	sdelay $0x3  }
0x34: {  	[smem:$0x3FB3] =	sst s10  }
0x35: {  	s10 =	sld [smem:$0x3FB2];
	_ =	sdelay $0x3  }
0x36: {  	p1 =	seq.s32 s10, $0x1;
	s10 =	sld [smem:$0x3FB3];
	_ =	sdelay $0x3  }
0x37: {  	[smem:$0x3FB3] =	sst s10  }
0x38: {  	s10 =	sld [smem:$0x3FB4]  }
0x39: {  	_ = 	snop;
	(pc) =	sbr.ind lr, $3  }
0x3a: {  	_ = 	snop  }
0x3b: {  	_ = 	snop  }
0x3c: {  	p2 =	seq.s32 s10, $0x1;
	s10 =	sld [smem:$0x3FB3]  }
0x3d: {  	_ =	shalt  }
0x3e: {  	_ =	shalt  }
0x3f: {  	_ =	shalt  }
0x40: {  	_ =	shalt  }
0x41: {  	_ =	shalt  }
0x42: {  	_ =	shalt  }
0x43: {  	_ =	shalt  }
0x44: {  	_ =	shalt  }
0x45: {  	_ =	shalt  }
0x46: {  	_ =	shalt  }
0x47: {  	_ =	shalt  }
0x48: {  	_ =	shalt  }
0x49: {  	_ =	shalt  }
0x4a: {  	_ =	shalt  }
0x4b: {  	_ =	shalt  }
0x4c: {  	_ =	shalt  }
0x4d: {  	_ =	shalt  }
0x4e: {  	_ =	shalt  }
0x4f: {  	_ =	shalt  }
0x50: {  	_ =	shalt  }
0x51: {  	_ =	shalt  }
0x52: {  	_ =	shalt  }
0x53: {  	_ =	shalt  }
0x54: {  	_ =	shalt  }
0x55: {  	_ =	shalt  }
0x56: {  	_ =	shalt  }
0x57: {  	_ =	shalt  }
0x58: {  	_ =	shalt  }
0x59: {  	_ =	shalt  }
0x5a: {  	_ =	shalt  }
0x5b: {  	_ =	shalt  }
0x5c: {  	_ =	shalt  }
0x5d: {  	_ =	shalt  }
0x5e: {  	_ =	shalt  }
0x5f: {  	_ =	shalt  }
0x60: {  	_ =	shalt  }
0x61: {  	_ =	shalt  }
0x62: {  	_ =	shalt  }
0x63: {  	_ =	shalt  }
0x64: {  	_ =	shalt  }
0x65: {  	_ =	shalt  }
0x66: {  	_ =	shalt  }
0x67: {  	_ =	shalt  }
0x68: {  	_ =	shalt  }
0x69: {  	_ =	shalt  }
0x6a: {  	_ =	shalt  }
0x6b: {  	_ =	shalt  }
0x6c: {  	_ =	shalt  }
0x6d: {  	_ =	shalt  }
0x6e: {  	_ =	shalt  }
0x6f: {  	_ =	shalt  }
0x70: {  	_ =	shalt  }
0x71: {  	_ =	shalt  }
0x72: {  	_ =	shalt  }
0x73: {  	_ =	shalt  }
0x74: {  	_ =	shalt  }
0x75: {  	_ =	shalt  }
0x76: {  	_ =	shalt  }
0x77: {  	_ =	shalt  }
0x78: {  	_ =	shalt  }
0x79: {  	_ =	shalt  }
0x7a: {  	_ =	shalt  }
0x7b: {  	_ =	shalt  }
0x7c: {  	_ =	shalt  }
0x7d: {  	_ =	shalt  }
0x7e: {  	_ =	shalt  }
0x7f: {  	_ =	shalt  }
0x80: {  	_ =	shalt  }
0x81: {  	_ =	shalt  }
0x82: {  	_ =	shalt  }
0x83: {  	_ =	shalt  }
0x84: {  	_ =	shalt  }
0x85: {  	_ =	shalt  }
0x86: {  	_ =	shalt  }
0x87: {  	_ =	shalt  }
.Lfunc_end0:
.L_simem_size_0:
called_computation_lowered:
.L_overlay_start_0:
0x88: {  	s2 =	sld [smem:$0x3FD9]  }
0x89: {  	s3 =	sld [smem:$0x3FFE];
	_ =	sdelay $0x1  }
0x8a: {  	s1 =	srdreg.scid  }
0x8b: {  	s0 =	sand.u32 $0x1, s1  }
0x8c: {  	s17 =	sshll.u32 s0, $0xA;
	s2 =	sadd.s32 s3, s2  }
0x8d: {  	s2 =	sadd.s32 s2, s17  }
0x8e: {  	[smem:$0x3FBF] =	sst s2  }
0x8f: {  	_ = 	snop  }
0x90: {  	s18 =	sld [smem:$0x3FD0];
	(tm) =	ssettm $0x1  }
0x91: {  	s19 =	sld [smem:$0x3FFB];
	_ =	sdelay $0x3  }
0x92: {  	_ =	strace s19  }
0x93: {  	s2 =	sld [smem:$0x3FFC];
	_ =	sdelay $0x3  }
0x94: {  	_ =	strace s2  }
0x95: {  	s2 =	sld [smem:$0x3FFD];
	_ =	sdelay $0x3  }
0x96: {  	_ =	strace s2  }
0x97: {  	_ =	strace $0x8FFFFFFF  }
0x98: {  	s20 =	sld [smem:$0x3FDB];
	_ =	sdelay $0x1  }
0x99: {  	s4 =	simm.s32 $_scs_section_size  }
0x9a: {  	s5 =	simm.s32 $_size__tile_overlayer_lowered;
	s6 =	simm.s32 $_tile_overlayer_lowered  }
0x9b: {  	s7 =	simm.s32 $0x1BFF;
	s21 =	sshll.u32 s6, $0x1;
	s4 =	sadd.s32 s4, s20  }
0x9c: {  	s22 =	simm.s32 $0x0;
	s5 =	sshll.u32 s5, $0x1;
	s6 =	sadd.s32 s21, s4  }
0x9d: {  	[timem:s22], [sflag:s7] =	dma.local [hbm:s6], s5  }
0x9e: {  	_ =	swait.ge [sflag:s7], s5  }
0x9f: {  	s5 =	ssub.s32 $0x0, s5;
	[sflag:s7] =	ssyncset.done $0x0  }
0xa0: {  	[sflag:s7] =	ssyncadd.s32 s5;
	_ =	sdelay $0x1  }
0xa1: {  	s23 =	simm.s32 $0x1B8B  }
0xa2: {  	_ =	swait.ge [sflag:s23], $0x1  }
0xa3: {  	[sflag:s23] =	ssyncset.done $0x0  }
0xa4: {  	[sflag:s23] =	ssyncadd.s32 $0xFFFFFFFF  }
0xa5: {  	s5 =	sld [smem:$0x0]  }
0xa6: {  	s6 =	sand.u32 $0xFFFFFFFE, s1  }
0xa7: {  	p0 =	sne.s32 s1, s6  }
0xa8: {  	s6 =	sshll.u32 @p0 s6, $0xE  }
0xa9: {  	s6 =	sadd.s32 @p0 $0x11B8D, s6;
	s7 =	sshll.u32 @p0 s5, $0x11  }
0xaa: {  	s6 =	sor.u32 @p0 s7, s6  }
0xab: {  	[sflag:s6] =	ssyncadd.remote.s32 @p0 $0x1;
	_ =	sdelay $0x1  }
0xac: {  	s6 =	simm.s32 @p0 $0x1B8D  }
0xad: {  	_ =	swait.eq @p0 [sflag:s6], $0x1  }
0xae: {  	[sflag:s6] =	ssyncadd.s32 @p0 $0xFFFFFFFF  }
0xaf: {  	s7 =	sshll.u32 @!p0 s1, $0xE  }
0xb0: {  	s7 =	sor.u32 @!p0 $0x4000, s7;
	s6 =	simm.s32 @!p0 $0x1B8D  }
0xb1: {  	s5 =	sshll.u32 @!p0 s5, $0x11;
	s7 =	sadd.s32 @!p0 $0x11B8D, s7;
	_ =	swait.eq @!p0 [sflag:s6], $0x1  }
0xb2: {  	s5 =	sor.u32 @!p0 s5, s7;
	[sflag:s6] =	ssyncadd.s32 @!p0 $0xFFFFFFFF  }
0xb3: {  	s25 =	simm.s32 $0x1B8E;
	s24 =	sld [smem:$0x3FFE];
	[sflag:s5] =	ssyncadd.remote.s32 @!p0 $0x1  }
0xb4: {  	s26 =	simm.s32 $execute0_lowered;
	[smem:$0x3FD2] =	sst s25  }
0xb5: {  	s6 =	sshll.u32 s26, $0x1;
	_ =	strace $0x80000049;
	[dreg:$0x1] =	wrdreg $0xFFFFFFFF  }
0xb6: {  	s28 =	simm.s32 $_size_execute0_lowered;
	s4 =	sadd.s32 s4, s6;
	[dreg:$0x0] =	wrdreg $0x0  }
0xb7: {  	s6 =	sshll.u32 s28, $0x1;
	[dreg:$0x2] =	wrdreg s4  }
0xb8: {  	[dreg:$0x3] =	wrdreg s6  }
0xb9: {  	[dreg:$0x4] =	wrdreg $0xC0  }
0xba: {  	_ =	task [dreg:s22], $0x5FFFF  }
0xbb: {  	[dreg:$0x1] =	wrdreg $0xFFFFFFFF  }
0xbc: {  	[dreg:$0x0] =	wrdreg $0x60  }
0xbd: {  	[dreg:$0x2] =	wrdreg s24  }
0xbe: {  	[dreg:$0x3] =	wrdreg s18  }
0xbf: {  	[dreg:$0x4] =	wrdreg $0x0  }
0xc0: {  	[dreg:$0x5] =	wrdreg $0x9  }
0xc1: {  	_ =	task.clear_ibuf [dreg:s22], $0x6FFFF;
	_ =	strace $0x90000049  }
0xc2: {  	s29 =	simm.s32 $0x9;
	_ =	strace $0x8000004B  }
0xc3: {  	_ =	swait.ge [sflag:s29], $0x1  }
0xc4: {  	[sflag:s29] =	ssyncadd.s32 $0xFFFFFFFF  }
0xc5: {  	_ =	strace $0x9000004B  }
0xc6: {  	_ =	sfence  }
0xc7: {  	s30 =	sld [smem:$0x0];
	_ =	sdelay $0x2  }
0xc8: {  	s31 =	sshll.u32 s1, $0xD;
	s1 =	sshrl.u32 s1, $0x2  }
0xc9: {  	s4 =	sand.u32 $0x4000, s31;
	s1 =	sadd.s32 s1, s30  }
0xca: {  	s0 =	sor.u32 s4, s0;
	s1 =	sshll.u32 s1, $0x11  }
0xcb: {  	s0 =	sor.u32 s1, s0  }
0xcc: {  	s0 =	sadd.s32 $0x8F2B, s0  }
0xcd: {  	[sflag:s0] =	ssyncadd.remote.s32 $0x1  }
0xce: {  	_ =	sfence.sel $0xFFFF  }
0xcf: {  	[dreg:$0x0] =	wrdreg $0xFFFFFFFF;
	(pc) =	sbr.abs _section_cstart, $3  }
0xd0: {  	[dreg:$0x1] =	wrdreg $0xFFFFFFFF  }
0xd1: {  	_ =	task.clear_ibuf [dreg:s22], $0x2FFFF;
	_ =	strace $0x9FFFFFFF  }
0xd2: {  	(tm) =	ssettm $0x7FFFFFFF  }
0xd3: {  	_ =	shalt  }
tec
execute0_lowered:
.L_overlay_start_1:
0x0: {  	(tag) =	ssettag $0x1  }
0x1: {  	s1 =	srdreg.scid;
	s5 =	rddreg [dreg:$0x0]  }
0x2: {  	s0 =	stileid.u32;
	s4 =	rddreg [dreg:$0x1];
	s8 =	simm.s32 $0x180  }
0x3: {  	s28 =	simm.s32 $0x10680;
	s29 =	simm.s32 $0x10700;
	s1 =	sand.u32 $0x1, s1  }
0x4: {  	s30 =	simm.s32 $0x10780;
	s3 =	sshrl.u32 s0, $0x1;
	s2 =	sshll.u32 s1, $0x3  }
0x5: {  	s31 =	simm.s32 $0x10800;
	s25 =	sand.u32 $0x1, s0;
	s6 =	sor.u32 s3, s2  }
0x6: {  	s26 =	sshll.u32 s0, $0x6;
	p0 =	seq.s32 s25, $0x1;
	s7 =	smul.u32 $0x300, s6  }
0x7: {  	s9 =	sshll.u32 s0, $0xC;
	s10 =	sor.u32 $0x1C05, s26;
	s8 =	simm.s32 @!p0 $0x0  }
0x8: {  	s2 =	rddreg [dreg:$0x2];
	s3 =	simm.s32 $0x0;
	s7 =	sadd.s32 s8, s7  }
0x9: {  	[smem:$0x7FF] =	sst s3;
	s6 =	sshll.u32 s6, $0xA;
	s7 =	sshrl.u32 s7, $0x3  }
0xa: {  	_ =	strace $0x8000004A;
	s7 =	sadd.s32 s7, s5;
	s5 =	sadd.s32 s9, s5  }
0xb: {  	s6 =	sor.u32 s6, s8;
	[dreg:$0x5] =	wrdreg s10;
	s5 =	sadd.s32 $0x123800, s5  }
0xc: {  	s6 =	sadd.s32 $0x100, s6;
	s11 =	sadd.s32 $0x122600, s7;
	[dreg:$0x4] =	wrdreg s5  }
0xd: {  	s6 =	sshrl.u32 s6, $0x3;
	s12 =	sadd.s32 $0x122000, s7;
	[dreg:$0x6] =	wrdreg s11  }
0xe: {  	s6 =	smul.u32 $0x300, s6;
	s13 =	sadd.s32 $0x123200, s7;
	[dreg:$0x7] =	wrdreg s12  }
0xf: {  	s18 =	sadd.s32 $0x80, s4;
	s14 =	sadd.s32 $0x122C00, s7;
	[dreg:$0x8] =	wrdreg s13  }
0x10: {  	s22 =	sadd.s32 $0x100, s4;
	[dreg:$0x9] =	wrdreg s14;
	s15 =	sadd.s32 s4, s6  }
0x11: {  	s26 =	sadd.s32 $0x180, s4;
	s19 =	sadd.s32 s6, s18;
	[dreg:$0xa] =	wrdreg s15  }
0x12: {  	s1 =	ssub.s32 $0x2, s1;
	s23 =	sadd.s32 s6, s22;
	[dreg:$0xd] =	wrdreg s19  }
0x13: {  	s7 =	sadd.s32 $0x3000, s6;
	s10 =	sadd.s32 s6, s26;
	[dreg:$0x10] =	wrdreg s23  }
0x14: {  	s8 =	sadd.s32 $0x6000, s6;
	s16 =	sadd.s32 s4, s7;
	[dreg:$0x13] =	wrdreg s10  }
0x15: {  	s9 =	simm.s32 $0x4;
	s17 =	sadd.s32 s4, s8;
	[dreg:$0xb] =	wrdreg s16  }
0x16: {  	s13 =	sadd.s32 $0x200, s4;
	s20 =	sadd.s32 s7, s18;
	[dreg:$0xc] =	wrdreg s17  }
0x17: {  	s5 =	simm.s32 $0x5;
	s21 =	sadd.s32 s8, s18;
	[dreg:$0xe] =	wrdreg s20  }
0x18: {  	s24 =	sadd.s32 s7, s22;
	s25 =	sadd.s32 s8, s22;
	[dreg:$0xf] =	wrdreg s21  }
0x19: {  	s11 =	sadd.s32 s7, s26;
	s12 =	sadd.s32 s8, s26;
	[dreg:$0x11] =	wrdreg s24  }
0x1a: {  	s14 =	sadd.s32 s6, s13;
	s15 =	sadd.s32 s7, s13;
	[dreg:$0x12] =	wrdreg s25  }
0x1b: {  	s4 =	sadd.s32 $0x280, s4;
	s18 =	sshll.u32 s0, $0xF;
	[dreg:$0x14] =	wrdreg s11  }
0x1c: {  	s22 =	sshrl.u32 s1, $0x1;
	s23 =	simm.s32 $0x10A80;
	[dreg:$0x15] =	wrdreg s12  }
0x1d: {  	s26 =	simm.s32 $0x10000;
	s10 =	simm.s32 $0x80;
	[dreg:$0x16] =	wrdreg s14  }
0x1e: {  	[dreg:$0x17] =	wrdreg s15;
	s16 =	sadd.s32 s8, s13;
	s17 =	sadd.s32 s6, s4  }
0x1f: {  	s19 =	sadd.s32 s7, s4;
	s6 =	sadd.s32 s18, s2;
	s4 =	sadd.s32 s8, s4  }
0x20: {  	s21 =	simm.s32 $0x10900;
	s1 =	ssub.s32 s1, s22;
	[dreg:$0x1e] =	wrdreg s23  }
0x21: {  	s24 =	simm.s32 $0x10C00;
	s25 =	simm.s32 $0x10D80;
	[smem:$0x7FD] =	sst s26  }
0x22: {  	s7 =	simm.s32 $0x2;
	s8 =	simm.s32 $0x3;
	[dreg:$0x18] =	wrdreg s16  }
0x23: {  	s11 =	simm.s32 $0x8000;
	s12 =	simm.s32 $0x400;
	[dreg:$0x19] =	wrdreg s17  }
0x24: {  	s13 =	simm.s32 $0x1800;
	s15 =	simm.s32 $0xC000;
	[dreg:$0x1a] =	wrdreg s19  }
0x25: {  	s18 =	simm.s32 $0x10200;
	s22 =	simm.s32 $0x10400;
	[dreg:$0x1b] =	wrdreg s4  }
0x26: {  	s23 =	simm.s32 $0x10480;
	s26 =	simm.s32 $0x10600;
	[dreg:$0x1d] =	wrdreg s21  }
0x27: {  	s20 =	sshrl.u32 s6, $0x3;
	s4 =	smax.u32 s1, $0x1;
	[dreg:$0x1f] =	wrdreg s24  }
0x28: {  	[smem:$0x7FC] =	sst s25;
	s6 =	simm.s32 $0x1;
	s19 =	simm.s32 $0x10280  }
0x29: {  	s21 =	simm.s32 $0x10380;
	s24 =	simm.s32 $0x10500;
	s25 =	simm.s32 $0x10580  }
0x2a: {  	s1 =	simm.s32 $0x10880;
	[dreg:$0x1c] =	wrdreg s20;
	s20 =	simm.s32 $0x10300  }
.LBB2_1:
0x2b: {  	s0 =	rddreg [dreg:$0x4]  }
0x2c: {  	s14 =	rddreg [dreg:$0x5]  }
0x2d: {  	s16 =	rddreg [dreg:$0x1c]  }
0x2e: {  	[spmem:s16], [sflag:s14] =	dma.local [hbm:s0], $0x1000  }
0x2f: {  	_ =	swait.ge [sflag:s5], $0x1000  }
0x30: {  	s0 =	rddreg [dreg:$0x6]  }
0x31: {  	s14 =	rddreg [dreg:$0x1d]  }
0x32: {  	[sflag:s5] =	ssyncset.done $0x0;
	s16 =	rddreg [dreg:$0x7]  }
0x33: {  	s17 =	rddreg [dreg:$0x1e];
	[sflag:s5] =	ssyncadd.s32 $0xFFFFF000  }
0x34: {  	[tilespmem:s14], [sflag:$0x1] =	stream.linear.gather [hbm4b:s0+s3], $0x180, $0x38;
	[tilespmem:$0x10F00] =	vst v63  }
0x35: {  	s0 =	rddreg [dreg:$0x8]  }
0x36: {  	s14 =	rddreg [dreg:$0x1f]  }
0x37: {  	[tilespmem:s17], [sflag:$0x2] =	stream.linear.gather [hbm4b:s16+s3], $0x180, $0x38;
	[tilespmem:$0x10F00] =	vst v63  }
0x38: {  	s17 =	sld [smem:$0x7FC]  }
0x39: {  	[tilespmem:s14], [sflag:$0x3] =	stream.linear.gather [hbm4b:s0+s3], $0x180, $0x38;
	[tilespmem:$0x10F00] =	vst v63  }
0x3a: {  	s16 =	rddreg [dreg:$0x9]  }
0x3b: {  	[tilespmem:s17], [sflag:$0x4] =	stream.linear.gather [hbm4b:s16+s3], $0x180, $0x38;
	[tilespmem:$0x10F00] =	vst v63  }
0x3c: {  	_ =	swait.ge [sflag:s6], $0x180  }
0x3d: {  	[sflag:s6] =	ssyncset.done $0x0  }
0x3e: {  	[sflag:s6] =	ssyncadd.s32 $0xFFFFFE80  }
0x3f: {  	_ =	swait.ge [sflag:s7], $0x180  }
0x40: {  	[sflag:s7] =	ssyncset.done $0x0  }
0x41: {  	[sflag:s7] =	ssyncadd.s32 $0xFFFFFE80  }
0x42: {  	_ =	swait.ge [sflag:s8], $0x180  }
0x43: {  	[sflag:s8] =	ssyncset.done $0x0  }
0x44: {  	[sflag:s8] =	ssyncadd.s32 $0xFFFFFE80  }
0x45: {  	_ =	swait.ge [sflag:s9], $0x180  }
0x46: {  	[sflag:s9] =	ssyncset.done $0x0  }
0x47: {  	[sflag:s9] =	ssyncadd.s32 $0xFFFFFE80  }
0x48: {  	v0 =	vld [tilespmem:$0x10900]  }
0x49: {  	v1 =	vld [tilespmem:$0x10A80]  }
0x4a: {  	v4 =	vld [tilespmem:$0x10910]  }
0x4b: {  	v19 =	vld [tilespmem:$0x10920]  }
0x4c: {  	v26 =	vld [tilespmem:$0x10930]  }
0x4d: {  	v33 =	vld [tilespmem:$0x10940]  }
0x4e: {  	v40 =	vld [tilespmem:$0x10950];
	[tilespmem:$0x10000] =	vst v0  }
0x4f: {  	v47 =	vld [tilespmem:$0x10960];
	[tilespmem:$0x10010] =	vst v4  }
0x50: {  	v54 =	vld [tilespmem:$0x10970];
	[tilespmem:$0x10020] =	vst v19  }
0x51: {  	v61 =	vld [tilespmem:$0x10980];
	[tilespmem:$0x10030] =	vst v26  }
0x52: {  	v12 =	vld [tilespmem:$0x10990];
	[tilespmem:$0x10040] =	vst v33  }
0x53: {  	v2 =	vld [tilespmem:$0x10C00];
	[tilespmem:$0x10050] =	vst v40  }
0x54: {  	v3 =	vld [tilespmem:$0x10D80];
	[tilespmem:$0x10060] =	vst v47  }
0x55: {  	[tilespmem:$0x10070] =	vst v54  }
0x56: {  	v5 =	vld [tilespmem:$0x10A90];
	[tilespmem:$0x10080] =	vst v61  }
0x57: {  	v14 =	vld [tilespmem:$0x10C10];
	v1 =	vadd.s32 $0x400, v1;
	[tilespmem:$0x10090] =	vst v12  }
0x58: {  	v16 =	vld [tilespmem:$0x10D90];
	v0 =	vadd.s32 v0, v2;
	[tilespmem:$0x10180] =	vst v1  }
0x59: {  	v15 =	vadd.s32 $0x800, v3;
	[tilespmem:$0x10300] =	vst v0  }
0x5a: {  	v20 =	vld [tilespmem:$0x10AA0];
	v17 =	vadd.s32 $0xC00, v2;
	[tilespmem:$0x10600] =	vst v15  }
0x5b: {  	v21 =	vld [tilespmem:$0x10C20];
	v18 =	vadd.s32 $0x400, v5;
	[tilespmem:$0x10780] =	vst v17  }
0x5c: {  	v23 =	vld [tilespmem:$0x10DA0];
	v4 =	vadd.s32 v4, v14;
	[tilespmem:$0x10190] =	vst v18  }
0x5d: {  	v22 =	vadd.s32 $0x800, v16;
	[tilespmem:$0x10310] =	vst v4  }
0x5e: {  	v27 =	vld [tilespmem:$0x10AB0];
	v24 =	vadd.s32 $0xC00, v14;
	[tilespmem:$0x10610] =	vst v22  }
0x5f: {  	v30 =	vld [tilespmem:$0x10DB0];
	v25 =	vadd.s32 $0x400, v20;
	[tilespmem:$0x10790] =	vst v24  }
0x60: {  	v28 =	vld [tilespmem:$0x10C30];
	v2 =	vadd.s32 v19, v21;
	[tilespmem:$0x101A0] =	vst v25  }
0x61: {  	v34 =	vld [tilespmem:$0x10AC0];
	v29 =	vadd.s32 $0x800, v23;
	[tilespmem:$0x10320] =	vst v2  }
0x62: {  	v37 =	vld [tilespmem:$0x10DC0];
	v31 =	vadd.s32 $0xC00, v21;
	[tilespmem:$0x10620] =	vst v29  }
0x63: {  	v35 =	vld [tilespmem:$0x10C40];
	v32 =	vadd.s32 $0x400, v27;
	[tilespmem:$0x107A0] =	vst v31  }
0x64: {  	v41 =	vld [tilespmem:$0x10AD0];
	v36 =	vadd.s32 $0x800, v30;
	[tilespmem:$0x101B0] =	vst v32  }
0x65: {  	v44 =	vld [tilespmem:$0x10DD0];
	v38 =	vadd.s32 $0xC00, v28;
	[tilespmem:$0x10630] =	vst v36  }
0x66: {  	v42 =	vld [tilespmem:$0x10C50];
	v39 =	vadd.s32 $0x400, v34;
	[tilespmem:$0x107B0] =	vst v38  }
0x67: {  	v48 =	vld [tilespmem:$0x10AE0];
	v43 =	vadd.s32 $0x800, v37;
	[tilespmem:$0x101C0] =	vst v39  }
0x68: {  	v51 =	vld [tilespmem:$0x10DE0];
	v45 =	vadd.s32 $0xC00, v35;
	[tilespmem:$0x10640] =	vst v43  }
0x69: {  	v49 =	vld [tilespmem:$0x10C60];
	v46 =	vadd.s32 $0x400, v41;
	[tilespmem:$0x107C0] =	vst v45  }
0x6a: {  	v55 =	vld [tilespmem:$0x10AF0];
	v50 =	vadd.s32 $0x800, v44;
	[tilespmem:$0x101D0] =	vst v46  }
0x6b: {  	v58 =	vld [tilespmem:$0x10DF0];
	v52 =	vadd.s32 $0xC00, v42;
	[tilespmem:$0x10650] =	vst v50  }
0x6c: {  	v56 =	vld [tilespmem:$0x10C70];
	v53 =	vadd.s32 $0x400, v48;
	[tilespmem:$0x107D0] =	vst v52  }
0x6d: {  	v62 =	vld [tilespmem:$0x10B00];
	v57 =	vadd.s32 $0x800, v51;
	[tilespmem:$0x101E0] =	vst v53  }
0x6e: {  	v59 =	vadd.s32 $0xC00, v49;
	[tilespmem:$0x10660] =	vst v57  }
0x6f: {  	v60 =	vadd.s32 $0x400, v55;
	[tilespmem:$0x107E0] =	vst v59  }
0x70: {  	v8 =	vadd.s32 $0x800, v58;
	[tilespmem:$0x101F0] =	vst v60  }
0x71: {  	v10 =	vadd.s32 $0xC00, v56;
	[tilespmem:$0x10670] =	vst v8  }
0x72: {  	v11 =	vadd.s32 $0x400, v62;
	[tilespmem:$0x107F0] =	vst v10  }
0x73: {  	v9 =	vld [tilespmem:$0x10E00];
	v13 =	vadd.s32 v3, v1;
	[tilespmem:$0x10200] =	vst v11  }
0x74: {  	v63 =	vld [tilespmem:$0x10C80];
	v0 =	vadd.s32 v16, v18;
	[tilespmem:$0x10480] =	vst v13  }
0x75: {  	v1 =	vadd.s32 v26, v28;
	[tilespmem:$0x10490] =	vst v0  }
0x76: {  	v4 =	vadd.s32 v33, v35;
	[tilespmem:$0x10330] =	vst v1  }
0x77: {  	v2 =	vadd.s32 v40, v42;
	[tilespmem:$0x10340] =	vst v4  }
0x78: {  	v15 =	vadd.s32 $0x800, v9;
	[tilespmem:$0x10350] =	vst v2  }
0x79: {  	v17 =	vadd.s32 $0xC00, v63;
	[tilespmem:$0x10680] =	vst v15  }
0x7a: {  	v0 =	vadd.s32 v23, v25;
	[tilespmem:$0x10800] =	vst v17  }
0x7b: {  	v1 =	vadd.s32 v47, v49;
	[tilespmem:$0x104A0] =	vst v0  }
0x7c: {  	v19 =	vld [tilespmem:$0x109A0];
	v4 =	vadd.s32 v54, v56;
	[tilespmem:$0x10360] =	vst v1  }
0x7d: {  	v14 =	vld [tilespmem:$0x10C90];
	v2 =	vadd.s32 v61, v63;
	[tilespmem:$0x10370] =	vst v4  }
0x7e: {  	v0 =	vadd.s32 v30, v32;
	[tilespmem:$0x10380] =	vst v2  }
0x7f: {  	v20 =	vld [tilespmem:$0x10B20];
	[tilespmem:$0x104B0] =	vst v0;
	v0 =	vadd.s32 v37, v39  }
0x80: {  	v21 =	vld [tilespmem:$0x10CA0];
	[tilespmem:$0x104C0] =	vst v0  }
0x81: {  	v0 =	vadd.s32 v44, v46;
	[tilespmem:$0x100A0] =	vst v19  }
0x82: {  	v27 =	vld [tilespmem:$0x10B30];
	v1 =	vadd.s32 v12, v14;
	[tilespmem:$0x104D0] =	vst v0  }
0x83: {  	v26 =	vld [tilespmem:$0x109B0];
	v24 =	vadd.s32 $0xC00, v14;
	[tilespmem:$0x10390] =	vst v1  }
0x84: {  	v34 =	vld [tilespmem:$0x10B40];
	v25 =	vadd.s32 $0x400, v20;
	[tilespmem:$0x10810] =	vst v24  }
0x85: {  	v33 =	vld [tilespmem:$0x109C0];
	v4 =	vadd.s32 v19, v21;
	[tilespmem:$0x10220] =	vst v25  }
0x86: {  	v41 =	vld [tilespmem:$0x10B50];
	v31 =	vadd.s32 $0xC00, v21;
	[tilespmem:$0x103A0] =	vst v4  }
0x87: {  	v40 =	vld [tilespmem:$0x109D0];
	[tilespmem:$0x10820] =	vst v31  }
0x88: {  	v32 =	vadd.s32 $0x400, v27;
	[tilespmem:$0x100B0] =	vst v26  }
0x89: {  	v16 =	vld [tilespmem:$0x10E10];
	[tilespmem:$0x10230] =	vst v32  }
0x8a: {  	v28 =	vld [tilespmem:$0x10CB0];
	v39 =	vadd.s32 $0x400, v34;
	[tilespmem:$0x100C0] =	vst v33  }
0x8b: {  	[tilespmem:$0x10240] =	vst v39  }
0x8c: {  	v35 =	vld [tilespmem:$0x10CC0];
	v46 =	vadd.s32 $0x400, v41;
	[tilespmem:$0x100D0] =	vst v40  }
0x8d: {  	v0 =	vadd.s32 v51, v53;
	[tilespmem:$0x10250] =	vst v46  }
0x8e: {  	v42 =	vld [tilespmem:$0x10CD0];
	v22 =	vadd.s32 $0x800, v16;
	[tilespmem:$0x104E0] =	vst v0  }
0x8f: {  	v2 =	vadd.s32 v26, v28;
	[tilespmem:$0x10690] =	vst v22  }
0x90: {  	v48 =	vld [tilespmem:$0x10B60];
	v38 =	vadd.s32 $0xC00, v28;
	[tilespmem:$0x103B0] =	vst v2  }
0x91: {  	v47 =	vld [tilespmem:$0x109E0];
	v1 =	vadd.s32 v33, v35;
	[tilespmem:$0x10830] =	vst v38  }
0x92: {  	v45 =	vadd.s32 $0xC00, v35;
	[tilespmem:$0x103C0] =	vst v1  }
0x93: {  	v54 =	vld [tilespmem:$0x109F0];
	v4 =	vadd.s32 v40, v42;
	[tilespmem:$0x10840] =	vst v45  }
0x94: {  	v61 =	vld [tilespmem:$0x10A00];
	v52 =	vadd.s32 $0xC00, v42;
	[tilespmem:$0x103D0] =	vst v4  }
0x95: {  	v13 =	vld [tilespmem:$0x10B10];
	[tilespmem:$0x10850] =	vst v52  }
0x96: {  	v23 =	vld [tilespmem:$0x10E20];
	v53 =	vadd.s32 $0x400, v48;
	[tilespmem:$0x100E0] =	vst v47  }
0x97: {  	v49 =	vld [tilespmem:$0x10CE0];
	[tilespmem:$0x10260] =	vst v53  }
0x98: {  	[tilespmem:$0x100F0] =	vst v54  }
0x99: {  	v55 =	vld [tilespmem:$0x10B70];
	v0 =	vadd.s32 v58, v60;
	[tilespmem:$0x10100] =	vst v61  }
0x9a: {  	v56 =	vld [tilespmem:$0x10CF0];
	v18 =	vadd.s32 $0x400, v13;
	[tilespmem:$0x104F0] =	vst v0  }
0x9b: {  	v29 =	vadd.s32 $0x800, v23;
	[tilespmem:$0x10210] =	vst v18  }
0x9c: {  	v63 =	vld [tilespmem:$0x10D00];
	v2 =	vadd.s32 v47, v49;
	[tilespmem:$0x106A0] =	vst v29  }
0x9d: {  	v59 =	vadd.s32 $0xC00, v49;
	[tilespmem:$0x103E0] =	vst v2  }
0x9e: {  	v60 =	vadd.s32 $0x400, v55;
	[tilespmem:$0x10860] =	vst v59  }
0x9f: {  	v30 =	vld [tilespmem:$0x10E30];
	v1 =	vadd.s32 v54, v56;
	[tilespmem:$0x10270] =	vst v60  }
0xa0: {  	v62 =	vld [tilespmem:$0x10B80];
	v10 =	vadd.s32 $0xC00, v56;
	[tilespmem:$0x103F0] =	vst v1  }
0xa1: {  	v4 =	vadd.s32 v61, v63;
	[tilespmem:$0x10870] =	vst v10  }
0xa2: {  	v37 =	vld [tilespmem:$0x10E40];
	v17 =	vadd.s32 $0xC00, v63;
	[tilespmem:$0x10400] =	vst v4  }
0xa3: {  	v0 =	vadd.s32 v9, v11;
	[tilespmem:$0x10880] =	vst v17  }
0xa4: {  	v12 =	vld [tilespmem:$0x10A10];
	v36 =	vadd.s32 $0x800, v30;
	[tilespmem:$0x10500] =	vst v0  }
0xa5: {  	v19 =	vld [tilespmem:$0x10A20];
	v11 =	vadd.s32 $0x400, v62;
	[tilespmem:$0x106B0] =	vst v36  }
0xa6: {  	v44 =	vld [tilespmem:$0x10E50];
	v0 =	vadd.s32 v16, v18;
	[tilespmem:$0x10280] =	vst v11  }
0xa7: {  	v14 =	vld [tilespmem:$0x10D10];
	v43 =	vadd.s32 $0x800, v37;
	[tilespmem:$0x10510] =	vst v0  }
0xa8: {  	[tilespmem:$0x106C0] =	vst v43  }
0xa9: {  	v20 =	vld [tilespmem:$0x10BA0];
	[tilespmem:$0x10110] =	vst v12  }
0xaa: {  	v21 =	vld [tilespmem:$0x10D20];
	v0 =	vadd.s32 v23, v25;
	[tilespmem:$0x10120] =	vst v19  }
0xab: {  	v50 =	vadd.s32 $0x800, v44;
	[tilespmem:$0x10520] =	vst v0  }
0xac: {  	v2 =	vadd.s32 v12, v14;
	[tilespmem:$0x106D0] =	vst v50  }
0xad: {  	v26 =	vld [tilespmem:$0x10A30];
	v24 =	vadd.s32 $0xC00, v14;
	[tilespmem:$0x10410] =	vst v2  }
0xae: {  	v33 =	vld [tilespmem:$0x10A40];
	v25 =	vadd.s32 $0x400, v20;
	[tilespmem:$0x10890] =	vst v24  }
0xaf: {  	v40 =	vld [tilespmem:$0x10A50];
	v1 =	vadd.s32 v19, v21;
	[tilespmem:$0x102A0] =	vst v25  }
0xb0: {  	v51 =	vld [tilespmem:$0x10E60];
	v31 =	vadd.s32 $0xC00, v21;
	[tilespmem:$0x10420] =	vst v1  }
0xb1: {  	v27 =	vld [tilespmem:$0x10BB0];
	[tilespmem:$0x108A0] =	vst v31  }
0xb2: {  	v28 =	vld [tilespmem:$0x10D30];
	[tilespmem:$0x10130] =	vst v26  }
0xb3: {  	[tilespmem:$0x10140] =	vst v33  }
0xb4: {  	v35 =	vld [tilespmem:$0x10D40];
	v0 =	vadd.s32 v30, v32;
	[tilespmem:$0x10150] =	vst v40  }
0xb5: {  	v57 =	vadd.s32 $0x800, v51;
	[tilespmem:$0x10530] =	vst v0  }
0xb6: {  	v42 =	vld [tilespmem:$0x10D50];
	v32 =	vadd.s32 $0x400, v27;
	[tilespmem:$0x106E0] =	vst v57  }
0xb7: {  	v4 =	vadd.s32 v26, v28;
	[tilespmem:$0x102B0] =	vst v32  }
0xb8: {  	v38 =	vadd.s32 $0xC00, v28;
	[tilespmem:$0x10430] =	vst v4  }
0xb9: {  	v47 =	vld [tilespmem:$0x10A60];
	v2 =	vadd.s32 v33, v35;
	[tilespmem:$0x108B0] =	vst v38  }
0xba: {  	v54 =	vld [tilespmem:$0x10A70];
	v45 =	vadd.s32 $0xC00, v35;
	[tilespmem:$0x10440] =	vst v2  }
0xbb: {  	v58 =	vld [tilespmem:$0x10E70];
	v1 =	vadd.s32 v40, v42;
	[tilespmem:$0x108C0] =	vst v45  }
0xbc: {  	v13 =	vld [tilespmem:$0x10B90];
	v52 =	vadd.s32 $0xC00, v42;
	[tilespmem:$0x10450] =	vst v1  }
0xbd: {  	v34 =	vld [tilespmem:$0x10BC0];
	[tilespmem:$0x108D0] =	vst v52  }
0xbe: {  	v49 =	vld [tilespmem:$0x10D60];
	[tilespmem:$0x10160] =	vst v47  }
0xbf: {  	v0 =	vadd.s32 v37, v39;
	[tilespmem:$0x10170] =	vst v54  }
0xc0: {  	v56 =	vld [tilespmem:$0x10D70];
	v8 =	vadd.s32 $0x800, v58;
	[tilespmem:$0x10540] =	vst v0  }
0xc1: {  	v18 =	vadd.s32 $0x400, v13;
	[tilespmem:$0x106F0] =	vst v8  }
0xc2: {  	v39 =	vadd.s32 $0x400, v34;
	[tilespmem:$0x10290] =	vst v18  }
0xc3: {  	v9 =	vld [tilespmem:$0x10E80];
	v4 =	vadd.s32 v47, v49;
	[tilespmem:$0x102C0] =	vst v39  }
0xc4: {  	v41 =	vld [tilespmem:$0x10BD0];
	v59 =	vadd.s32 $0xC00, v49;
	[tilespmem:$0x10460] =	vst v4  }
0xc5: {  	v61 =	vadd.s32 v54, v56;
	[tilespmem:$0x108E0] =	vst v59  }
0xc6: {  	v16 =	vld [tilespmem:$0x10E90];
	v63 =	vadd.s32 $0xC00, v56;
	[tilespmem:$0x10470] =	vst v61  }
0xc7: {  	v48 =	vld [tilespmem:$0x10BE0];
	v0 =	vadd.s32 v44, v46;
	[tilespmem:$0x108F0] =	vst v63  }
0xc8: {  	v15 =	vadd.s32 $0x800, v9;
	[tilespmem:$0x10550] =	vst v0  }
0xc9: {  	v23 =	vld [tilespmem:$0x10EA0];
	v46 =	vadd.s32 $0x400, v41;
	[tilespmem:$0x10700] =	vst v15  }
0xca: {  	v55 =	vld [tilespmem:$0x10BF0];
	v0 =	vadd.s32 v51, v53;
	[tilespmem:$0x102D0] =	vst v46  }
0xcb: {  	v22 =	vadd.s32 $0x800, v16;
	[tilespmem:$0x10560] =	vst v0  }
0xcc: {  	v30 =	vld [tilespmem:$0x10EB0];
	v53 =	vadd.s32 $0x400, v48;
	[tilespmem:$0x10710] =	vst v22  }
0xcd: {  	v0 =	vadd.s32 v58, v60;
	[tilespmem:$0x102E0] =	vst v53  }
0xce: {  	v37 =	vld [tilespmem:$0x10EC0];
	v29 =	vadd.s32 $0x800, v23;
	[tilespmem:$0x10570] =	vst v0  }
0xcf: {  	v60 =	vadd.s32 $0x400, v55;
	[tilespmem:$0x10720] =	vst v29  }
0xd0: {  	v44 =	vld [tilespmem:$0x10ED0];
	v0 =	vadd.s32 v9, v11;
	[tilespmem:$0x102F0] =	vst v60  }
0xd1: {  	v36 =	vadd.s32 $0x800, v30;
	[tilespmem:$0x10580] =	vst v0  }
0xd2: {  	v51 =	vld [tilespmem:$0x10EE0];
	v0 =	vadd.s32 v16, v18;
	[tilespmem:$0x10730] =	vst v36  }
0xd3: {  	v43 =	vadd.s32 $0x800, v37;
	[tilespmem:$0x10590] =	vst v0  }
0xd4: {  	v58 =	vld [tilespmem:$0x10EF0];
	v0 =	vadd.s32 v23, v25;
	[tilespmem:$0x10740] =	vst v43  }
0xd5: {  	v50 =	vadd.s32 $0x800, v44;
	[tilespmem:$0x105A0] =	vst v0  }
0xd6: {  	v0 =	vadd.s32 v30, v32;
	[tilespmem:$0x10750] =	vst v50  }
0xd7: {  	v57 =	vadd.s32 $0x800, v51;
	[tilespmem:$0x105B0] =	vst v0  }
0xd8: {  	v0 =	vadd.s32 v37, v39;
	[tilespmem:$0x10760] =	vst v57  }
0xd9: {  	v62 =	vadd.s32 $0x800, v58;
	[tilespmem:$0x105C0] =	vst v0  }
0xda: {  	v0 =	vadd.s32 v44, v46;
	[tilespmem:$0x10770] =	vst v62  }
0xdb: {  	[tilespmem:$0x105D0] =	vst v0;
	v0 =	vadd.s32 v51, v53  }
0xdc: {  	[tilespmem:$0x105E0] =	vst v0;
	v0 =	vadd.s32 v58, v60  }
0xdd: {  	[tilespmem:$0x105F0] =	vst v0  }
0xde: {  	[bflag:$0x0] =	sbarrier.arrive $0xFFFF  }
0xdf: {  	s17 =	sld [smem:$0x7FD];
	_ =	sdelay $0x2  }
0xe0: {  	[tilespmem:s11], [sflag:$0x1] =	stream.indirect.gather [spmem:s2], $0x80, s17, s10, $0xb8;
	[tilespmem:$0x10F00] =	vst v63  }
0xe1: {  	_ =	swait.ge [sflag:s6], $0x4000  }
0xe2: {  	[sflag:s6] =	ssyncset.done $0x0  }
0xe3: {  	s14 =	rddreg [dreg:$0xa];
	[sflag:s6] =	ssyncadd.s32 $0xFFFFC000  }
0xe4: {  	[hbm4b:s14+s12] =	stream.strided.scatter [tilespmem:s11], [sflag:$0x3], $0x4000, s13, s12, $0x38;
	[tilespmem:$0x10F00] =	vst v63  }
0xe5: {  	s16 =	simm.s32 $0x10080  }
0xe6: {  	[tilespmem:s15], [sflag:$0x2] =	stream.indirect.gather [spmem:s2], $0x80, s16, s10, $0xb8;
	[tilespmem:$0x10F00] =	vst v63  }
0xe7: {  	_ =	swait.ge [sflag:s7], $0x4000  }
0xe8: {  	[sflag:s7] =	ssyncset.done $0x0  }
0xe9: {  	s17 =	rddreg [dreg:$0xb];
	[sflag:s7] =	ssyncadd.s32 $0xFFFFC000  }
0xea: {  	[hbm4b:s17+s12] =	stream.strided.scatter [tilespmem:s15], [sflag:$0x4], $0x4000, s13, s12, $0x38;
	[tilespmem:$0x10F00] =	vst v63  }
0xeb: {  	_ =	swait.ge [sflag:s8], $0x4000  }
0xec: {  	[sflag:s8] =	ssyncset.done $0x0  }
0xed: {  	s14 =	simm.s32 $0x10100;
	[sflag:s8] =	ssyncadd.s32 $0xFFFFC000  }
0xee: {  	[tilespmem:s11], [sflag:$0x1] =	stream.indirect.gather [spmem:s2], $0x80, s14, s10, $0xb8;
	[tilespmem:$0x10F00] =	vst v63  }
0xef: {  	_ =	swait.ge [sflag:s6], $0x4000  }
0xf0: {  	[sflag:s6] =	ssyncset.done $0x0  }
0xf1: {  	s16 =	rddreg [dreg:$0xc];
	[sflag:s6] =	ssyncadd.s32 $0xFFFFC000  }
0xf2: {  	[hbm4b:s16+s12] =	stream.strided.scatter [tilespmem:s11], [sflag:$0x3], $0x4000, s13, s12, $0x38;
	[tilespmem:$0x10F00] =	vst v63  }
0xf3: {  	_ =	swait.ge [sflag:s9], $0x4000  }
0xf4: {  	[sflag:s9] =	ssyncset.done $0x0  }
0xf5: {  	s17 =	simm.s32 $0x10180;
	[sflag:s9] =	ssyncadd.s32 $0xFFFFC000  }
0xf6: {  	[tilespmem:s15], [sflag:$0x2] =	stream.indirect.gather [spmem:s2], $0x80, s17, s10, $0xb8;
	[tilespmem:$0x10F00] =	vst v63  }
0xf7: {  	_ =	swait.ge [sflag:s7], $0x4000  }
0xf8: {  	[sflag:s7] =	ssyncset.done $0x0  }
0xf9: {  	s14 =	rddreg [dreg:$0xd];
	[sflag:s7] =	ssyncadd.s32 $0xFFFFC000  }
0xfa: {  	[hbm4b:s14+s12] =	stream.strided.scatter [tilespmem:s15], [sflag:$0x4], $0x4000, s13, s12, $0x38;
	[tilespmem:$0x10F00] =	vst v63  }
0xfb: {  	_ =	swait.ge [sflag:s8], $0x4000  }
0xfc: {  	[sflag:s8] =	ssyncset.done $0x0  }
0xfd: {  	[sflag:s8] =	ssyncadd.s32 $0xFFFFC000  }
0xfe: {  	[tilespmem:s11], [sflag:$0x1] =	stream.indirect.gather [spmem:s2], $0x80, s18, s10, $0xb8;
	[tilespmem:$0x10F00] =	vst v63  }
0xff: {  	_ =	swait.ge [sflag:s6], $0x4000  }
0x100: {  	[sflag:s6] =	ssyncset.done $0x0  }
0x101: {  	s16 =	rddreg [dreg:$0xe];
	[sflag:s6] =	ssyncadd.s32 $0xFFFFC000  }
0x102: {  	[hbm4b:s16+s12] =	stream.strided.scatter [tilespmem:s11], [sflag:$0x3], $0x4000, s13, s12, $0x38;
	[tilespmem:$0x10F00] =	vst v63  }
0x103: {  	_ =	swait.ge [sflag:s9], $0x4000  }
0x104: {  	[sflag:s9] =	ssyncset.done $0x0  }
0x105: {  	[sflag:s9] =	ssyncadd.s32 $0xFFFFC000  }
0x106: {  	[tilespmem:s15], [sflag:$0x2] =	stream.indirect.gather [spmem:s2], $0x80, s19, s10, $0xb8;
	[tilespmem:$0x10F00] =	vst v63  }
0x107: {  	_ =	swait.ge [sflag:s7], $0x4000  }
0x108: {  	[sflag:s7] =	ssyncset.done $0x0  }
0x109: {  	s17 =	rddreg [dreg:$0xf];
	[sflag:s7] =	ssyncadd.s32 $0xFFFFC000  }
0x10a: {  	[hbm4b:s17+s12] =	stream.strided.scatter [tilespmem:s15], [sflag:$0x4], $0x4000, s13, s12, $0x38;
	[tilespmem:$0x10F00] =	vst v63  }
0x10b: {  	_ =	swait.ge [sflag:s8], $0x4000  }
0x10c: {  	[sflag:s8] =	ssyncset.done $0x0  }
0x10d: {  	[sflag:s8] =	ssyncadd.s32 $0xFFFFC000  }
0x10e: {  	[tilespmem:s11], [sflag:$0x1] =	stream.indirect.gather [spmem:s2], $0x80, s20, s10, $0xb8;
	[tilespmem:$0x10F00] =	vst v63  }
0x10f: {  	_ =	swait.ge [sflag:s6], $0x4000  }
0x110: {  	[sflag:s6] =	ssyncset.done $0x0  }
0x111: {  	s14 =	rddreg [dreg:$0x10];
	[sflag:s6] =	ssyncadd.s32 $0xFFFFC000  }
0x112: {  	[hbm4b:s14+s12] =	stream.strided.scatter [tilespmem:s11], [sflag:$0x3], $0x4000, s13, s12, $0x38;
	[tilespmem:$0x10F00] =	vst v63  }
0x113: {  	_ =	swait.ge [sflag:s9], $0x4000  }
0x114: {  	[sflag:s9] =	ssyncset.done $0x0  }
0x115: {  	[sflag:s9] =	ssyncadd.s32 $0xFFFFC000  }
0x116: {  	[tilespmem:s15], [sflag:$0x2] =	stream.indirect.gather [spmem:s2], $0x80, s21, s10, $0xb8;
	[tilespmem:$0x10F00] =	vst v63  }
0x117: {  	_ =	swait.ge [sflag:s7], $0x4000  }
0x118: {  	[sflag:s7] =	ssyncset.done $0x0  }
0x119: {  	s16 =	rddreg [dreg:$0x11];
	[sflag:s7] =	ssyncadd.s32 $0xFFFFC000  }
0x11a: {  	[hbm4b:s16+s12] =	stream.strided.scatter [tilespmem:s15], [sflag:$0x4], $0x4000, s13, s12, $0x38;
	[tilespmem:$0x10F00] =	vst v63  }
0x11b: {  	_ =	swait.ge [sflag:s8], $0x4000  }
0x11c: {  	[sflag:s8] =	ssyncset.done $0x0  }
0x11d: {  	[sflag:s8] =	ssyncadd.s32 $0xFFFFC000  }
0x11e: {  	[tilespmem:s11], [sflag:$0x1] =	stream.indirect.gather [spmem:s2], $0x80, s22, s10, $0xb8;
	[tilespmem:$0x10F00] =	vst v63  }
0x11f: {  	_ =	swait.ge [sflag:s6], $0x4000  }
0x120: {  	[sflag:s6] =	ssyncset.done $0x0  }
0x121: {  	s17 =	rddreg [dreg:$0x12];
	[sflag:s6] =	ssyncadd.s32 $0xFFFFC000  }
0x122: {  	[hbm4b:s17+s12] =	stream.strided.scatter [tilespmem:s11], [sflag:$0x3], $0x4000, s13, s12, $0x38;
	[tilespmem:$0x10F00] =	vst v63  }
0x123: {  	_ =	swait.ge [sflag:s9], $0x4000  }
0x124: {  	[sflag:s9] =	ssyncset.done $0x0  }
0x125: {  	[sflag:s9] =	ssyncadd.s32 $0xFFFFC000  }
0x126: {  	[tilespmem:s15], [sflag:$0x2] =	stream.indirect.gather [spmem:s2], $0x80, s23, s10, $0xb8;
	[tilespmem:$0x10F00] =	vst v63  }
0x127: {  	_ =	swait.ge [sflag:s7], $0x4000  }
0x128: {  	[sflag:s7] =	ssyncset.done $0x0  }
0x129: {  	s14 =	rddreg [dreg:$0x13];
	[sflag:s7] =	ssyncadd.s32 $0xFFFFC000  }
0x12a: {  	[hbm4b:s14+s12] =	stream.strided.scatter [tilespmem:s15], [sflag:$0x4], $0x4000, s13, s12, $0x38;
	[tilespmem:$0x10F00] =	vst v63  }
0x12b: {  	_ =	swait.ge [sflag:s8], $0x4000  }
0x12c: {  	[sflag:s8] =	ssyncset.done $0x0  }
0x12d: {  	[sflag:s8] =	ssyncadd.s32 $0xFFFFC000  }
0x12e: {  	[tilespmem:s11], [sflag:$0x1] =	stream.indirect.gather [spmem:s2], $0x80, s24, s10, $0xb8;
	[tilespmem:$0x10F00] =	vst v63  }
0x12f: {  	_ =	swait.ge [sflag:s6], $0x4000  }
0x130: {  	[sflag:s6] =	ssyncset.done $0x0  }
0x131: {  	s16 =	rddreg [dreg:$0x14];
	[sflag:s6] =	ssyncadd.s32 $0xFFFFC000  }
0x132: {  	[hbm4b:s16+s12] =	stream.strided.scatter [tilespmem:s11], [sflag:$0x3], $0x4000, s13, s12, $0x38;
	[tilespmem:$0x10F00] =	vst v63  }
0x133: {  	_ =	swait.ge [sflag:s9], $0x4000  }
0x134: {  	[sflag:s9] =	ssyncset.done $0x0  }
0x135: {  	[sflag:s9] =	ssyncadd.s32 $0xFFFFC000  }
0x136: {  	[tilespmem:s15], [sflag:$0x2] =	stream.indirect.gather [spmem:s2], $0x80, s25, s10, $0xb8;
	[tilespmem:$0x10F00] =	vst v63  }
0x137: {  	_ =	swait.ge [sflag:s7], $0x4000  }
0x138: {  	[sflag:s7] =	ssyncset.done $0x0  }
0x139: {  	s17 =	rddreg [dreg:$0x15];
	[sflag:s7] =	ssyncadd.s32 $0xFFFFC000  }
0x13a: {  	[hbm4b:s17+s12] =	stream.strided.scatter [tilespmem:s15], [sflag:$0x4], $0x4000, s13, s12, $0x38;
	[tilespmem:$0x10F00] =	vst v63  }
0x13b: {  	_ =	swait.ge [sflag:s8], $0x4000  }
0x13c: {  	[sflag:s8] =	ssyncset.done $0x0  }
0x13d: {  	[sflag:s8] =	ssyncadd.s32 $0xFFFFC000  }
0x13e: {  	[tilespmem:s11], [sflag:$0x1] =	stream.indirect.gather [spmem:s2], $0x80, s26, s10, $0xb8;
	[tilespmem:$0x10F00] =	vst v63  }
0x13f: {  	_ =	swait.ge [sflag:s6], $0x4000  }
0x140: {  	[sflag:s6] =	ssyncset.done $0x0  }
0x141: {  	s14 =	rddreg [dreg:$0x16];
	[sflag:s6] =	ssyncadd.s32 $0xFFFFC000  }
0x142: {  	[hbm4b:s14+s12] =	stream.strided.scatter [tilespmem:s11], [sflag:$0x3], $0x4000, s13, s12, $0x38;
	[tilespmem:$0x10F00] =	vst v63  }
0x143: {  	_ =	swait.ge [sflag:s9], $0x4000  }
0x144: {  	[sflag:s9] =	ssyncset.done $0x0  }
0x145: {  	[sflag:s9] =	ssyncadd.s32 $0xFFFFC000  }
0x146: {  	[tilespmem:s15], [sflag:$0x2] =	stream.indirect.gather [spmem:s2], $0x80, s28, s10, $0xb8;
	[tilespmem:$0x10F00] =	vst v63  }
0x147: {  	_ =	swait.ge [sflag:s7], $0x4000  }
0x148: {  	[sflag:s7] =	ssyncset.done $0x0  }
0x149: {  	s16 =	rddreg [dreg:$0x17];
	[sflag:s7] =	ssyncadd.s32 $0xFFFFC000  }
0x14a: {  	[hbm4b:s16+s12] =	stream.strided.scatter [tilespmem:s15], [sflag:$0x4], $0x4000, s13, s12, $0x38;
	[tilespmem:$0x10F00] =	vst v63  }
0x14b: {  	_ =	swait.ge [sflag:s8], $0x4000  }
0x14c: {  	[sflag:s8] =	ssyncset.done $0x0  }
0x14d: {  	[sflag:s8] =	ssyncadd.s32 $0xFFFFC000  }
0x14e: {  	[tilespmem:s11], [sflag:$0x1] =	stream.indirect.gather [spmem:s2], $0x80, s29, s10, $0xb8;
	[tilespmem:$0x10F00] =	vst v63  }
0x14f: {  	_ =	swait.ge [sflag:s6], $0x4000  }
0x150: {  	[sflag:s6] =	ssyncset.done $0x0  }
0x151: {  	s17 =	rddreg [dreg:$0x18];
	[sflag:s6] =	ssyncadd.s32 $0xFFFFC000  }
0x152: {  	[hbm4b:s17+s12] =	stream.strided.scatter [tilespmem:s11], [sflag:$0x3], $0x4000, s13, s12, $0x38;
	[tilespmem:$0x10F00] =	vst v63  }
0x153: {  	_ =	swait.ge [sflag:s9], $0x4000  }
0x154: {  	[sflag:s9] =	ssyncset.done $0x0  }
0x155: {  	[sflag:s9] =	ssyncadd.s32 $0xFFFFC000  }
0x156: {  	[tilespmem:s15], [sflag:$0x2] =	stream.indirect.gather [spmem:s2], $0x80, s30, s10, $0xb8;
	[tilespmem:$0x10F00] =	vst v63  }
0x157: {  	_ =	swait.ge [sflag:s7], $0x4000  }
0x158: {  	[sflag:s7] =	ssyncset.done $0x0  }
0x159: {  	s14 =	rddreg [dreg:$0x19];
	[sflag:s7] =	ssyncadd.s32 $0xFFFFC000  }
0x15a: {  	[hbm4b:s14+s12] =	stream.strided.scatter [tilespmem:s15], [sflag:$0x4], $0x4000, s13, s12, $0x38;
	[tilespmem:$0x10F00] =	vst v63  }
0x15b: {  	_ =	swait.ge [sflag:s8], $0x4000  }
0x15c: {  	[sflag:s8] =	ssyncset.done $0x0  }
0x15d: {  	[sflag:s8] =	ssyncadd.s32 $0xFFFFC000  }
0x15e: {  	[tilespmem:s11], [sflag:$0x1] =	stream.indirect.gather [spmem:s2], $0x80, s31, s10, $0xb8;
	[tilespmem:$0x10F00] =	vst v63  }
0x15f: {  	_ =	swait.ge [sflag:s6], $0x4000  }
0x160: {  	[sflag:s6] =	ssyncset.done $0x0  }
0x161: {  	s16 =	rddreg [dreg:$0x1a];
	[sflag:s6] =	ssyncadd.s32 $0xFFFFC000  }
0x162: {  	[hbm4b:s16+s12] =	stream.strided.scatter [tilespmem:s11], [sflag:$0x3], $0x4000, s13, s12, $0x38;
	[tilespmem:$0x10F00] =	vst v63  }
0x163: {  	_ =	swait.ge [sflag:s9], $0x4000  }
0x164: {  	[sflag:s9] =	ssyncset.done $0x0  }
0x165: {  	[sflag:s9] =	ssyncadd.s32 $0xFFFFC000  }
0x166: {  	[tilespmem:s15], [sflag:$0x2] =	stream.indirect.gather [spmem:s2], $0x80, s1, s10, $0xb8;
	[tilespmem:$0x10F00] =	vst v63  }
0x167: {  	_ =	swait.ge [sflag:s7], $0x4000  }
0x168: {  	[sflag:s7] =	ssyncset.done $0x0  }
0x169: {  	s17 =	rddreg [dreg:$0x1b];
	[sflag:s7] =	ssyncadd.s32 $0xFFFFC000  }
0x16a: {  	[hbm4b:s17+s12] =	stream.strided.scatter [tilespmem:s15], [sflag:$0x4], $0x4000, s13, s12, $0x38;
	[tilespmem:$0x10F00] =	vst v63  }
0x16b: {  	p0 =	sne.s32 s4, $0x1;
	_ =	swait.ge [sflag:s8], $0x4000  }
.Ltmp0:
0x16c: {  	[sflag:s8] =	ssyncset.done $0x0;
	(pc) =	sbr.rel @p0 .LBB2_1-.Ltmp0, $4  }
0x16d: {  	[sflag:s8] =	ssyncadd.s32 $0xFFFFC000  }
0x16e: {  	_ =	swait.ge [sflag:s9], $0x4000  }
0x16f: {  	[sflag:s9] =	ssyncset.done $0x0  }
0x170: {  	s4 =	sadd.s32 $0xFFFFFFFF, s4;
	[sflag:s9] =	ssyncadd.s32 $0xFFFFC000  }
0x171: {  	_ =	sfence.sel $0x180000  }
0x172: {  	[bflag:$0x0] =	sbarrier.arrive $0xFFFF  }
0x173: {  	_ =	strace $0x9000004A  }
0x174: {  	s0 =	stileid.u32;
	[bflag:$0x2] =	sbarrier.arrive $0xFFFF  }
0x175: {  	p0 =	sne.s32 s0, $0x0;
	s0 =	rddreg [dreg:$0x3]  }
0x176: {  	s0 =	sadd.s32 @!p0 $0x100000, s0  }
0x177: {  	[sflag:s0] =	ssyncadd.tile.s32 @!p0 $0x1;
	_ =	shalt  }
.Lfunc_end2:
_tile_overlayer_lowered:
.L_overlay_start_2:
0x178: {  	(tag) =	ssettag $0x2  }
0x179: {  	s0 =	rddreg [dreg:$0x0];
	s2 =	stileid.u32  }
0x17a: {  	s1 =	rddreg [dreg:$0x1];
	p0 =	sne.s32 s2, $0x0  }
0x17b: {  	s3 =	rddreg [dreg:$0x2];
	[bflag:$0x3] =	sbarrier.arrive $0xFFFF;
	s2 =	simm.s32 @!p0 $0x1C05  }
0x17c: {  	[timem:s3], [sflag:s2] =	dma.local @!p0 [hbm:s0], s1  }
0x17d: {  	s0 =	simm.s32 @!p0 $0x5  }
0x17e: {  	_ =	swait.ge @!p0 [sflag:s0], s1  }
0x17f: {  	s1 =	ssub.s32 @!p0 $0x0, s1;
	[sflag:s0] =	ssyncset.done @!p0 $0x0  }
0x180: {  	[sflag:s0] =	ssyncadd.s32 @!p0 s1  }
0x181: {  	[bflag:$0x3] =	sbarrier.arrive $0xFFFF  }
0x182: {  	_ =	shalt  }

// kernel: kernel.8.cloned.1.call-start
scs
__scs_entry_jumppad:
0x0: {  	(pc) =	sbr.rel $0x88, $3  }
0x1: {  	(tag) =	ssettag $0x0;
	lr =	simm.s32 $0x1  }
0x2: {  	[smem:$0x3F98] =	sst lr;
	_ =	strace $0xD0000000  }
0x3: {  	_ = 	snop  }
0x4: {  	_ = 	snop  }
0x5: {  	_ = 	snop  }
0x6: {  	_ = 	snop  }
0x7: {  	_ = 	snop  }
__scs_overlays_trampoline_lowered:
0x8: {  	[smem:$0x3FA7] =	sst s0  }
0x9: {  	[smem:$0x3FA8] =	sst s1  }
0xa: {  	[smem:$0x3FA9] =	sst s2  }
0xb: {  	[smem:$0x3FAA] =	sst s3  }
0xc: {  	[smem:$0x3FAB] =	sst s4  }
0xd: {  	[smem:$0x3FAC] =	sst s5  }
0xe: {  	[smem:$0x3FAD] =	sst s6  }
0xf: {  	[smem:$0x3FAE] =	sst s7  }
0x10: {  	[smem:$0x3FAF] =	sst s8  }
0x11: {  	[smem:$0x3FB0] =	sst s9;
	s0 =	simm.s32 @!p0 $0x0  }
0x12: {  	s1 =	sld [smem:$0x3F96];
	s0 =	simm.s32 @p0 $0x1  }
0x13: {  	[smem:$0x3FB1] =	sst s0;
	s0 =	simm.s32 @!p1 $0x0  }
0x14: {  	s2 =	sld [smem:$0x3F95];
	s0 =	simm.s32 @p1 $0x1  }
0x15: {  	[smem:$0x3FB2] =	sst s0;
	s0 =	simm.s32 @!p2 $0x0  }
0x16: {  	s3 =	sld [smem:$0x3FDB];
	s0 =	simm.s32 @p2 $0x1  }
0x17: {  	s4 =	simm.s32 $0x1BF5;
	[smem:$0x3FB4] =	sst s0  }
0x18: {  	s0 =	sld [smem:$0x3F97];
	_ =	swait.ge [sflag:s4], $0x0  }
0x19: {  	s7 =	sld [smem:$0x3F98]  }
0x1a: {  	s8 =	sadd.s32 $0xFFFFE003, lr  }
0x1b: {  	s9 =	sadd.s32 $0xFFFFFEF7, lr;
	s5 =	simm.s32 $0xFFFFFFFF;
	p2 =	slt.u32 s8, $0xFFFFF086  }
0x1c: {  	p1 =	slt.u32 s9, $0xF7A;
	s5 =	simm.s32 @!p2 $0x0  }
0x1d: {  	s5 =	simm.s32 @p1 $0x1;
	p0 =	seq.s32 s7, s2  }
0x1e: {  	s7 =	smul.u32 @!p0 $0xF7A, s2;
	p2 =	seq.s32 @!p0 s5, $0x0  }
0x1f: {  	s9 =	smul.u32 $0xF7A, s1;
	s8 =	simm.s32 @!p0 $0x1BF5;
	p2 =	por !p2, p0  }
0x20: {  	[sflag:s8] =	ssyncset.s32 @!p0 $0xFFFFF086;
	s6 =	sadd.s32 @!p0 s3, s7;
	s7 =	simm.s32 @!p0 $0x108  }
0x21: {  	s3 =	sadd.s32 s3, s9;
	s6 =	sadd.s32 @!p0 $0x88, s6;
	s7 =	simm.s32 @p2 $0x1082  }
0x22: {  	[simem:s7], [sflag:s8] =	dma.local @!p0 [hbm:s6], $0xF7A  }
0x23: {  	s9 =	sor.u32 $0xD0000000, s2;
	s6 =	simm.s32 $0x108;
	_ =	swait.ge @!p0 [sflag:s8], $0x0  }
0x24: {  	s3 =	sadd.s32 $0x88, s3;
	s6 =	simm.s32 @!p1 $0x1082;
	[sflag:s4] =	ssyncset.s32 $0xFFFFF086  }
0x25: {  	[simem:s6], [sflag:s4] =	dma.local [hbm:s3], $0xF7A  }
0x26: {  	[smem:$0x3F98] =	sst s1;
	(tag) =	ssettag s2;
	_ =	strace s9  }
0x27: {  	s1 =	sld [smem:$0x3FA8]  }
0x28: {  	s2 =	sld [smem:$0x3FA9]  }
0x29: {  	s4 =	sld [smem:$0x3FAB]  }
0x2a: {  	p0 =	seq.s32 s5, $0x0;
	s5 =	sld [smem:$0x3FAC]  }
0x2b: {  	s6 =	sld [smem:$0x3FAD]  }
0x2c: {  	s7 =	sld [smem:$0x3FAE]  }
0x2d: {  	s3 =	simm.s32 $0x108;
	s8 =	sld [smem:$0x3FAF]  }
0x2e: {  	s3 =	simm.s32 @!p0 $0x1082;
	s9 =	sld [smem:$0x3FB0]  }
0x2f: {  	lr =	sadd.s32 s0, s3;
	s0 =	sld [smem:$0x3FA7]  }
0x30: {  	s3 =	sld [smem:$0x3FAA]  }
0x31: {  	[smem:$0x3FB3] =	sst s10  }
0x32: {  	s10 =	sld [smem:$0x3FB1];
	_ =	sdelay $0x3  }
0x33: {  	p0 =	seq.s32 s10, $0x1;
	s10 =	sld [smem:$0x3FB3];
	_ =	sdelay $0x3  }
0x34: {  	[smem:$0x3FB3] =	sst s10  }
0x35: {  	s10 =	sld [smem:$0x3FB2];
	_ =	sdelay $0x3  }
0x36: {  	p1 =	seq.s32 s10, $0x1;
	s10 =	sld [smem:$0x3FB3];
	_ =	sdelay $0x3  }
0x37: {  	[smem:$0x3FB3] =	sst s10  }
0x38: {  	s10 =	sld [smem:$0x3FB4]  }
0x39: {  	_ = 	snop;
	(pc) =	sbr.ind lr, $3  }
0x3a: {  	_ = 	snop  }
0x3b: {  	_ = 	snop  }
0x3c: {  	p2 =	seq.s32 s10, $0x1;
	s10 =	sld [smem:$0x3FB3]  }
0x3d: {  	_ =	shalt  }
0x3e: {  	_ =	shalt  }
0x3f: {  	_ =	shalt  }
0x40: {  	_ =	shalt  }
0x41: {  	_ =	shalt  }
0x42: {  	_ =	shalt  }
0x43: {  	_ =	shalt  }
0x44: {  	_ =	shalt  }
0x45: {  	_ =	shalt  }
0x46: {  	_ =	shalt  }
0x47: {  	_ =	shalt  }
0x48: {  	_ =	shalt  }
0x49: {  	_ =	shalt  }
0x4a: {  	_ =	shalt  }
0x4b: {  	_ =	shalt  }
0x4c: {  	_ =	shalt  }
0x4d: {  	_ =	shalt  }
0x4e: {  	_ =	shalt  }
0x4f: {  	_ =	shalt  }
0x50: {  	_ =	shalt  }
0x51: {  	_ =	shalt  }
0x52: {  	_ =	shalt  }
0x53: {  	_ =	shalt  }
0x54: {  	_ =	shalt  }
0x55: {  	_ =	shalt  }
0x56: {  	_ =	shalt  }
0x57: {  	_ =	shalt  }
0x58: {  	_ =	shalt  }
0x59: {  	_ =	shalt  }
0x5a: {  	_ =	shalt  }
0x5b: {  	_ =	shalt  }
0x5c: {  	_ =	shalt  }
0x5d: {  	_ =	shalt  }
0x5e: {  	_ =	shalt  }
0x5f: {  	_ =	shalt  }
0x60: {  	_ =	shalt  }
0x61: {  	_ =	shalt  }
0x62: {  	_ =	shalt  }
0x63: {  	_ =	shalt  }
0x64: {  	_ =	shalt  }
0x65: {  	_ =	shalt  }
0x66: {  	_ =	shalt  }
0x67: {  	_ =	shalt  }
0x68: {  	_ =	shalt  }
0x69: {  	_ =	shalt  }
0x6a: {  	_ =	shalt  }
0x6b: {  	_ =	shalt  }
0x6c: {  	_ =	shalt  }
0x6d: {  	_ =	shalt  }
0x6e: {  	_ =	shalt  }
0x6f: {  	_ =	shalt  }
0x70: {  	_ =	shalt  }
0x71: {  	_ =	shalt  }
0x72: {  	_ =	shalt  }
0x73: {  	_ =	shalt  }
0x74: {  	_ =	shalt  }
0x75: {  	_ =	shalt  }
0x76: {  	_ =	shalt  }
0x77: {  	_ =	shalt  }
0x78: {  	_ =	shalt  }
0x79: {  	_ =	shalt  }
0x7a: {  	_ =	shalt  }
0x7b: {  	_ =	shalt  }
0x7c: {  	_ =	shalt  }
0x7d: {  	_ =	shalt  }
0x7e: {  	_ =	shalt  }
0x7f: {  	_ =	shalt  }
0x80: {  	_ =	shalt  }
0x81: {  	_ =	shalt  }
0x82: {  	_ =	shalt  }
0x83: {  	_ =	shalt  }
0x84: {  	_ =	shalt  }
0x85: {  	_ =	shalt  }
0x86: {  	_ =	shalt  }
0x87: {  	_ =	shalt  }
.Lfunc_end0:
.L_simem_size_0:
called_computation.1_lowered:
.L_overlay_start_0:
0x88: {  	s2 =	sld [smem:$0x3FD9]  }
0x89: {  	s3 =	sld [smem:$0x3FFE];
	_ =	sdelay $0x1  }
0x8a: {  	s1 =	srdreg.scid  }
0x8b: {  	s0 =	sand.u32 $0x1, s1  }
0x8c: {  	s17 =	sshll.u32 s0, $0xA;
	s2 =	sadd.s32 s3, s2  }
0x8d: {  	s2 =	sadd.s32 s2, s17  }
0x8e: {  	[smem:$0x3FBF] =	sst s2  }
0x8f: {  	_ = 	snop  }
0x90: {  	s2 =	sld [smem:$0x3FC5];
	(tm) =	ssettm $0x1  }
0x91: {  	s18 =	sld [smem:$0x3FFB];
	_ =	sdelay $0x3  }
0x92: {  	_ =	strace s18  }
0x93: {  	s3 =	sld [smem:$0x3FFC];
	_ =	sdelay $0x3  }
0x94: {  	_ =	strace s3  }
0x95: {  	s3 =	sld [smem:$0x3FFD];
	_ =	sdelay $0x3  }
0x96: {  	_ =	strace s3  }
0x97: {  	_ =	strace $0x8FFFFFFF  }
0x98: {  	s19 =	sld [smem:$0x3FDB];
	_ =	sdelay $0x1  }
0x99: {  	s4 =	simm.s32 $_scs_section_size  }
0x9a: {  	s5 =	simm.s32 $_size__tile_overlayer_lowered;
	s6 =	simm.s32 $_tile_overlayer_lowered  }
0x9b: {  	s22 =	simm.s32 $0x1BFF;
	s21 =	sshll.u32 s6, $0x1;
	s3 =	sadd.s32 s4, s19  }
0x9c: {  	s7 =	simm.s32 $0x0;
	s20 =	sshll.u32 s5, $0x1;
	s5 =	sadd.s32 s21, s3  }
0x9d: {  	[timem:s7], [sflag:s22] =	dma.local [hbm:s5], s20  }
0x9e: {  	_ =	swait.ge [sflag:s22], s20  }
0x9f: {  	s4 =	ssub.s32 $0x0, s20;
	[sflag:s22] =	ssyncset.done $0x0  }
0xa0: {  	[sflag:s22] =	ssyncadd.s32 s4;
	_ =	sdelay $0x1  }
0xa1: {  	s23 =	simm.s32 $0x1B8B  }
0xa2: {  	_ =	swait.ge [sflag:s23], $0x1  }
0xa3: {  	[sflag:s23] =	ssyncset.done $0x0  }
0xa4: {  	s25 =	simm.s32 $0x1B8E;
	s24 =	sld [smem:$0x3FFE];
	[sflag:s23] =	ssyncadd.s32 $0xFFFFFFFF  }
0xa5: {  	s26 =	simm.s32 $execute0_lowered;
	[smem:$0x3FD2] =	sst s25  }
0xa6: {  	s5 =	sshll.u32 s26, $0x1;
	_ =	strace $0x80000046;
	[dreg:$0x1] =	wrdreg $0xFFFFFFFF  }
0xa7: {  	s28 =	simm.s32 $_size_execute0_lowered;
	s3 =	sadd.s32 s3, s5;
	[dreg:$0x0] =	wrdreg $0x0  }
0xa8: {  	s5 =	sshll.u32 s28, $0x1;
	[dreg:$0x2] =	wrdreg s3  }
0xa9: {  	[dreg:$0x3] =	wrdreg s5  }
0xaa: {  	[dreg:$0x4] =	wrdreg $0xC0  }
0xab: {  	_ =	task [dreg:s7], $0x5FFFF  }
0xac: {  	[dreg:$0x1] =	wrdreg $0xFFFFFFFF  }
0xad: {  	[dreg:$0x0] =	wrdreg $0x60  }
0xae: {  	[dreg:$0x2] =	wrdreg s24  }
0xaf: {  	[dreg:$0x3] =	wrdreg s2  }
0xb0: {  	[dreg:$0x4] =	wrdreg $0xA  }
0xb1: {  	_ =	task.clear_ibuf [dreg:s7], $0x5FFFF;
	_ =	strace $0x90000046  }
0xb2: {  	s29 =	simm.s32 $0xA;
	_ =	strace $0x80000048  }
0xb3: {  	_ =	swait.ge [sflag:s29], $0x1  }
0xb4: {  	[sflag:s29] =	ssyncadd.s32 $0xFFFFFFFF  }
0xb5: {  	_ =	strace $0x90000048  }
0xb6: {  	_ =	sfence  }
0xb7: {  	s30 =	sld [smem:$0x0];
	_ =	sdelay $0x2  }
0xb8: {  	s31 =	sshll.u32 s1, $0xD;
	s1 =	sshrl.u32 s1, $0x2  }
0xb9: {  	s3 =	sand.u32 $0x4000, s31;
	s1 =	sadd.s32 s1, s30  }
0xba: {  	s0 =	sor.u32 s3, s0;
	s1 =	sshll.u32 s1, $0x11  }
0xbb: {  	s0 =	sor.u32 s1, s0  }
0xbc: {  	s0 =	sadd.s32 $0x8F2B, s0  }
0xbd: {  	[sflag:s0] =	ssyncadd.remote.s32 $0x1  }
0xbe: {  	_ =	sfence.sel $0xFFFF  }
0xbf: {  	[dreg:$0x0] =	wrdreg $0xFFFFFFFF;
	(pc) =	sbr.abs _section_cstart, $3  }
0xc0: {  	[dreg:$0x1] =	wrdreg $0xFFFFFFFF  }
0xc1: {  	_ =	task.clear_ibuf [dreg:s7], $0x2FFFF;
	_ =	strace $0x9FFFFFFF  }
0xc2: {  	(tm) =	ssettm $0x7FFFFFFF  }
0xc3: {  	_ =	shalt  }
tec
execute0_lowered:
.L_overlay_start_1:
0x0: {  	(tag) =	ssettag $0x1  }
0x1: {  	s0 =	srdreg.scid  }
0x2: {  	s3 =	stileid.u32;
	s4 =	rddreg [dreg:$0x0]  }
0x3: {  	s26 =	simm.s32 $0x18000;
	s8 =	simm.s32 $0x3;
	s9 =	simm.s32 $0x4  }
0x4: {  	s12 =	simm.s32 $0x1000;
	s13 =	simm.s32 $0x1800;
	s14 =	simm.s32 $0x2000  }
0x5: {  	s15 =	simm.s32 $0x2800;
	s16 =	simm.s32 $0x3000;
	s17 =	simm.s32 $0x3800  }
0x6: {  	s28 =	simm.s32 $0x8800;
	s29 =	simm.s32 $0x9000;
	s30 =	simm.s32 $0x9800  }
0x7: {  	s31 =	simm.s32 $0xA000;
	s0 =	sand.u32 $0x1, s0;
	s2 =	sshrl.u32 s3, $0x1  }
0x8: {  	s18 =	sand.u32 $0x1, s3;
	s3 =	simm.s32 $0x0;
	s1 =	sshll.u32 s0, $0x3  }
0x9: {  	p0 =	seq.s32 s18, $0x1;
	[smem:$0x7FF] =	sst s3;
	s1 =	sor.u32 s2, s1  }
0xa: {  	s0 =	ssub.s32 $0x2, s0;
	s2 =	simm.s32 $0x180;
	s1 =	smul.u32 $0x300, s1  }
0xb: {  	s18 =	simm.s32 $0x4000;
	s22 =	sshrl.u32 s0, $0x1;
	s2 =	simm.s32 @!p0 $0x0  }
0xc: {  	s0 =	ssub.s32 s0, s22;
	s22 =	simm.s32 $0x6000;
	s1 =	sadd.s32 s2, s1  }
0xd: {  	s7 =	smax.u32 s0, $0x1;
	s2 =	rddreg [dreg:$0x1];
	s1 =	sshrl.u32 s1, $0x3  }
0xe: {  	_ =	strace $0x80000047;
	[dreg:$0x9] =	wrdreg s26;
	s5 =	smul.u32 $0x1800, s1  }
0xf: {  	s26 =	simm.s32 $0x8000;
	s6 =	sadd.s32 s1, s4;
	s1 =	smul.u32 $0x300, s1  }
0x10: {  	s4 =	sadd.s32 $0x2000, s4;
	s6 =	sadd.s32 $0x1A00, s6;
	s5 =	sshrl.u32 s5, $0x3  }
0x11: {  	[dreg:$0x3] =	wrdreg s6;
	s19 =	sadd.s32 s4, s1;
	s6 =	sadd.s32 $0x200, s2  }
0x12: {  	s1 =	simm.s32 $0x2;
	s21 =	sadd.s32 $0x3000, s19;
	[dreg:$0xa] =	wrdreg s19  }
0x13: {  	s5 =	sadd.s32 s4, s5;
	s23 =	sadd.s32 $0x4800, s19;
	[dreg:$0x5] =	wrdreg s21  }
0x14: {  	s24 =	sadd.s32 $0x6000, s19;
	s25 =	sadd.s32 $0x7800, s19;
	[dreg:$0x6] =	wrdreg s23  }
0x15: {  	s4 =	simm.s32 $0x1;
	s19 =	simm.s32 $0x4800;
	[dreg:$0x7] =	wrdreg s24  }
0x16: {  	v2 =	vlaneseq.u32;
	s20 =	sadd.s32 $0x1800, s5;
	s5 =	sadd.s32 $0x100, s2;
	[dreg:$0x8] =	wrdreg s25  }
0x17: {  	vm0 =	vmmov $0xffff;
	v1 =	vshrl.u32 v2, $0x3;
	s21 =	simm.s32 $0x5800;
	s23 =	simm.s32 $0x6800;
	s24 =	simm.s32 $0x7000  }
0x18: {  	v0 =	vand.u32 $0x7, v2;
	v2 =	vor.u32 $0x8, v2;
	v1 =	vmul.u32 $0x8, v1;
	s25 =	simm.s32 $0x7800;
	[dreg:$0x4] =	wrdreg s20;
	s20 =	simm.s32 $0x5000  }
.LBB2_1:
0x19: {  	s10 =	rddreg [dreg:$0x3]  }
0x1a: {  	s11 =	rddreg [dreg:$0x9];
	s0 =	simm.s32 $0x5  }
0x1b: {  	[tilespmem:s11], [sflag:$0x5] =	stream.linear.gather [hbm4b:s10+s3], $0x180, $0x38;
	[tilespmem:$0x18180] =	vst v63  }
0x1c: {  	_ =	swait.ge [sflag:s0], $0x180  }
0x1d: {  	[sflag:s0] =	ssyncset.done $0x0  }
0x1e: {  	[sflag:s0] =	ssyncadd.s32 $0xFFFFFE80  }
0x1f: {  	v3 =	vld [tilespmem:$0x18000];
	_ =	sdelay $0x4  }
0x20: {  	v4 =	vshrl.u32 v3, $0x3  }
0x21: {  	v4 =	vmul.u32 $0x30, v4  }
0x22: {  	v3 =	vand.u32 $0x7, v3  }
0x23: {  	v3 =	vor.u32 v3, v4  }
0x24: {  	v4 =	vperm.xlane v3, v0;
	_ =	sdelay $0x1  }
0x25: {  	v4 =	vadd.s32 v1, v4;
	_ =	sdelay $0x3  }
0x26: {  	v3 =	vperm.xlane v3, v2  }
0x27: {  	[tilespmem:s3], [sflag:$0x1] =	stream.indirect_vreg.gather [hbm4b:s2+s3], $0x80, v4, vm0, $0xb8;
	[tilespmem:$0x18180] =	vst v63  }
0x28: {  	s11 =	simm.s32 $0x800;
	v3 =	vadd.s32 v1, v3  }
0x29: {  	[tilespmem:s11], [sflag:$0x1] =	stream.indirect_vreg.gather [hbm4b:s5+s3], $0x80, v4, vm0, $0xb8;
	[tilespmem:$0x18180] =	vst v63  }
0x2a: {  	_ = 	snop  }
0x2b: {  	[tilespmem:s12], [sflag:$0x1] =	stream.indirect_vreg.gather [hbm4b:s6+s3], $0x80, v4, vm0, $0xb8;
	[tilespmem:$0x18180] =	vst v63  }
0x2c: {  	_ = 	snop  }
0x2d: {  	[tilespmem:s13], [sflag:$0x1] =	stream.indirect_vreg.gather [hbm4b:s2+s3], $0x80, v3, vm0, $0xb8;
	[tilespmem:$0x18180] =	vst v63  }
0x2e: {  	_ = 	snop  }
0x2f: {  	[tilespmem:s14], [sflag:$0x1] =	stream.indirect_vreg.gather [hbm4b:s5+s3], $0x80, v3, vm0, $0xb8;
	[tilespmem:$0x18180] =	vst v63  }
0x30: {  	_ = 	snop  }
0x31: {  	[tilespmem:s15], [sflag:$0x1] =	stream.indirect_vreg.gather [hbm4b:s6+s3], $0x80, v3, vm0, $0xb8;
	[tilespmem:$0x18180] =	vst v63  }
0x32: {  	v3 =	vld [tilespmem:$0x18010];
	_ =	sdelay $0x4  }
0x33: {  	v41 =	vshrl.u32 v3, $0x3  }
0x34: {  	v4 =	vmul.u32 $0x30, v41  }
0x35: {  	v3 =	vand.u32 $0x7, v3  }
0x36: {  	v3 =	vor.u32 v3, v4  }
0x37: {  	v4 =	vperm.xlane v3, v0;
	_ =	sdelay $0x1  }
0x38: {  	v4 =	vadd.s32 v1, v4;
	_ =	sdelay $0x3  }
0x39: {  	v3 =	vperm.xlane v3, v2  }
0x3a: {  	[tilespmem:s16], [sflag:$0x1] =	stream.indirect_vreg.gather [hbm4b:s2+s3], $0x80, v4, vm0, $0xb8;
	[tilespmem:$0x18180] =	vst v63  }
0x3b: {  	v3 =	vadd.s32 v1, v3  }
0x3c: {  	[tilespmem:s17], [sflag:$0x1] =	stream.indirect_vreg.gather [hbm4b:s5+s3], $0x80, v4, vm0, $0xb8;
	[tilespmem:$0x18180] =	vst v63  }
0x3d: {  	_ = 	snop  }
0x3e: {  	[tilespmem:s18], [sflag:$0x1] =	stream.indirect_vreg.gather [hbm4b:s6+s3], $0x80, v4, vm0, $0xb8;
	[tilespmem:$0x18180] =	vst v63  }
0x3f: {  	_ = 	snop  }
0x40: {  	[tilespmem:s19], [sflag:$0x1] =	stream.indirect_vreg.gather [hbm4b:s2+s3], $0x80, v3, vm0, $0xb8;
	[tilespmem:$0x18180] =	vst v63  }
0x41: {  	_ = 	snop  }
0x42: {  	[tilespmem:s20], [sflag:$0x1] =	stream.indirect_vreg.gather [hbm4b:s5+s3], $0x80, v3, vm0, $0xb8;
	[tilespmem:$0x18180] =	vst v63  }
0x43: {  	_ = 	snop  }
0x44: {  	[tilespmem:s21], [sflag:$0x1] =	stream.indirect_vreg.gather [hbm4b:s6+s3], $0x80, v3, vm0, $0xb8;
	[tilespmem:$0x18180] =	vst v63  }
0x45: {  	v3 =	vld [tilespmem:$0x18020];
	_ =	sdelay $0x4  }
0x46: {  	v42 =	vshrl.u32 v3, $0x3  }
0x47: {  	v4 =	vmul.u32 $0x30, v42  }
0x48: {  	v3 =	vand.u32 $0x7, v3  }
0x49: {  	v3 =	vor.u32 v3, v4  }
0x4a: {  	v4 =	vperm.xlane v3, v0;
	_ =	sdelay $0x1  }
0x4b: {  	v4 =	vadd.s32 v1, v4;
	_ =	sdelay $0x3  }
0x4c: {  	v3 =	vperm.xlane v3, v2  }
0x4d: {  	[tilespmem:s22], [sflag:$0x1] =	stream.indirect_vreg.gather [hbm4b:s2+s3], $0x80, v4, vm0, $0xb8;
	[tilespmem:$0x18180] =	vst v63  }
0x4e: {  	v3 =	vadd.s32 v1, v3  }
0x4f: {  	[tilespmem:s23], [sflag:$0x1] =	stream.indirect_vreg.gather [hbm4b:s5+s3], $0x80, v4, vm0, $0xb8;
	[tilespmem:$0x18180] =	vst v63  }
0x50: {  	_ = 	snop  }
0x51: {  	[tilespmem:s24], [sflag:$0x1] =	stream.indirect_vreg.gather [hbm4b:s6+s3], $0x80, v4, vm0, $0xb8;
	[tilespmem:$0x18180] =	vst v63  }
0x52: {  	_ = 	snop  }
0x53: {  	[tilespmem:s25], [sflag:$0x1] =	stream.indirect_vreg.gather [hbm4b:s2+s3], $0x80, v3, vm0, $0xb8;
	[tilespmem:$0x18180] =	vst v63  }
0x54: {  	_ = 	snop  }
0x55: {  	[tilespmem:s26], [sflag:$0x1] =	stream.indirect_vreg.gather [hbm4b:s5+s3], $0x80, v3, vm0, $0xb8;
	[tilespmem:$0x18180] =	vst v63  }
0x56: {  	_ = 	snop  }
0x57: {  	[tilespmem:s28], [sflag:$0x1] =	stream.indirect_vreg.gather [hbm4b:s6+s3], $0x80, v3, vm0, $0xb8;
	[tilespmem:$0x18180] =	vst v63  }
0x58: {  	v3 =	vld [tilespmem:$0x18030];
	_ =	sdelay $0x4  }
0x59: {  	v43 =	vshrl.u32 v3, $0x3  }
0x5a: {  	v4 =	vmul.u32 $0x30, v43  }
0x5b: {  	v3 =	vand.u32 $0x7, v3  }
0x5c: {  	v3 =	vor.u32 v3, v4  }
0x5d: {  	v4 =	vperm.xlane v3, v0;
	_ =	sdelay $0x1  }
0x5e: {  	v4 =	vadd.s32 v1, v4;
	_ =	sdelay $0x3  }
0x5f: {  	v3 =	vperm.xlane v3, v2  }
0x60: {  	[tilespmem:s29], [sflag:$0x1] =	stream.indirect_vreg.gather [hbm4b:s2+s3], $0x80, v4, vm0, $0xb8;
	[tilespmem:$0x18180] =	vst v63  }
0x61: {  	v3 =	vadd.s32 v1, v3  }
0x62: {  	[tilespmem:s30], [sflag:$0x1] =	stream.indirect_vreg.gather [hbm4b:s5+s3], $0x80, v4, vm0, $0xb8;
	[tilespmem:$0x18180] =	vst v63  }
0x63: {  	_ = 	snop  }
0x64: {  	[tilespmem:s31], [sflag:$0x1] =	stream.indirect_vreg.gather [hbm4b:s6+s3], $0x80, v4, vm0, $0xb8;
	[tilespmem:$0x18180] =	vst v63  }
0x65: {  	s0 =	simm.s32 $0xA800  }
0x66: {  	[tilespmem:s0], [sflag:$0x1] =	stream.indirect_vreg.gather [hbm4b:s2+s3], $0x80, v3, vm0, $0xb8;
	[tilespmem:$0x18180] =	vst v63  }
0x67: {  	s10 =	simm.s32 $0xB000  }
0x68: {  	[tilespmem:s10], [sflag:$0x1] =	stream.indirect_vreg.gather [hbm4b:s5+s3], $0x80, v3, vm0, $0xb8;
	[tilespmem:$0x18180] =	vst v63  }
0x69: {  	s10 =	simm.s32 $0xB800  }
0x6a: {  	[tilespmem:s10], [sflag:$0x1] =	stream.indirect_vreg.gather [hbm4b:s6+s3], $0x80, v3, vm0, $0xb8;
	[tilespmem:$0x18180] =	vst v63  }
0x6b: {  	_ =	swait.ge [sflag:s4], $0xC000  }
0x6c: {  	[sflag:s4] =	ssyncset.done $0x0  }
0x6d: {  	s0 =	rddreg [dreg:$0xa];
	[sflag:s4] =	ssyncadd.s32 $0xFFFF4000  }
0x6e: {  	[hbm4b:s0+s3] =	stream.linear.scatter [tilespmem:s3], [sflag:$0x3], $0xC000, $0x38;
	[tilespmem:$0x18180] =	vst v63  }
0x6f: {  	v3 =	vld [tilespmem:$0x18040];
	_ =	sdelay $0x4  }
0x70: {  	v44 =	vshrl.u32 v3, $0x3  }
0x71: {  	v4 =	vmul.u32 $0x30, v44  }
0x72: {  	v3 =	vand.u32 $0x7, v3  }
0x73: {  	v3 =	vor.u32 v3, v4  }
0x74: {  	v4 =	vperm.xlane v3, v0;
	_ =	sdelay $0x1  }
0x75: {  	v4 =	vadd.s32 v1, v4;
	_ =	sdelay $0x3  }
0x76: {  	s0 =	simm.s32 $0xC000;
	v3 =	vperm.xlane v3, v2  }
0x77: {  	[tilespmem:s0], [sflag:$0x2] =	stream.indirect_vreg.gather [hbm4b:s2+s3], $0x80, v4, vm0, $0xb8;
	[tilespmem:$0x18180] =	vst v63  }
0x78: {  	s10 =	simm.s32 $0xC800;
	v3 =	vadd.s32 v1, v3  }
0x79: {  	[tilespmem:s10], [sflag:$0x2] =	stream.indirect_vreg.gather [hbm4b:s5+s3], $0x80, v4, vm0, $0xb8;
	[tilespmem:$0x18180] =	vst v63  }
0x7a: {  	s10 =	simm.s32 $0xD000  }
0x7b: {  	[tilespmem:s10], [sflag:$0x2] =	stream.indirect_vreg.gather [hbm4b:s6+s3], $0x80, v4, vm0, $0xb8;
	[tilespmem:$0x18180] =	vst v63  }
0x7c: {  	s10 =	simm.s32 $0xD800  }
0x7d: {  	[tilespmem:s10], [sflag:$0x2] =	stream.indirect_vreg.gather [hbm4b:s2+s3], $0x80, v3, vm0, $0xb8;
	[tilespmem:$0x18180] =	vst v63  }
0x7e: {  	s10 =	simm.s32 $0xE000  }
0x7f: {  	[tilespmem:s10], [sflag:$0x2] =	stream.indirect_vreg.gather [hbm4b:s5+s3], $0x80, v3, vm0, $0xb8;
	[tilespmem:$0x18180] =	vst v63  }
0x80: {  	s10 =	simm.s32 $0xE800  }
0x81: {  	[tilespmem:s10], [sflag:$0x2] =	stream.indirect_vreg.gather [hbm4b:s6+s3], $0x80, v3, vm0, $0xb8;
	[tilespmem:$0x18180] =	vst v63  }
0x82: {  	v3 =	vld [tilespmem:$0x18050];
	_ =	sdelay $0x4  }
0x83: {  	v45 =	vshrl.u32 v3, $0x3  }
0x84: {  	v4 =	vmul.u32 $0x30, v45  }
0x85: {  	v3 =	vand.u32 $0x7, v3  }
0x86: {  	v3 =	vor.u32 v3, v4  }
0x87: {  	v4 =	vperm.xlane v3, v0;
	_ =	sdelay $0x1  }
0x88: {  	v4 =	vadd.s32 v1, v4;
	_ =	sdelay $0x3  }
0x89: {  	s10 =	simm.s32 $0xF000;
	v3 =	vperm.xlane v3, v2  }
0x8a: {  	[tilespmem:s10], [sflag:$0x2] =	stream.indirect_vreg.gather [hbm4b:s2+s3], $0x80, v4, vm0, $0xb8;
	[tilespmem:$0x18180] =	vst v63  }
0x8b: {  	v3 =	vadd.s32 v1, v3;
	s10 =	simm.s32 $0xF800  }
0x8c: {  	[tilespmem:s10], [sflag:$0x2] =	stream.indirect_vreg.gather [hbm4b:s5+s3], $0x80, v4, vm0, $0xb8;
	[tilespmem:$0x18180] =	vst v63  }
0x8d: {  	s10 =	simm.s32 $0x10000  }
0x8e: {  	[tilespmem:s10], [sflag:$0x2] =	stream.indirect_vreg.gather [hbm4b:s6+s3], $0x80, v4, vm0, $0xb8;
	[tilespmem:$0x18180] =	vst v63  }
0x8f: {  	s10 =	simm.s32 $0x10800  }
0x90: {  	[tilespmem:s10], [sflag:$0x2] =	stream.indirect_vreg.gather [hbm4b:s2+s3], $0x80, v3, vm0, $0xb8;
	[tilespmem:$0x18180] =	vst v63  }
0x91: {  	s10 =	simm.s32 $0x11000  }
0x92: {  	[tilespmem:s10], [sflag:$0x2] =	stream.indirect_vreg.gather [hbm4b:s5+s3], $0x80, v3, vm0, $0xb8;
	[tilespmem:$0x18180] =	vst v63  }
0x93: {  	s10 =	simm.s32 $0x11800  }
0x94: {  	[tilespmem:s10], [sflag:$0x2] =	stream.indirect_vreg.gather [hbm4b:s6+s3], $0x80, v3, vm0, $0xb8;
	[tilespmem:$0x18180] =	vst v63  }
0x95: {  	v3 =	vld [tilespmem:$0x18060];
	_ =	sdelay $0x4  }
0x96: {  	v46 =	vshrl.u32 v3, $0x3  }
0x97: {  	v4 =	vmul.u32 $0x30, v46  }
0x98: {  	v3 =	vand.u32 $0x7, v3  }
0x99: {  	v3 =	vor.u32 v3, v4  }
0x9a: {  	v4 =	vperm.xlane v3, v0;
	_ =	sdelay $0x1  }
0x9b: {  	v4 =	vadd.s32 v1, v4;
	_ =	sdelay $0x3  }
0x9c: {  	s10 =	simm.s32 $0x12000;
	v3 =	vperm.xlane v3, v2  }
0x9d: {  	[tilespmem:s10], [sflag:$0x2] =	stream.indirect_vreg.gather [hbm4b:s2+s3], $0x80, v4, vm0, $0xb8;
	[tilespmem:$0x18180] =	vst v63  }
0x9e: {  	v3 =	vadd.s32 v1, v3;
	s10 =	simm.s32 $0x12800  }
0x9f: {  	[tilespmem:s10], [sflag:$0x2] =	stream.indirect_vreg.gather [hbm4b:s5+s3], $0x80, v4, vm0, $0xb8;
	[tilespmem:$0x18180] =	vst v63  }
0xa0: {  	s10 =	simm.s32 $0x13000  }
0xa1: {  	[tilespmem:s10], [sflag:$0x2] =	stream.indirect_vreg.gather [hbm4b:s6+s3], $0x80, v4, vm0, $0xb8;
	[tilespmem:$0x18180] =	vst v63  }
0xa2: {  	s10 =	simm.s32 $0x13800  }
0xa3: {  	[tilespmem:s10], [sflag:$0x2] =	stream.indirect_vreg.gather [hbm4b:s2+s3], $0x80, v3, vm0, $0xb8;
	[tilespmem:$0x18180] =	vst v63  }
0xa4: {  	s10 =	simm.s32 $0x14000  }
0xa5: {  	[tilespmem:s10], [sflag:$0x2] =	stream.indirect_vreg.gather [hbm4b:s5+s3], $0x80, v3, vm0, $0xb8;
	[tilespmem:$0x18180] =	vst v63  }
0xa6: {  	s10 =	simm.s32 $0x14800  }
0xa7: {  	[tilespmem:s10], [sflag:$0x2] =	stream.indirect_vreg.gather [hbm4b:s6+s3], $0x80, v3, vm0, $0xb8;
	[tilespmem:$0x18180] =	vst v63  }
0xa8: {  	v3 =	vld [tilespmem:$0x18070];
	_ =	sdelay $0x4  }
0xa9: {  	v47 =	vshrl.u32 v3, $0x3  }
0xaa: {  	v4 =	vmul.u32 $0x30, v47  }
0xab: {  	v3 =	vand.u32 $0x7, v3  }
0xac: {  	v3 =	vor.u32 v3, v4  }
0xad: {  	v4 =	vperm.xlane v3, v0;
	_ =	sdelay $0x1  }
0xae: {  	v4 =	vadd.s32 v1, v4;
	_ =	sdelay $0x3  }
0xaf: {  	s10 =	simm.s32 $0x15000;
	v3 =	vperm.xlane v3, v2  }
0xb0: {  	[tilespmem:s10], [sflag:$0x2] =	stream.indirect_vreg.gather [hbm4b:s2+s3], $0x80, v4, vm0, $0xb8;
	[tilespmem:$0x18180] =	vst v63  }
0xb1: {  	v3 =	vadd.s32 v1, v3;
	s10 =	simm.s32 $0x15800  }
0xb2: {  	[tilespmem:s10], [sflag:$0x2] =	stream.indirect_vreg.gather [hbm4b:s5+s3], $0x80, v4, vm0, $0xb8;
	[tilespmem:$0x18180] =	vst v63  }
0xb3: {  	s10 =	simm.s32 $0x16000  }
0xb4: {  	[tilespmem:s10], [sflag:$0x2] =	stream.indirect_vreg.gather [hbm4b:s6+s3], $0x80, v4, vm0, $0xb8;
	[tilespmem:$0x18180] =	vst v63  }
0xb5: {  	s10 =	simm.s32 $0x16800  }
0xb6: {  	[tilespmem:s10], [sflag:$0x2] =	stream.indirect_vreg.gather [hbm4b:s2+s3], $0x80, v3, vm0, $0xb8;
	[tilespmem:$0x18180] =	vst v63  }
0xb7: {  	s10 =	simm.s32 $0x17000  }
0xb8: {  	[tilespmem:s10], [sflag:$0x2] =	stream.indirect_vreg.gather [hbm4b:s5+s3], $0x80, v3, vm0, $0xb8;
	[tilespmem:$0x18180] =	vst v63  }
0xb9: {  	s10 =	simm.s32 $0x17800  }
0xba: {  	[tilespmem:s10], [sflag:$0x2] =	stream.indirect_vreg.gather [hbm4b:s6+s3], $0x80, v3, vm0, $0xb8;
	[tilespmem:$0x18180] =	vst v63  }
0xbb: {  	_ =	swait.ge [sflag:s1], $0xC000  }
0xbc: {  	[sflag:s1] =	ssyncset.done $0x0  }
0xbd: {  	s10 =	rddreg [dreg:$0x4];
	[sflag:s1] =	ssyncadd.s32 $0xFFFF4000  }
0xbe: {  	[hbm4b:s10+s3] =	stream.linear.scatter [tilespmem:s0], [sflag:$0x4], $0xC000, $0x38;
	[tilespmem:$0x18180] =	vst v63  }
0xbf: {  	_ =	swait.ge [sflag:s8], $0xC000  }
0xc0: {  	[sflag:s8] =	ssyncset.done $0x0  }
0xc1: {  	[sflag:s8] =	ssyncadd.s32 $0xFFFF4000  }
0xc2: {  	v3 =	vld [tilespmem:$0x18080];
	_ =	sdelay $0x4  }
0xc3: {  	v48 =	vshrl.u32 v3, $0x3  }
0xc4: {  	v4 =	vmul.u32 $0x30, v48  }
0xc5: {  	v3 =	vand.u32 $0x7, v3  }
0xc6: {  	v3 =	vor.u32 v3, v4  }
0xc7: {  	v4 =	vperm.xlane v3, v0;
	_ =	sdelay $0x1  }
0xc8: {  	v4 =	vadd.s32 v1, v4;
	_ =	sdelay $0x3  }
0xc9: {  	v3 =	vperm.xlane v3, v2  }
0xca: {  	[tilespmem:s3], [sflag:$0x1] =	stream.indirect_vreg.gather [hbm4b:s2+s3], $0x80, v4, vm0, $0xb8;
	[tilespmem:$0x18180] =	vst v63  }
0xcb: {  	v3 =	vadd.s32 v1, v3  }
0xcc: {  	[tilespmem:s11], [sflag:$0x1] =	stream.indirect_vreg.gather [hbm4b:s5+s3], $0x80, v4, vm0, $0xb8;
	[tilespmem:$0x18180] =	vst v63  }
0xcd: {  	_ = 	snop  }
0xce: {  	[tilespmem:s12], [sflag:$0x1] =	stream.indirect_vreg.gather [hbm4b:s6+s3], $0x80, v4, vm0, $0xb8;
	[tilespmem:$0x18180] =	vst v63  }
0xcf: {  	_ = 	snop  }
0xd0: {  	[tilespmem:s13], [sflag:$0x1] =	stream.indirect_vreg.gather [hbm4b:s2+s3], $0x80, v3, vm0, $0xb8;
	[tilespmem:$0x18180] =	vst v63  }
0xd1: {  	_ = 	snop  }
0xd2: {  	[tilespmem:s14], [sflag:$0x1] =	stream.indirect_vreg.gather [hbm4b:s5+s3], $0x80, v3, vm0, $0xb8;
	[tilespmem:$0x18180] =	vst v63  }
0xd3: {  	_ = 	snop  }
0xd4: {  	[tilespmem:s15], [sflag:$0x1] =	stream.indirect_vreg.gather [hbm4b:s6+s3], $0x80, v3, vm0, $0xb8;
	[tilespmem:$0x18180] =	vst v63  }
0xd5: {  	v3 =	vld [tilespmem:$0x18090];
	_ =	sdelay $0x4  }
0xd6: {  	v49 =	vshrl.u32 v3, $0x3  }
0xd7: {  	v4 =	vmul.u32 $0x30, v49  }
0xd8: {  	v3 =	vand.u32 $0x7, v3  }
0xd9: {  	v3 =	vor.u32 v3, v4  }
0xda: {  	v4 =	vperm.xlane v3, v0;
	_ =	sdelay $0x1  }
0xdb: {  	v4 =	vadd.s32 v1, v4;
	_ =	sdelay $0x3  }
0xdc: {  	v3 =	vperm.xlane v3, v2  }
0xdd: {  	[tilespmem:s16], [sflag:$0x1] =	stream.indirect_vreg.gather [hbm4b:s2+s3], $0x80, v4, vm0, $0xb8;
	[tilespmem:$0x18180] =	vst v63  }
0xde: {  	v3 =	vadd.s32 v1, v3  }
0xdf: {  	[tilespmem:s17], [sflag:$0x1] =	stream.indirect_vreg.gather [hbm4b:s5+s3], $0x80, v4, vm0, $0xb8;
	[tilespmem:$0x18180] =	vst v63  }
0xe0: {  	_ = 	snop  }
0xe1: {  	[tilespmem:s18], [sflag:$0x1] =	stream.indirect_vreg.gather [hbm4b:s6+s3], $0x80, v4, vm0, $0xb8;
	[tilespmem:$0x18180] =	vst v63  }
0xe2: {  	_ = 	snop  }
0xe3: {  	[tilespmem:s19], [sflag:$0x1] =	stream.indirect_vreg.gather [hbm4b:s2+s3], $0x80, v3, vm0, $0xb8;
	[tilespmem:$0x18180] =	vst v63  }
0xe4: {  	_ = 	snop  }
0xe5: {  	[tilespmem:s20], [sflag:$0x1] =	stream.indirect_vreg.gather [hbm4b:s5+s3], $0x80, v3, vm0, $0xb8;
	[tilespmem:$0x18180] =	vst v63  }
0xe6: {  	_ = 	snop  }
0xe7: {  	[tilespmem:s21], [sflag:$0x1] =	stream.indirect_vreg.gather [hbm4b:s6+s3], $0x80, v3, vm0, $0xb8;
	[tilespmem:$0x18180] =	vst v63  }
0xe8: {  	v3 =	vld [tilespmem:$0x180A0];
	_ =	sdelay $0x4  }
0xe9: {  	v50 =	vshrl.u32 v3, $0x3  }
0xea: {  	v4 =	vmul.u32 $0x30, v50  }
0xeb: {  	v3 =	vand.u32 $0x7, v3  }
0xec: {  	v3 =	vor.u32 v3, v4  }
0xed: {  	v4 =	vperm.xlane v3, v0;
	_ =	sdelay $0x1  }
0xee: {  	v4 =	vadd.s32 v1, v4;
	_ =	sdelay $0x3  }
0xef: {  	v3 =	vperm.xlane v3, v2  }
0xf0: {  	[tilespmem:s22], [sflag:$0x1] =	stream.indirect_vreg.gather [hbm4b:s2+s3], $0x80, v4, vm0, $0xb8;
	[tilespmem:$0x18180] =	vst v63  }
0xf1: {  	v3 =	vadd.s32 v1, v3  }
0xf2: {  	[tilespmem:s23], [sflag:$0x1] =	stream.indirect_vreg.gather [hbm4b:s5+s3], $0x80, v4, vm0, $0xb8;
	[tilespmem:$0x18180] =	vst v63  }
0xf3: {  	_ = 	snop  }
0xf4: {  	[tilespmem:s24], [sflag:$0x1] =	stream.indirect_vreg.gather [hbm4b:s6+s3], $0x80, v4, vm0, $0xb8;
	[tilespmem:$0x18180] =	vst v63  }
0xf5: {  	_ = 	snop  }
0xf6: {  	[tilespmem:s25], [sflag:$0x1] =	stream.indirect_vreg.gather [hbm4b:s2+s3], $0x80, v3, vm0, $0xb8;
	[tilespmem:$0x18180] =	vst v63  }
0xf7: {  	_ = 	snop  }
0xf8: {  	[tilespmem:s26], [sflag:$0x1] =	stream.indirect_vreg.gather [hbm4b:s5+s3], $0x80, v3, vm0, $0xb8;
	[tilespmem:$0x18180] =	vst v63  }
0xf9: {  	_ = 	snop  }
0xfa: {  	[tilespmem:s28], [sflag:$0x1] =	stream.indirect_vreg.gather [hbm4b:s6+s3], $0x80, v3, vm0, $0xb8;
	[tilespmem:$0x18180] =	vst v63  }
0xfb: {  	v3 =	vld [tilespmem:$0x180B0];
	_ =	sdelay $0x4  }
0xfc: {  	v51 =	vshrl.u32 v3, $0x3  }
0xfd: {  	v4 =	vmul.u32 $0x30, v51  }
0xfe: {  	v3 =	vand.u32 $0x7, v3  }
0xff: {  	v3 =	vor.u32 v3, v4  }
0x100: {  	v4 =	vperm.xlane v3, v0;
	_ =	sdelay $0x1  }
0x101: {  	v4 =	vadd.s32 v1, v4;
	_ =	sdelay $0x3  }
0x102: {  	v3 =	vperm.xlane v3, v2  }
0x103: {  	[tilespmem:s29], [sflag:$0x1] =	stream.indirect_vreg.gather [hbm4b:s2+s3], $0x80, v4, vm0, $0xb8;
	[tilespmem:$0x18180] =	vst v63  }
0x104: {  	v3 =	vadd.s32 v1, v3  }
0x105: {  	[tilespmem:s30], [sflag:$0x1] =	stream.indirect_vreg.gather [hbm4b:s5+s3], $0x80, v4, vm0, $0xb8;
	[tilespmem:$0x18180] =	vst v63  }
0x106: {  	_ = 	snop  }
0x107: {  	[tilespmem:s31], [sflag:$0x1] =	stream.indirect_vreg.gather [hbm4b:s6+s3], $0x80, v4, vm0, $0xb8;
	[tilespmem:$0x18180] =	vst v63  }
0x108: {  	s10 =	simm.s32 $0xA800  }
0x109: {  	[tilespmem:s10], [sflag:$0x1] =	stream.indirect_vreg.gather [hbm4b:s2+s3], $0x80, v3, vm0, $0xb8;
	[tilespmem:$0x18180] =	vst v63  }
0x10a: {  	s10 =	simm.s32 $0xB000  }
0x10b: {  	[tilespmem:s10], [sflag:$0x1] =	stream.indirect_vreg.gather [hbm4b:s5+s3], $0x80, v3, vm0, $0xb8;
	[tilespmem:$0x18180] =	vst v63  }
0x10c: {  	s10 =	simm.s32 $0xB800  }
0x10d: {  	[tilespmem:s10], [sflag:$0x1] =	stream.indirect_vreg.gather [hbm4b:s6+s3], $0x80, v3, vm0, $0xb8;
	[tilespmem:$0x18180] =	vst v63  }
0x10e: {  	_ =	swait.ge [sflag:s4], $0xC000  }
0x10f: {  	[sflag:s4] =	ssyncset.done $0x0  }
0x110: {  	s10 =	rddreg [dreg:$0x5];
	[sflag:s4] =	ssyncadd.s32 $0xFFFF4000  }
0x111: {  	[hbm4b:s10+s3] =	stream.linear.scatter [tilespmem:s3], [sflag:$0x3], $0xC000, $0x38;
	[tilespmem:$0x18180] =	vst v63  }
0x112: {  	_ =	swait.ge [sflag:s9], $0xC000  }
0x113: {  	[sflag:s9] =	ssyncset.done $0x0  }
0x114: {  	[sflag:s9] =	ssyncadd.s32 $0xFFFF4000  }
0x115: {  	v3 =	vld [tilespmem:$0x180C0];
	_ =	sdelay $0x4  }
0x116: {  	v52 =	vshrl.u32 v3, $0x3  }
0x117: {  	v4 =	vmul.u32 $0x30, v52  }
0x118: {  	v3 =	vand.u32 $0x7, v3  }
0x119: {  	v3 =	vor.u32 v3, v4  }
0x11a: {  	v4 =	vperm.xlane v3, v0;
	_ =	sdelay $0x1  }
0x11b: {  	v4 =	vadd.s32 v1, v4;
	_ =	sdelay $0x3  }
0x11c: {  	v3 =	vperm.xlane v3, v2  }
0x11d: {  	[tilespmem:s0], [sflag:$0x2] =	stream.indirect_vreg.gather [hbm4b:s2+s3], $0x80, v4, vm0, $0xb8;
	[tilespmem:$0x18180] =	vst v63  }
0x11e: {  	s10 =	simm.s32 $0xC800;
	v3 =	vadd.s32 v1, v3  }
0x11f: {  	[tilespmem:s10], [sflag:$0x2] =	stream.indirect_vreg.gather [hbm4b:s5+s3], $0x80, v4, vm0, $0xb8;
	[tilespmem:$0x18180] =	vst v63  }
0x120: {  	s10 =	simm.s32 $0xD000  }
0x121: {  	[tilespmem:s10], [sflag:$0x2] =	stream.indirect_vreg.gather [hbm4b:s6+s3], $0x80, v4, vm0, $0xb8;
	[tilespmem:$0x18180] =	vst v63  }
0x122: {  	s10 =	simm.s32 $0xD800  }
0x123: {  	[tilespmem:s10], [sflag:$0x2] =	stream.indirect_vreg.gather [hbm4b:s2+s3], $0x80, v3, vm0, $0xb8;
	[tilespmem:$0x18180] =	vst v63  }
0x124: {  	s10 =	simm.s32 $0xE000  }
0x125: {  	[tilespmem:s10], [sflag:$0x2] =	stream.indirect_vreg.gather [hbm4b:s5+s3], $0x80, v3, vm0, $0xb8;
	[tilespmem:$0x18180] =	vst v63  }
0x126: {  	s10 =	simm.s32 $0xE800  }
0x127: {  	[tilespmem:s10], [sflag:$0x2] =	stream.indirect_vreg.gather [hbm4b:s6+s3], $0x80, v3, vm0, $0xb8;
	[tilespmem:$0x18180] =	vst v63  }
0x128: {  	v3 =	vld [tilespmem:$0x180D0];
	_ =	sdelay $0x4  }
0x129: {  	v53 =	vshrl.u32 v3, $0x3  }
0x12a: {  	v4 =	vmul.u32 $0x30, v53  }
0x12b: {  	v3 =	vand.u32 $0x7, v3  }
0x12c: {  	v3 =	vor.u32 v3, v4  }
0x12d: {  	v4 =	vperm.xlane v3, v0;
	_ =	sdelay $0x1  }
0x12e: {  	v4 =	vadd.s32 v1, v4;
	_ =	sdelay $0x3  }
0x12f: {  	s10 =	simm.s32 $0xF000;
	v3 =	vperm.xlane v3, v2  }
0x130: {  	[tilespmem:s10], [sflag:$0x2] =	stream.indirect_vreg.gather [hbm4b:s2+s3], $0x80, v4, vm0, $0xb8;
	[tilespmem:$0x18180] =	vst v63  }
0x131: {  	v3 =	vadd.s32 v1, v3;
	s10 =	simm.s32 $0xF800  }
0x132: {  	[tilespmem:s10], [sflag:$0x2] =	stream.indirect_vreg.gather [hbm4b:s5+s3], $0x80, v4, vm0, $0xb8;
	[tilespmem:$0x18180] =	vst v63  }
0x133: {  	s10 =	simm.s32 $0x10000  }
0x134: {  	[tilespmem:s10], [sflag:$0x2] =	stream.indirect_vreg.gather [hbm4b:s6+s3], $0x80, v4, vm0, $0xb8;
	[tilespmem:$0x18180] =	vst v63  }
0x135: {  	s10 =	simm.s32 $0x10800  }
0x136: {  	[tilespmem:s10], [sflag:$0x2] =	stream.indirect_vreg.gather [hbm4b:s2+s3], $0x80, v3, vm0, $0xb8;
	[tilespmem:$0x18180] =	vst v63  }
0x137: {  	s10 =	simm.s32 $0x11000  }
0x138: {  	[tilespmem:s10], [sflag:$0x2] =	stream.indirect_vreg.gather [hbm4b:s5+s3], $0x80, v3, vm0, $0xb8;
	[tilespmem:$0x18180] =	vst v63  }
0x139: {  	s10 =	simm.s32 $0x11800  }
0x13a: {  	[tilespmem:s10], [sflag:$0x2] =	stream.indirect_vreg.gather [hbm4b:s6+s3], $0x80, v3, vm0, $0xb8;
	[tilespmem:$0x18180] =	vst v63  }
0x13b: {  	v3 =	vld [tilespmem:$0x180E0];
	_ =	sdelay $0x4  }
0x13c: {  	v54 =	vshrl.u32 v3, $0x3  }
0x13d: {  	v4 =	vmul.u32 $0x30, v54  }
0x13e: {  	v3 =	vand.u32 $0x7, v3  }
0x13f: {  	v3 =	vor.u32 v3, v4  }
0x140: {  	v4 =	vperm.xlane v3, v0;
	_ =	sdelay $0x1  }
0x141: {  	v4 =	vadd.s32 v1, v4;
	_ =	sdelay $0x3  }
0x142: {  	s10 =	simm.s32 $0x12000;
	v3 =	vperm.xlane v3, v2  }
0x143: {  	[tilespmem:s10], [sflag:$0x2] =	stream.indirect_vreg.gather [hbm4b:s2+s3], $0x80, v4, vm0, $0xb8;
	[tilespmem:$0x18180] =	vst v63  }
0x144: {  	v3 =	vadd.s32 v1, v3;
	s10 =	simm.s32 $0x12800  }
0x145: {  	[tilespmem:s10], [sflag:$0x2] =	stream.indirect_vreg.gather [hbm4b:s5+s3], $0x80, v4, vm0, $0xb8;
	[tilespmem:$0x18180] =	vst v63  }
0x146: {  	s10 =	simm.s32 $0x13000  }
0x147: {  	[tilespmem:s10], [sflag:$0x2] =	stream.indirect_vreg.gather [hbm4b:s6+s3], $0x80, v4, vm0, $0xb8;
	[tilespmem:$0x18180] =	vst v63  }
0x148: {  	s10 =	simm.s32 $0x13800  }
0x149: {  	[tilespmem:s10], [sflag:$0x2] =	stream.indirect_vreg.gather [hbm4b:s2+s3], $0x80, v3, vm0, $0xb8;
	[tilespmem:$0x18180] =	vst v63  }
0x14a: {  	s10 =	simm.s32 $0x14000  }
0x14b: {  	[tilespmem:s10], [sflag:$0x2] =	stream.indirect_vreg.gather [hbm4b:s5+s3], $0x80, v3, vm0, $0xb8;
	[tilespmem:$0x18180] =	vst v63  }
0x14c: {  	s10 =	simm.s32 $0x14800  }
0x14d: {  	[tilespmem:s10], [sflag:$0x2] =	stream.indirect_vreg.gather [hbm4b:s6+s3], $0x80, v3, vm0, $0xb8;
	[tilespmem:$0x18180] =	vst v63  }
0x14e: {  	v3 =	vld [tilespmem:$0x180F0];
	_ =	sdelay $0x4  }
0x14f: {  	v55 =	vshrl.u32 v3, $0x3  }
0x150: {  	v4 =	vmul.u32 $0x30, v55  }
0x151: {  	v3 =	vand.u32 $0x7, v3  }
0x152: {  	v3 =	vor.u32 v3, v4  }
0x153: {  	v4 =	vperm.xlane v3, v0;
	_ =	sdelay $0x1  }
0x154: {  	v4 =	vadd.s32 v1, v4;
	_ =	sdelay $0x3  }
0x155: {  	s10 =	simm.s32 $0x15000;
	v3 =	vperm.xlane v3, v2  }
0x156: {  	[tilespmem:s10], [sflag:$0x2] =	stream.indirect_vreg.gather [hbm4b:s2+s3], $0x80, v4, vm0, $0xb8;
	[tilespmem:$0x18180] =	vst v63  }
0x157: {  	v3 =	vadd.s32 v1, v3;
	s10 =	simm.s32 $0x15800  }
0x158: {  	[tilespmem:s10], [sflag:$0x2] =	stream.indirect_vreg.gather [hbm4b:s5+s3], $0x80, v4, vm0, $0xb8;
	[tilespmem:$0x18180] =	vst v63  }
0x159: {  	s10 =	simm.s32 $0x16000  }
0x15a: {  	[tilespmem:s10], [sflag:$0x2] =	stream.indirect_vreg.gather [hbm4b:s6+s3], $0x80, v4, vm0, $0xb8;
	[tilespmem:$0x18180] =	vst v63  }
0x15b: {  	s10 =	simm.s32 $0x16800  }
0x15c: {  	[tilespmem:s10], [sflag:$0x2] =	stream.indirect_vreg.gather [hbm4b:s2+s3], $0x80, v3, vm0, $0xb8;
	[tilespmem:$0x18180] =	vst v63  }
0x15d: {  	s10 =	simm.s32 $0x17000  }
0x15e: {  	[tilespmem:s10], [sflag:$0x2] =	stream.indirect_vreg.gather [hbm4b:s5+s3], $0x80, v3, vm0, $0xb8;
	[tilespmem:$0x18180] =	vst v63  }
0x15f: {  	s10 =	simm.s32 $0x17800  }
0x160: {  	[tilespmem:s10], [sflag:$0x2] =	stream.indirect_vreg.gather [hbm4b:s6+s3], $0x80, v3, vm0, $0xb8;
	[tilespmem:$0x18180] =	vst v63  }
0x161: {  	_ =	swait.ge [sflag:s1], $0xC000  }
0x162: {  	[sflag:s1] =	ssyncset.done $0x0  }
0x163: {  	s10 =	rddreg [dreg:$0x6];
	[sflag:s1] =	ssyncadd.s32 $0xFFFF4000  }
0x164: {  	[hbm4b:s10+s3] =	stream.linear.scatter [tilespmem:s0], [sflag:$0x4], $0xC000, $0x38;
	[tilespmem:$0x18180] =	vst v63  }
0x165: {  	_ =	swait.ge [sflag:s8], $0xC000  }
0x166: {  	[sflag:s8] =	ssyncset.done $0x0  }
0x167: {  	[sflag:s8] =	ssyncadd.s32 $0xFFFF4000  }
0x168: {  	v3 =	vld [tilespmem:$0x18100];
	_ =	sdelay $0x4  }
0x169: {  	v56 =	vshrl.u32 v3, $0x3  }
0x16a: {  	v4 =	vmul.u32 $0x30, v56  }
0x16b: {  	v3 =	vand.u32 $0x7, v3  }
0x16c: {  	v3 =	vor.u32 v3, v4  }
0x16d: {  	v4 =	vperm.xlane v3, v0;
	_ =	sdelay $0x1  }
0x16e: {  	v4 =	vadd.s32 v1, v4;
	_ =	sdelay $0x3  }
0x16f: {  	v3 =	vperm.xlane v3, v2  }
0x170: {  	[tilespmem:s3], [sflag:$0x1] =	stream.indirect_vreg.gather [hbm4b:s2+s3], $0x80, v4, vm0, $0xb8;
	[tilespmem:$0x18180] =	vst v63  }
0x171: {  	v3 =	vadd.s32 v1, v3  }
0x172: {  	[tilespmem:s11], [sflag:$0x1] =	stream.indirect_vreg.gather [hbm4b:s5+s3], $0x80, v4, vm0, $0xb8;
	[tilespmem:$0x18180] =	vst v63  }
0x173: {  	_ = 	snop  }
0x174: {  	[tilespmem:s12], [sflag:$0x1] =	stream.indirect_vreg.gather [hbm4b:s6+s3], $0x80, v4, vm0, $0xb8;
	[tilespmem:$0x18180] =	vst v63  }
0x175: {  	_ = 	snop  }
0x176: {  	[tilespmem:s13], [sflag:$0x1] =	stream.indirect_vreg.gather [hbm4b:s2+s3], $0x80, v3, vm0, $0xb8;
	[tilespmem:$0x18180] =	vst v63  }
0x177: {  	_ = 	snop  }
0x178: {  	[tilespmem:s14], [sflag:$0x1] =	stream.indirect_vreg.gather [hbm4b:s5+s3], $0x80, v3, vm0, $0xb8;
	[tilespmem:$0x18180] =	vst v63  }
0x179: {  	_ = 	snop  }
0x17a: {  	[tilespmem:s15], [sflag:$0x1] =	stream.indirect_vreg.gather [hbm4b:s6+s3], $0x80, v3, vm0, $0xb8;
	[tilespmem:$0x18180] =	vst v63  }
0x17b: {  	v3 =	vld [tilespmem:$0x18110];
	_ =	sdelay $0x4  }
0x17c: {  	v57 =	vshrl.u32 v3, $0x3  }
0x17d: {  	v4 =	vmul.u32 $0x30, v57  }
0x17e: {  	v3 =	vand.u32 $0x7, v3  }
0x17f: {  	v3 =	vor.u32 v3, v4  }
0x180: {  	v4 =	vperm.xlane v3, v0;
	_ =	sdelay $0x1  }
0x181: {  	v4 =	vadd.s32 v1, v4;
	_ =	sdelay $0x3  }
0x182: {  	v3 =	vperm.xlane v3, v2  }
0x183: {  	[tilespmem:s16], [sflag:$0x1] =	stream.indirect_vreg.gather [hbm4b:s2+s3], $0x80, v4, vm0, $0xb8;
	[tilespmem:$0x18180] =	vst v63  }
0x184: {  	v3 =	vadd.s32 v1, v3  }
0x185: {  	[tilespmem:s17], [sflag:$0x1] =	stream.indirect_vreg.gather [hbm4b:s5+s3], $0x80, v4, vm0, $0xb8;
	[tilespmem:$0x18180] =	vst v63  }
0x186: {  	_ = 	snop  }
0x187: {  	[tilespmem:s18], [sflag:$0x1] =	stream.indirect_vreg.gather [hbm4b:s6+s3], $0x80, v4, vm0, $0xb8;
	[tilespmem:$0x18180] =	vst v63  }
0x188: {  	_ = 	snop  }
0x189: {  	[tilespmem:s19], [sflag:$0x1] =	stream.indirect_vreg.gather [hbm4b:s2+s3], $0x80, v3, vm0, $0xb8;
	[tilespmem:$0x18180] =	vst v63  }
0x18a: {  	_ = 	snop  }
0x18b: {  	[tilespmem:s20], [sflag:$0x1] =	stream.indirect_vreg.gather [hbm4b:s5+s3], $0x80, v3, vm0, $0xb8;
	[tilespmem:$0x18180] =	vst v63  }
0x18c: {  	_ = 	snop  }
0x18d: {  	[tilespmem:s21], [sflag:$0x1] =	stream.indirect_vreg.gather [hbm4b:s6+s3], $0x80, v3, vm0, $0xb8;
	[tilespmem:$0x18180] =	vst v63  }
0x18e: {  	v3 =	vld [tilespmem:$0x18120];
	_ =	sdelay $0x4  }
0x18f: {  	v58 =	vshrl.u32 v3, $0x3  }
0x190: {  	v4 =	vmul.u32 $0x30, v58  }
0x191: {  	v3 =	vand.u32 $0x7, v3  }
0x192: {  	v3 =	vor.u32 v3, v4  }
0x193: {  	v4 =	vperm.xlane v3, v0;
	_ =	sdelay $0x1  }
0x194: {  	v4 =	vadd.s32 v1, v4;
	_ =	sdelay $0x3  }
0x195: {  	v3 =	vperm.xlane v3, v2  }
0x196: {  	[tilespmem:s22], [sflag:$0x1] =	stream.indirect_vreg.gather [hbm4b:s2+s3], $0x80, v4, vm0, $0xb8;
	[tilespmem:$0x18180] =	vst v63  }
0x197: {  	v3 =	vadd.s32 v1, v3  }
0x198: {  	[tilespmem:s23], [sflag:$0x1] =	stream.indirect_vreg.gather [hbm4b:s5+s3], $0x80, v4, vm0, $0xb8;
	[tilespmem:$0x18180] =	vst v63  }
0x199: {  	_ = 	snop  }
0x19a: {  	[tilespmem:s24], [sflag:$0x1] =	stream.indirect_vreg.gather [hbm4b:s6+s3], $0x80, v4, vm0, $0xb8;
	[tilespmem:$0x18180] =	vst v63  }
0x19b: {  	_ = 	snop  }
0x19c: {  	[tilespmem:s25], [sflag:$0x1] =	stream.indirect_vreg.gather [hbm4b:s2+s3], $0x80, v3, vm0, $0xb8;
	[tilespmem:$0x18180] =	vst v63  }
0x19d: {  	_ = 	snop  }
0x19e: {  	[tilespmem:s26], [sflag:$0x1] =	stream.indirect_vreg.gather [hbm4b:s5+s3], $0x80, v3, vm0, $0xb8;
	[tilespmem:$0x18180] =	vst v63  }
0x19f: {  	_ = 	snop  }
0x1a0: {  	[tilespmem:s28], [sflag:$0x1] =	stream.indirect_vreg.gather [hbm4b:s6+s3], $0x80, v3, vm0, $0xb8;
	[tilespmem:$0x18180] =	vst v63  }
0x1a1: {  	v3 =	vld [tilespmem:$0x18130];
	_ =	sdelay $0x4  }
0x1a2: {  	v59 =	vshrl.u32 v3, $0x3  }
0x1a3: {  	v4 =	vmul.u32 $0x30, v59  }
0x1a4: {  	v3 =	vand.u32 $0x7, v3  }
0x1a5: {  	v3 =	vor.u32 v3, v4  }
0x1a6: {  	v4 =	vperm.xlane v3, v0;
	_ =	sdelay $0x1  }
0x1a7: {  	v4 =	vadd.s32 v1, v4;
	_ =	sdelay $0x3  }
0x1a8: {  	v3 =	vperm.xlane v3, v2  }
0x1a9: {  	[tilespmem:s29], [sflag:$0x1] =	stream.indirect_vreg.gather [hbm4b:s2+s3], $0x80, v4, vm0, $0xb8;
	[tilespmem:$0x18180] =	vst v63  }
0x1aa: {  	v3 =	vadd.s32 v1, v3  }
0x1ab: {  	[tilespmem:s30], [sflag:$0x1] =	stream.indirect_vreg.gather [hbm4b:s5+s3], $0x80, v4, vm0, $0xb8;
	[tilespmem:$0x18180] =	vst v63  }
0x1ac: {  	_ = 	snop  }
0x1ad: {  	[tilespmem:s31], [sflag:$0x1] =	stream.indirect_vreg.gather [hbm4b:s6+s3], $0x80, v4, vm0, $0xb8;
	[tilespmem:$0x18180] =	vst v63  }
0x1ae: {  	s11 =	simm.s32 $0xA800  }
0x1af: {  	[tilespmem:s11], [sflag:$0x1] =	stream.indirect_vreg.gather [hbm4b:s2+s3], $0x80, v3, vm0, $0xb8;
	[tilespmem:$0x18180] =	vst v63  }
0x1b0: {  	s11 =	simm.s32 $0xB000  }
0x1b1: {  	[tilespmem:s11], [sflag:$0x1] =	stream.indirect_vreg.gather [hbm4b:s5+s3], $0x80, v3, vm0, $0xb8;
	[tilespmem:$0x18180] =	vst v63  }
0x1b2: {  	s11 =	simm.s32 $0xB800  }
0x1b3: {  	[tilespmem:s11], [sflag:$0x1] =	stream.indirect_vreg.gather [hbm4b:s6+s3], $0x80, v3, vm0, $0xb8;
	[tilespmem:$0x18180] =	vst v63  }
0x1b4: {  	_ =	swait.ge [sflag:s4], $0xC000  }
0x1b5: {  	[sflag:s4] =	ssyncset.done $0x0  }
0x1b6: {  	s11 =	rddreg [dreg:$0x7];
	[sflag:s4] =	ssyncadd.s32 $0xFFFF4000  }
0x1b7: {  	[hbm4b:s11+s3] =	stream.linear.scatter [tilespmem:s3], [sflag:$0x3], $0xC000, $0x38;
	[tilespmem:$0x18180] =	vst v63  }
0x1b8: {  	_ =	swait.ge [sflag:s9], $0xC000  }
0x1b9: {  	[sflag:s9] =	ssyncset.done $0x0  }
0x1ba: {  	[sflag:s9] =	ssyncadd.s32 $0xFFFF4000  }
0x1bb: {  	v3 =	vld [tilespmem:$0x18140];
	_ =	sdelay $0x4  }
0x1bc: {  	v60 =	vshrl.u32 v3, $0x3  }
0x1bd: {  	v4 =	vmul.u32 $0x30, v60  }
0x1be: {  	v3 =	vand.u32 $0x7, v3  }
0x1bf: {  	v3 =	vor.u32 v3, v4  }
0x1c0: {  	v4 =	vperm.xlane v3, v0;
	_ =	sdelay $0x1  }
0x1c1: {  	v4 =	vadd.s32 v1, v4;
	_ =	sdelay $0x3  }
0x1c2: {  	v3 =	vperm.xlane v3, v2  }
0x1c3: {  	[tilespmem:s0], [sflag:$0x2] =	stream.indirect_vreg.gather [hbm4b:s2+s3], $0x80, v4, vm0, $0xb8;
	[tilespmem:$0x18180] =	vst v63  }
0x1c4: {  	s11 =	simm.s32 $0xC800;
	v3 =	vadd.s32 v1, v3  }
0x1c5: {  	[tilespmem:s11], [sflag:$0x2] =	stream.indirect_vreg.gather [hbm4b:s5+s3], $0x80, v4, vm0, $0xb8;
	[tilespmem:$0x18180] =	vst v63  }
0x1c6: {  	s11 =	simm.s32 $0xD000  }
0x1c7: {  	[tilespmem:s11], [sflag:$0x2] =	stream.indirect_vreg.gather [hbm4b:s6+s3], $0x80, v4, vm0, $0xb8;
	[tilespmem:$0x18180] =	vst v63  }
0x1c8: {  	s11 =	simm.s32 $0xD800  }
0x1c9: {  	[tilespmem:s11], [sflag:$0x2] =	stream.indirect_vreg.gather [hbm4b:s2+s3], $0x80, v3, vm0, $0xb8;
	[tilespmem:$0x18180] =	vst v63  }
0x1ca: {  	s11 =	simm.s32 $0xE000  }
0x1cb: {  	[tilespmem:s11], [sflag:$0x2] =	stream.indirect_vreg.gather [hbm4b:s5+s3], $0x80, v3, vm0, $0xb8;
	[tilespmem:$0x18180] =	vst v63  }
0x1cc: {  	s11 =	simm.s32 $0xE800  }
0x1cd: {  	[tilespmem:s11], [sflag:$0x2] =	stream.indirect_vreg.gather [hbm4b:s6+s3], $0x80, v3, vm0, $0xb8;
	[tilespmem:$0x18180] =	vst v63  }
0x1ce: {  	v3 =	vld [tilespmem:$0x18150];
	_ =	sdelay $0x4  }
0x1cf: {  	v61 =	vshrl.u32 v3, $0x3  }
0x1d0: {  	v4 =	vmul.u32 $0x30, v61  }
0x1d1: {  	v3 =	vand.u32 $0x7, v3  }
0x1d2: {  	v3 =	vor.u32 v3, v4  }
0x1d3: {  	v4 =	vperm.xlane v3, v0;
	_ =	sdelay $0x1  }
0x1d4: {  	v4 =	vadd.s32 v1, v4;
	_ =	sdelay $0x3  }
0x1d5: {  	s11 =	simm.s32 $0xF000;
	v3 =	vperm.xlane v3, v2  }
0x1d6: {  	[tilespmem:s11], [sflag:$0x2] =	stream.indirect_vreg.gather [hbm4b:s2+s3], $0x80, v4, vm0, $0xb8;
	[tilespmem:$0x18180] =	vst v63  }
0x1d7: {  	v3 =	vadd.s32 v1, v3;
	s11 =	simm.s32 $0xF800  }
0x1d8: {  	[tilespmem:s11], [sflag:$0x2] =	stream.indirect_vreg.gather [hbm4b:s5+s3], $0x80, v4, vm0, $0xb8;
	[tilespmem:$0x18180] =	vst v63  }
0x1d9: {  	s11 =	simm.s32 $0x10000  }
0x1da: {  	[tilespmem:s11], [sflag:$0x2] =	stream.indirect_vreg.gather [hbm4b:s6+s3], $0x80, v4, vm0, $0xb8;
	[tilespmem:$0x18180] =	vst v63  }
0x1db: {  	s11 =	simm.s32 $0x10800  }
0x1dc: {  	[tilespmem:s11], [sflag:$0x2] =	stream.indirect_vreg.gather [hbm4b:s2+s3], $0x80, v3, vm0, $0xb8;
	[tilespmem:$0x18180] =	vst v63  }
0x1dd: {  	s11 =	simm.s32 $0x11000  }
0x1de: {  	[tilespmem:s11], [sflag:$0x2] =	stream.indirect_vreg.gather [hbm4b:s5+s3], $0x80, v3, vm0, $0xb8;
	[tilespmem:$0x18180] =	vst v63  }
0x1df: {  	s11 =	simm.s32 $0x11800  }
0x1e0: {  	[tilespmem:s11], [sflag:$0x2] =	stream.indirect_vreg.gather [hbm4b:s6+s3], $0x80, v3, vm0, $0xb8;
	[tilespmem:$0x18180] =	vst v63  }
0x1e1: {  	v3 =	vld [tilespmem:$0x18160];
	_ =	sdelay $0x4  }
0x1e2: {  	v62 =	vshrl.u32 v3, $0x3  }
0x1e3: {  	v4 =	vmul.u32 $0x30, v62  }
0x1e4: {  	v3 =	vand.u32 $0x7, v3  }
0x1e5: {  	v3 =	vor.u32 v3, v4  }
0x1e6: {  	v4 =	vperm.xlane v3, v0;
	_ =	sdelay $0x1  }
0x1e7: {  	v4 =	vadd.s32 v1, v4;
	_ =	sdelay $0x3  }
0x1e8: {  	s11 =	simm.s32 $0x12000;
	v3 =	vperm.xlane v3, v2  }
0x1e9: {  	[tilespmem:s11], [sflag:$0x2] =	stream.indirect_vreg.gather [hbm4b:s2+s3], $0x80, v4, vm0, $0xb8;
	[tilespmem:$0x18180] =	vst v63  }
0x1ea: {  	v3 =	vadd.s32 v1, v3;
	s11 =	simm.s32 $0x12800  }
0x1eb: {  	[tilespmem:s11], [sflag:$0x2] =	stream.indirect_vreg.gather [hbm4b:s5+s3], $0x80, v4, vm0, $0xb8;
	[tilespmem:$0x18180] =	vst v63  }
0x1ec: {  	s11 =	simm.s32 $0x13000  }
0x1ed: {  	[tilespmem:s11], [sflag:$0x2] =	stream.indirect_vreg.gather [hbm4b:s6+s3], $0x80, v4, vm0, $0xb8;
	[tilespmem:$0x18180] =	vst v63  }
0x1ee: {  	s11 =	simm.s32 $0x13800  }
0x1ef: {  	[tilespmem:s11], [sflag:$0x2] =	stream.indirect_vreg.gather [hbm4b:s2+s3], $0x80, v3, vm0, $0xb8;
	[tilespmem:$0x18180] =	vst v63  }
0x1f0: {  	s11 =	simm.s32 $0x14000  }
0x1f1: {  	[tilespmem:s11], [sflag:$0x2] =	stream.indirect_vreg.gather [hbm4b:s5+s3], $0x80, v3, vm0, $0xb8;
	[tilespmem:$0x18180] =	vst v63  }
0x1f2: {  	s11 =	simm.s32 $0x14800  }
0x1f3: {  	[tilespmem:s11], [sflag:$0x2] =	stream.indirect_vreg.gather [hbm4b:s6+s3], $0x80, v3, vm0, $0xb8;
	[tilespmem:$0x18180] =	vst v63  }
0x1f4: {  	v3 =	vld [tilespmem:$0x18170];
	_ =	sdelay $0x4  }
0x1f5: {  	v63 =	vshrl.u32 v3, $0x3  }
0x1f6: {  	v4 =	vmul.u32 $0x30, v63  }
0x1f7: {  	v3 =	vand.u32 $0x7, v3  }
0x1f8: {  	v3 =	vor.u32 v3, v4  }
0x1f9: {  	v4 =	vperm.xlane v3, v0;
	_ =	sdelay $0x1  }
0x1fa: {  	v4 =	vadd.s32 v1, v4;
	_ =	sdelay $0x3  }
0x1fb: {  	s11 =	simm.s32 $0x15000;
	v3 =	vperm.xlane v3, v2  }
0x1fc: {  	[tilespmem:s11], [sflag:$0x2] =	stream.indirect_vreg.gather [hbm4b:s2+s3], $0x80, v4, vm0, $0xb8;
	[tilespmem:$0x18180] =	vst v63  }
0x1fd: {  	v3 =	vadd.s32 v1, v3;
	s11 =	simm.s32 $0x15800  }
0x1fe: {  	[tilespmem:s11], [sflag:$0x2] =	stream.indirect_vreg.gather [hbm4b:s5+s3], $0x80, v4, vm0, $0xb8;
	[tilespmem:$0x18180] =	vst v63  }
0x1ff: {  	s11 =	simm.s32 $0x16000  }
0x200: {  	[tilespmem:s11], [sflag:$0x2] =	stream.indirect_vreg.gather [hbm4b:s6+s3], $0x80, v4, vm0, $0xb8;
	[tilespmem:$0x18180] =	vst v63  }
0x201: {  	s11 =	simm.s32 $0x16800  }
0x202: {  	[tilespmem:s11], [sflag:$0x2] =	stream.indirect_vreg.gather [hbm4b:s2+s3], $0x80, v3, vm0, $0xb8;
	[tilespmem:$0x18180] =	vst v63  }
0x203: {  	s11 =	simm.s32 $0x17000  }
0x204: {  	[tilespmem:s11], [sflag:$0x2] =	stream.indirect_vreg.gather [hbm4b:s5+s3], $0x80, v3, vm0, $0xb8;
	[tilespmem:$0x18180] =	vst v63  }
0x205: {  	s11 =	simm.s32 $0x17800  }
0x206: {  	[tilespmem:s11], [sflag:$0x2] =	stream.indirect_vreg.gather [hbm4b:s6+s3], $0x80, v3, vm0, $0xb8;
	[tilespmem:$0x18180] =	vst v63  }
0x207: {  	_ =	swait.ge [sflag:s1], $0xC000  }
0x208: {  	[sflag:s1] =	ssyncset.done $0x0  }
0x209: {  	s11 =	rddreg [dreg:$0x8];
	[sflag:s1] =	ssyncadd.s32 $0xFFFF4000  }
0x20a: {  	[hbm4b:s11+s3] =	stream.linear.scatter [tilespmem:s0], [sflag:$0x4], $0xC000, $0x38;
	[tilespmem:$0x18180] =	vst v63  }
0x20b: {  	p0 =	sne.s32 s7, $0x1;
	_ =	swait.ge [sflag:s8], $0xC000  }
.Ltmp0:
0x20c: {  	[sflag:s8] =	ssyncset.done $0x0;
	(pc) =	sbr.rel @p0 .LBB2_1-.Ltmp0, $4  }
0x20d: {  	[sflag:s8] =	ssyncadd.s32 $0xFFFF4000  }
0x20e: {  	_ =	swait.ge [sflag:s9], $0xC000  }
0x20f: {  	[sflag:s9] =	ssyncset.done $0x0  }
0x210: {  	s7 =	sadd.s32 $0xFFFFFFFF, s7;
	[sflag:s9] =	ssyncadd.s32 $0xFFFF4000  }
0x211: {  	_ =	sfence.sel $0x180000  }
0x212: {  	[bflag:$0x0] =	sbarrier.arrive $0xFFFF  }
0x213: {  	_ =	strace $0x90000047  }
0x214: {  	s0 =	stileid.u32;
	[bflag:$0x2] =	sbarrier.arrive $0xFFFF  }
0x215: {  	p0 =	sne.s32 s0, $0x0;
	s0 =	rddreg [dreg:$0x2]  }
0x216: {  	s0 =	sadd.s32 @!p0 $0x100000, s0  }
0x217: {  	[sflag:s0] =	ssyncadd.tile.s32 @!p0 $0x1;
	_ =	shalt  }
.Lfunc_end2:
_tile_overlayer_lowered:
.L_overlay_start_2:
0x218: {  	(tag) =	ssettag $0x2  }
0x219: {  	s0 =	rddreg [dreg:$0x0];
	s2 =	stileid.u32  }
0x21a: {  	s1 =	rddreg [dreg:$0x1];
	p0 =	sne.s32 s2, $0x0  }
0x21b: {  	s3 =	rddreg [dreg:$0x2];
	[bflag:$0x3] =	sbarrier.arrive $0xFFFF;
	s2 =	simm.s32 @!p0 $0x1C05  }
0x21c: {  	[timem:s3], [sflag:s2] =	dma.local @!p0 [hbm:s0], s1  }
0x21d: {  	s0 =	simm.s32 @!p0 $0x5  }
0x21e: {  	_ =	swait.ge @!p0 [sflag:s0], s1  }
0x21f: {  	s1 =	ssub.s32 @!p0 $0x0, s1;
	[sflag:s0] =	ssyncset.done @!p0 $0x0  }
0x220: {  	[sflag:s0] =	ssyncadd.s32 @!p0 s1  }
0x221: {  	[bflag:$0x3] =	sbarrier.arrive $0xFFFF  }
0x222: {  	_ =	shalt  }

</sc_bundles>
